<compile_context>
chip_gen: v7x
topology: tpu7x:2x2x1
jax: 0.10.2.dev20260603
libtpu: 0.0.44.dev20260713+nightly
codegen_flags: <defaults>
</compile_context>

<pallas_src>
import functools

import jax
import jax.numpy as jnp
import numpy as np
from jax import lax
from jax.experimental import pallas as pl
from jax.experimental.pallas import tpu as pltpu
from jax.experimental.pallas import tpu_sc as plsc

N = 10000
E = 320000
D = 128
H = 128
C = 10
G = 64

NW = 32
K = 128
CHUNKS = 80
IBLK = 16
NIB = CHUNKS // IBLK
EPT = CHUNKS * K
EP = NW * EPT
NP = 10240
RPT = NP // 16
BLK = 1024
NBLK = NP // BLK

_Q = np.empty((H,), np.int64)
for _k in range(H // 32):
    for _t in range(16):
        _Q[32 * _k + _t] = 32 * _k + 2 * _t
        _Q[32 * _k + 16 + _t] = 32 * _k + 2 * _t + 1
_QINV = np.argsort(_Q)

def _deg_sc_body(dst_hbm, ones_hbm, zeros_hbm, out_hbm, dst_v, ones_v, acc):
    c = lax.axis_index("c")
    s = lax.axis_index("s")
    wid = s * 2 + c
    pltpu.sync_copy(dst_hbm.at[pl.ds(wid * CHUNKS, CHUNKS)], dst_v)
    pltpu.sync_copy(ones_hbm, ones_v)
    pltpu.sync_copy(zeros_hbm, acc.at[pl.ds(s * RPT, RPT)])
    plsc.subcore_barrier()

    def body(j, carry):
        pltpu.sync_copy(ones_v, acc.at[dst_v.at[j]], add=True)
        return carry

    lax.fori_loop(0, CHUNKS, body, 0)
    plsc.subcore_barrier()
    pltpu.sync_copy(acc.at[pl.ds(s * RPT, RPT)], out_hbm.at[c, pl.ds(s * RPT, RPT)])


def _scatter_sc_body(y_hbm, src_hbm, dst_hbm, zeros_hbm, out_hbm,
                     src_v, dst_v, bf0, bf1, rowsf, acc, sem0, sem1):
    c = lax.axis_index("c")
    s = lax.axis_index("s")
    wid = s * 2 + c
    pltpu.sync_copy(src_hbm.at[pl.ds(wid * CHUNKS, CHUNKS)], src_v)
    pltpu.sync_copy(zeros_hbm, acc.at[pl.ds(s * RPT, RPT)])
    plsc.subcore_barrier()

    def unpack_rows(bf):
        shamt = jnp.full((16,), 16, jnp.int32)
        mask = jnp.full((16,), -65536, jnp.int32)

        def row(r, carry):
            for k in range(H // 32):
                v = bf[r, pl.ds(16 * k, 16)]
                lo = lax.bitcast_convert_type(lax.shift_left(v, shamt),
                                              jnp.float32)
                hi = lax.bitcast_convert_type(lax.bitwise_and(v, mask),
                                              jnp.float32)
                rowsf[r, pl.ds(32 * k, 16)] = lo
                rowsf[r, pl.ds(32 * k + 16, 16)] = hi
            return carry
        lax.fori_loop(0, K, row, 0)

    def gather(e, buf, sem):
        return pltpu.async_copy(y_hbm.at[src_v.at[e]], buf, sem)

    gather(0, bf0, sem0)

    def iblock(b, carry):
        base = wid * CHUNKS + b * IBLK
        pltpu.sync_copy(dst_hbm.at[pl.ds(base, IBLK)], dst_v)

        def pair(j, carry2):
            e = b * IBLK + 2 * j
            gather(e + 1, bf1, sem1)
            pltpu.make_async_copy(y_hbm.at[src_v.at[e]], bf0, sem0).wait()
            unpack_rows(bf0)
            pltpu.sync_copy(rowsf, acc.at[dst_v.at[2 * j]], add=True)

            @pl.when(e + 2 < CHUNKS)
            def _():
                gather(e + 2, bf0, sem0)

            pltpu.make_async_copy(y_hbm.at[src_v.at[e + 1]], bf1, sem1).wait()
            unpack_rows(bf1)
            pltpu.sync_copy(rowsf, acc.at[dst_v.at[2 * j + 1]], add=True)
            return carry2

        lax.fori_loop(0, IBLK // 2, pair, carry)
        return carry

    lax.fori_loop(0, NIB, iblock, 0)
    plsc.subcore_barrier()
    pltpu.sync_copy(acc.at[pl.ds(s * RPT, RPT)], out_hbm.at[c, pl.ds(s * RPT, RPT)])


@functools.cache
def _sc_kernels():
    mesh = plsc.VectorSubcoreMesh(core_axis_name="c", subcore_axis_name="s")
    deg = pl.kernel(
        _deg_sc_body,
        out_type=jax.ShapeDtypeStruct((2, NP, H), jnp.float32),
        mesh=mesh,
        scratch_types=[
            pltpu.VMEM((CHUNKS, K), jnp.int32),
            pltpu.VMEM((K, H), jnp.float32),
            pltpu.VMEM_SHARED((NP, H), jnp.float32),
        ],
    )
    scatter = pl.kernel(
        _scatter_sc_body,
        out_type=jax.ShapeDtypeStruct((2, NP, H), jnp.float32),
        mesh=mesh,
        compiler_params=pltpu.CompilerParams(use_tc_tiling_on_sc=False),
        scratch_types=[
            pltpu.VMEM((CHUNKS, K), jnp.int32),
            pltpu.VMEM((IBLK, K), jnp.int32),
            pltpu.VMEM((K, H // 2), jnp.int32),
            pltpu.VMEM((K, H // 2), jnp.int32),
            pltpu.VMEM((K, H), jnp.float32),
            pltpu.VMEM_SHARED((NP, H), jnp.float32),
            pltpu.SemaphoreType.DMA,
            pltpu.SemaphoreType.DMA,
        ],
    )
    return deg, scatter


def _tc1_body(x_ref, w_ref, wp_ref, p0_ref, p1_ref, y_ref, ybf_ref, dinv_ref):
    deg = p0_ref[:, 0:1] + p1_ref[:, 0:1] + 1.0
    dinv = lax.rsqrt(deg)
    xw = jnp.dot(x_ref[...], w_ref[...], preferred_element_type=jnp.float32)
    y_ref[...] = xw * dinv
    xwp = jnp.dot(x_ref[...], wp_ref[...], preferred_element_type=jnp.float32)
    ybf_ref[...] = (xwp * dinv).astype(jnp.bfloat16)
    dinv_ref[...] = jnp.broadcast_to(dinv, xw.shape)


def _tc1(xp, W, Wp, p0, p1):
    return pl.pallas_call(
        _tc1_body,
        grid=(NBLK,),
        in_specs=[
            pl.BlockSpec((BLK, D), lambda i: (i, 0)),
            pl.BlockSpec((D, H), lambda i: (0, 0)),
            pl.BlockSpec((D, H), lambda i: (0, 0)),
            pl.BlockSpec((BLK, H), lambda i: (i, 0)),
            pl.BlockSpec((BLK, H), lambda i: (i, 0)),
        ],
        out_specs=[
            pl.BlockSpec((BLK, H), lambda i: (i, 0)),
            pl.BlockSpec((BLK, H), lambda i: (i, 0)),
            pl.BlockSpec((BLK, H), lambda i: (i, 0)),
        ],
        out_shape=[
            jax.ShapeDtypeStruct((NP, H), jnp.float32),
            jax.ShapeDtypeStruct((NP, H), jnp.bfloat16),
            jax.ShapeDtypeStruct((NP, H), jnp.float32),
        ],
    )(xp, W, Wp, p0, p1)


def _tc2_body(z0_ref, z1_ref, yp_ref, dinv_ref, b_ref, g_ref, be_ref, w_ref,
              wp_ref, yn_ref, ynbf_ref):
    z = z0_ref[...] + z1_ref[...] + yp_ref[...]
    out = z * dinv_ref[...] + b_ref[...]
    h = jnp.maximum(out, 0.0)
    mu = jnp.mean(h, axis=-1, keepdims=True)
    d = h - mu
    var = jnp.mean(d * d, axis=-1, keepdims=True)
    hn = d * lax.rsqrt(var + 1e-5) * g_ref[...] + be_ref[...]
    yn_ref[...] = jnp.dot(hn, w_ref[...], preferred_element_type=jnp.float32) * dinv_ref[...]
    ynbf_ref[...] = (jnp.dot(hn, wp_ref[...], preferred_element_type=jnp.float32)
                     * dinv_ref[...]).astype(jnp.bfloat16)


def _tc2(z0, z1, yp, dinv, b, g, be, Wn, Wnp):
    row = pl.BlockSpec((BLK, H), lambda i: (i, 0))
    vec = pl.BlockSpec((1, H), lambda i: (0, 0))
    mat = pl.BlockSpec((H, H), lambda i: (0, 0))
    return pl.pallas_call(
        _tc2_body,
        grid=(NBLK,),
        in_specs=[row, row, row, row, vec, vec, vec, mat, mat],
        out_specs=[row, row],
        out_shape=[jax.ShapeDtypeStruct((NP, H), jnp.float32),
                   jax.ShapeDtypeStruct((NP, H), jnp.bfloat16)],
    )(z0, z1, yp, dinv, b.reshape(1, H), g.reshape(1, H), be.reshape(1, H),
      Wn, Wnp)


def _tc3_body(z0_ref, z1_ref, yp_ref, dinv_ref, b_ref, batch_ref, wc_ref, bc_ref,
              emb_ref, logp_ref, sums, cnt):
    i = pl.program_id(0)

    @pl.when(i == 0)
    def _():
        sums[...] = jnp.zeros_like(sums)
        cnt[...] = jnp.zeros_like(cnt)

    z = z0_ref[...] + z1_ref[...] + yp_ref[...]
    out3 = z * dinv_ref[...] + b_ref[...]
    ids = batch_ref[...].reshape(1, BLK)
    gid = lax.broadcasted_iota(jnp.int32, (G, BLK), 0)
    oht = (gid == ids).astype(jnp.float32)
    sums[...] += jnp.dot(oht, out3, preferred_element_type=jnp.float32)
    cnt[...] += jnp.broadcast_to(jnp.sum(oht, axis=1, keepdims=True), (G, H))

    @pl.when(i == NBLK - 1)
    def _():
        pooled = sums[...] / jnp.maximum(cnt[...], 1.0)
        emb = jnp.dot(pooled, wc_ref[...], preferred_element_type=jnp.float32) + bc_ref[...]
        mask = lax.broadcasted_iota(jnp.int32, (G, H), 1) < C
        m = jnp.max(jnp.where(mask, emb, -jnp.inf), axis=-1, keepdims=True)
        ssum = jnp.sum(jnp.where(mask, jnp.exp(emb - m), 0.0), axis=-1, keepdims=True)
        logp = emb - m - jnp.log(ssum)
        emb_ref[...] = emb[:, :C]
        logp_ref[...] = logp[:, :C]


def _tc3(z0, z1, yp, dinv, b, batch3d, Wcp, bcp):
    row = pl.BlockSpec((BLK, H), lambda i: (i, 0))
    return pl.pallas_call(
        _tc3_body,
        grid=(NBLK,),
        in_specs=[row, row, row, row,
                  pl.BlockSpec((1, H), lambda i: (0, 0)),
                  pl.BlockSpec((1, 1, BLK), lambda i: (i, 0, 0)),
                  pl.BlockSpec((H, H), lambda i: (0, 0)),
                  pl.BlockSpec((1, H), lambda i: (0, 0))],
        out_specs=[pl.BlockSpec((G, C), lambda i: (0, 0)),
                   pl.BlockSpec((G, C), lambda i: (0, 0))],
        out_shape=[jax.ShapeDtypeStruct((G, C), jnp.float32),
                   jax.ShapeDtypeStruct((G, C), jnp.float32)],
        scratch_shapes=[pltpu.VMEM((G, H), jnp.float32),
                        pltpu.VMEM((G, H), jnp.float32)],
    )(z0, z1, yp, dinv, b, batch3d, Wcp, bcp)


def kernel(x, edge_index, batch, W1, b1, g1, be1, W2, b2, g2, be2, W3, b3, Wc, bc):
    pad = EP - E
    srcp = jnp.concatenate([edge_index[0], jnp.zeros((pad,), jnp.int32)])
    dstp = jnp.concatenate([edge_index[1], jnp.full((pad,), N, jnp.int32)])
    src2d = srcp.reshape(NW * CHUNKS, K)
    dst2d = dstp.reshape(NW * CHUNKS, K)
    xp = jnp.zeros((NP, D), jnp.float32).at[:N].set(x)
    batch3d = jnp.concatenate(
        [batch, jnp.full((NP - N,), G, jnp.int32)]).reshape(NBLK, 1, BLK)
    ones_h = jnp.ones((K, H), jnp.float32)
    zeros_h = jnp.zeros((RPT, H), jnp.float32)
    Wcp = jnp.zeros((H, H), jnp.float32).at[:, :C].set(Wc)
    bcp = jnp.zeros((1, H), jnp.float32).at[0, :C].set(bc)

    W1p = W1[:, _QINV]
    W2p = W2[:, _QINV]
    W3p = W3[:, _QINV]
    def _pack(ybf):
        return lax.bitcast_convert_type(
            ybf.reshape(NP, H // 2, 2), jnp.int32)

    deg_sc, scatter_sc = _sc_kernels()
    degp = deg_sc(dst2d, ones_h, zeros_h)
    y1, y1bf, dinv = _tc1(xp, W1, W1p, degp[0], degp[1])
    zz = scatter_sc(_pack(y1bf), src2d, dst2d, zeros_h)
    y2, y2bf = _tc2(zz[0], zz[1], y1, dinv, b1, g1, be1, W2, W2p)
    zz = scatter_sc(_pack(y2bf), src2d, dst2d, zeros_h)
    y3, y3bf = _tc2(zz[0], zz[1], y2, dinv, b2, g2, be2, W3, W3p)
    zz = scatter_sc(_pack(y3bf), src2d, dst2d, zeros_h)
    b3r = b3.reshape(1, H)
    emb, logp = _tc3(zz[0], zz[1], y3, dinv, b3r, batch3d, Wcp, bcp)
    return (emb, logp)

# --- scband reference (transcript-rebuilt; emitter-appended) ---
"""Pipeline reference for scband-gnn-30202210025647 (READ-ONLY COPY).

The authoritative reference and input builder live on the scoring server;
editing this copy changes nothing except your own understanding.
"""

import jax, jax.numpy as jnp
import numpy as np

N = 10000
E = 320000
D = 128
H = 128
C = 10
G = 64


def _layer_norm(x, g, b, eps=1e-5):
    mu = jnp.mean(x, axis=-1, keepdims=True)
    var = jnp.var(x, axis=-1, keepdims=True)
    return (x - mu) / jnp.sqrt(var + eps) * g + b


def _gcn_conv(x, src, dst, W, b):
    # PyG GCNConv with add_self_loops already applied to (src, dst):
    # x' = W x; out_i = sum_j norm_ij * x'_j ; norm = d^-1/2[src] * d^-1/2[dst]
    n = x.shape[0]
    xw = x @ W
    ones = jnp.ones(src.shape[0], dtype=xw.dtype)
    deg = jnp.zeros(n, dtype=xw.dtype).at[dst].add(ones)
    dinv = jnp.where(deg > 0, 1.0 / jnp.sqrt(jnp.maximum(deg, 1e-12)), 0.0)
    norm = dinv[src] * dinv[dst]
    out = jnp.zeros((n, W.shape[1]), dtype=xw.dtype).at[dst].add(norm[:, None] * xw[src])
    return out + b


def setup_inputs(seed: int = 0):
    key = jax.random.key(seed)
    ks = jax.random.split(key, 16)
    x = jax.random.normal(ks[0], (N, D), dtype=jnp.float32)
    edge_index = jax.random.randint(ks[1], (2, E), 0, N, dtype=jnp.int32)
    batch = jnp.sort(jax.random.randint(ks[2], (N,), 0, G, dtype=jnp.int32))
    s1 = 1.0 / np.sqrt(D)
    s2 = 1.0 / np.sqrt(H)
    return {
        "x": x,
        "edge_index": edge_index,
        "batch": batch,
        "W1": jax.random.normal(ks[3], (D, H), dtype=jnp.float32) * s1,
        "b1": jnp.zeros((H,), dtype=jnp.float32),
        "g1": jnp.ones((H,), dtype=jnp.float32),
        "be1": jnp.zeros((H,), dtype=jnp.float32),
        "W2": jax.random.normal(ks[4], (H, H), dtype=jnp.float32) * s2,
        "b2": jnp.zeros((H,), dtype=jnp.float32),
        "g2": jnp.ones((H,), dtype=jnp.float32),
        "be2": jnp.zeros((H,), dtype=jnp.float32),
        "W3": jax.random.normal(ks[5], (H, H), dtype=jnp.float32) * s2,
        "b3": jnp.zeros((H,), dtype=jnp.float32),
        "Wc": jax.random.normal(ks[6], (H, C), dtype=jnp.float32) * s2,
        "bc": jnp.zeros((C,), dtype=jnp.float32),
    }


def reference(x, edge_index, batch, W1, b1, g1, be1, W2, b2, g2, be2, W3, b3, Wc, bc):
    # alpha = 0 -> no rewiring, edge_weight = None; model = 'gcn'; dropout p = 0.0
    loops = jnp.arange(N, dtype=edge_index.dtype)
    src = jnp.concatenate([edge_index[0], loops])
    dst = jnp.concatenate([edge_index[1], loops])

    h = _gcn_conv(x, src, dst, W1, b1)
    h = jax.nn.relu(h)
    h = _layer_norm(h, g1, be1)

    h = _gcn_conv(h, src, dst, W2, b2)
    h = jax.nn.relu(h)
    h = _layer_norm(h, g2, be2)

    h = _gcn_conv(h, src, dst, W3, b3)

    # global_mean_pool over batch ids
    sums = jnp.zeros((G, H), dtype=h.dtype).at[batch].add(h)
    cnt = jnp.zeros((G,), dtype=h.dtype).at[batch].add(jnp.ones((N,), dtype=h.dtype))
    pooled = sums / jnp.maximum(cnt, 1.0)[:, None]

    emb = pooled @ Wc + bc
    logp = jax.nn.log_softmax(emb, axis=1)
    return (emb, logp)

if __name__ == "__main__":
    import jax
    _d = setup_inputs()
    print(jax.jit(kernel)(*tuple(_d.values())))

</pallas_src>

<mosaic_0001>
#map = affine_map<(d0, d1) -> (0, 0)>
#map1 = affine_map<(d0, d1) -> (0, 0, 0)>
module attributes {stable_mosaic.version = 14 : i64} {
  func.func @_scatter_sc_body(%arg0: i32, %arg1: i32, %arg2: memref<10240x64xi32, #tpu.memory_space<hbm>>, %arg3: memref<2560x128xi32, #tpu.memory_space<hbm>>, %arg4: memref<2560x128xi32, #tpu.memory_space<hbm>>, %arg5: memref<640x128xf32, #tpu.memory_space<hbm>>, %arg6: memref<2x10240x128xf32, #tpu.memory_space<hbm>>, %arg7: memref<80x128xi32, #tpu.memory_space<vmem>>, %arg8: memref<16x128xi32, #tpu.memory_space<vmem>>, %arg9: memref<128x64xi32, #tpu.memory_space<vmem>>, %arg10: memref<128x64xi32, #tpu.memory_space<vmem>>, %arg11: memref<128x128xf32, #tpu.memory_space<vmem>>, %arg12: memref<10240x128xf32, #tpu.memory_space<vmem_shared>>, %arg13: memref<!tpu.dma_semaphore, #tpu.memory_space<semaphore_mem>>, %arg14: memref<!tpu.dma_semaphore, #tpu.memory_space<semaphore_mem>>) attributes {dimension_semantics = [#tpu.dimension_semantics<core_parallel>, #tpu.dimension_semantics<subcore_parallel>], iteration_bounds = array<i64: 2, 16>, scalar_prefetch = 0 : i64, scratch_operands = 8 : i64, tpu.core_type = #tpu.core_type<sc_vector_subcore>, window_params = [{transform_indices = #map}, {transform_indices = #map}, {transform_indices = #map}, {transform_indices = #map}, {transform_indices = #map1}]} {
    %mul3A = arith.constant 2 : i32
    %mul3A_0 = arith.muli %arg1, %mul3A : i32
    %add3A = arith.addi %mul3A_0, %arg0 : i32
    %mul3A_1 = arith.constant 80 : i32
    %mul3A_2 = arith.muli %add3A, %mul3A_1 : i32
    "tpu.region"() ({
      %run_scoped3A = tpu.sem_alloc : memref<!tpu.dma_semaphore, #tpu.memory_space<semaphore_mem>>
      %dma_start3A_21 = arith.constant 0 : i32
      %dma_start3A_22 = tpu.memref_slice %arg3[%mul3A_2, %dma_start3A_21] : memref<2560x128xi32, #tpu.memory_space<hbm>> -> memref<80x128xi32, #tpu.memory_space<hbm>>
      %dma_start3A_23 = arith.constant 0 : i32
      %dma_start3A_24 = tpu.memref_slice %arg3[%mul3A_2, %dma_start3A_23] : memref<2560x128xi32, #tpu.memory_space<hbm>> -> memref<80x128xi32, #tpu.memory_space<hbm>>
      tpu.enqueue_dma source(%dma_start3A_24 : memref<80x128xi32, #tpu.memory_space<hbm>>) target(%arg7 : memref<80x128xi32, #tpu.memory_space<vmem>>) target_semaphore(%run_scoped3A : memref<!tpu.dma_semaphore, #tpu.memory_space<semaphore_mem>>)
      %dma_wait3A = arith.constant 0 : i32
      %dma_wait3A_25 = tpu.memref_slice %arg3[%mul3A_2, %dma_wait3A] : memref<2560x128xi32, #tpu.memory_space<hbm>> -> memref<80x128xi32, #tpu.memory_space<hbm>>
      %dma_wait3A_26 = arith.constant 0 : i32
      %dma_wait3A_27 = tpu.memref_slice %arg3[%mul3A_2, %dma_wait3A_26] : memref<2560x128xi32, #tpu.memory_space<hbm>> -> memref<80x128xi32, #tpu.memory_space<hbm>>
      tpu.wait_dma2 semaphore(%run_scoped3A : memref<!tpu.dma_semaphore, #tpu.memory_space<semaphore_mem>>) src(%dma_wait3A_27 : memref<80x128xi32, #tpu.memory_space<hbm>>) dst(%arg7 : memref<80x128xi32, #tpu.memory_space<vmem>>)
      tpu.yield
    }) : () -> ()
    %mul3A_3 = arith.constant 640 : i32
    %mul3A_4 = arith.muli %arg1, %mul3A_3 : i32
    "tpu.region"() ({
      %run_scoped3A = tpu.sem_alloc : memref<!tpu.dma_semaphore, #tpu.memory_space<semaphore_mem>>
      %dma_start3A_21 = arith.constant 0 : i32
      %dma_start3A_22 = tpu.memref_slice %arg12[%mul3A_4, %dma_start3A_21] : memref<10240x128xf32, #tpu.memory_space<vmem_shared>> -> memref<640x128xf32, #tpu.memory_space<vmem_shared>>
      tpu.enqueue_dma source(%arg5 : memref<640x128xf32, #tpu.memory_space<hbm>>) target(%dma_start3A_22 : memref<640x128xf32, #tpu.memory_space<vmem_shared>>) target_semaphore(%run_scoped3A : memref<!tpu.dma_semaphore, #tpu.memory_space<semaphore_mem>>)
      %dma_wait3A = arith.constant 0 : i32
      %dma_wait3A_23 = tpu.memref_slice %arg12[%mul3A_4, %dma_wait3A] : memref<10240x128xf32, #tpu.memory_space<vmem_shared>> -> memref<640x128xf32, #tpu.memory_space<vmem_shared>>
      tpu.wait_dma2 semaphore(%run_scoped3A : memref<!tpu.dma_semaphore, #tpu.memory_space<semaphore_mem>>) src(%arg5 : memref<640x128xf32, #tpu.memory_space<hbm>>) dst(%dma_wait3A_23 : memref<640x128xf32, #tpu.memory_space<vmem_shared>>)
      tpu.yield
    }) : () -> ()
    %barrier3A = arith.constant 0 : index
    tpu.barrier barrier_id(%barrier3A)
    %dma_start3A = arith.constant 0 : i32
    %dma_start3A_5 = arith.constant 0 : i32
    %dma_start3A_6 = tpu.memref_slice %arg7[%dma_start3A, %dma_start3A_5] : memref<80x128xi32, #tpu.memory_space<vmem>> -> memref<1x128xi32, #tpu.memory_space<vmem>>
    %dma_start3A_7 = tpu.memref_squeeze %dma_start3A_6 : memref<1x128xi32, #tpu.memory_space<vmem>> -> memref<128xi32, #tpu.memory_space<vmem>>
    %dma_start3A_8 = arith.constant 0 : i32
    %dma_start3A_9 = arith.constant 0 : i32
    %dma_start3A_10 = tpu.memref_slice %arg2[%dma_start3A_8, %dma_start3A_9] : memref<10240x64xi32, #tpu.memory_space<hbm>> -> memref<10240x64xi32, #tpu.memory_space<hbm>>
    tpu.enqueue_indirect_dma source(%dma_start3A_10 : memref<10240x64xi32, #tpu.memory_space<hbm>>) target(%arg9 : memref<128x64xi32, #tpu.memory_space<vmem>>) offsets(%dma_start3A_7 : memref<128xi32, #tpu.memory_space<vmem>>) semaphore(%arg13 : memref<!tpu.dma_semaphore, #tpu.memory_space<semaphore_mem>>)
    %scan3A = arith.constant 0 : i32
    %scan3A_11 = arith.constant 0 : i32
    %scan3A_12 = arith.constant 5 : i32
    %scan3A_13 = arith.addi %scan3A_11, %scan3A_12 : i32
    %scan3A_14 = arith.constant 1 : i32
    scf.for %scan3A_21 = %scan3A_11 to %scan3A_13 step %scan3A_14  : i32 {
      %mul3A_22 = arith.constant 80 : i32
      %mul3A_23 = arith.muli %add3A, %mul3A_22 : i32
      %mul3A_24 = arith.constant 16 : i32
      %mul3A_25 = arith.muli %scan3A_21, %mul3A_24 : i32
      %add3A_26 = arith.addi %mul3A_23, %mul3A_25 : i32
      "tpu.region"() ({
        %run_scoped3A = tpu.sem_alloc : memref<!tpu.dma_semaphore, #tpu.memory_space<semaphore_mem>>
        %dma_start3A_32 = arith.constant 0 : i32
        %dma_start3A_33 = tpu.memref_slice %arg4[%add3A_26, %dma_start3A_32] : memref<2560x128xi32, #tpu.memory_space<hbm>> -> memref<16x128xi32, #tpu.memory_space<hbm>>
        %dma_start3A_34 = arith.constant 0 : i32
        %dma_start3A_35 = tpu.memref_slice %arg4[%add3A_26, %dma_start3A_34] : memref<2560x128xi32, #tpu.memory_space<hbm>> -> memref<16x128xi32, #tpu.memory_space<hbm>>
        tpu.enqueue_dma source(%dma_start3A_35 : memref<16x128xi32, #tpu.memory_space<hbm>>) target(%arg8 : memref<16x128xi32, #tpu.memory_space<vmem>>) target_semaphore(%run_scoped3A : memref<!tpu.dma_semaphore, #tpu.memory_space<semaphore_mem>>)
        %dma_wait3A = arith.constant 0 : i32
        %dma_wait3A_36 = tpu.memref_slice %arg4[%add3A_26, %dma_wait3A] : memref<2560x128xi32, #tpu.memory_space<hbm>> -> memref<16x128xi32, #tpu.memory_space<hbm>>
        %dma_wait3A_37 = arith.constant 0 : i32
        %dma_wait3A_38 = tpu.memref_slice %arg4[%add3A_26, %dma_wait3A_37] : memref<2560x128xi32, #tpu.memory_space<hbm>> -> memref<16x128xi32, #tpu.memory_space<hbm>>
        tpu.wait_dma2 semaphore(%run_scoped3A : memref<!tpu.dma_semaphore, #tpu.memory_space<semaphore_mem>>) src(%dma_wait3A_38 : memref<16x128xi32, #tpu.memory_space<hbm>>) dst(%arg8 : memref<16x128xi32, #tpu.memory_space<vmem>>)
        tpu.yield
      }) : () -> ()
      %scan3A_27 = arith.constant 0 : i32
      %scan3A_28 = arith.constant 8 : i32
      %scan3A_29 = arith.addi %scan3A_27, %scan3A_28 : i32
      %scan3A_30 = arith.constant 1 : i32
      scf.for %scan3A_32 = %scan3A_27 to %scan3A_29 step %scan3A_30  : i32 {
        %mul3A_33 = arith.constant 16 : i32
        %mul3A_34 = arith.muli %scan3A_21, %mul3A_33 : i32
        %mul3A_35 = arith.constant 2 : i32
        %mul3A_36 = arith.muli %mul3A_35, %scan3A_32 : i32
        %add3A_37 = arith.addi %mul3A_34, %mul3A_36 : i32
        %add3A_38 = arith.constant 1 : i32
        %add3A_39 = arith.addi %add3A_37, %add3A_38 : i32
        %dma_start3A_40 = arith.constant 0 : i32
        %dma_start3A_41 = tpu.memref_slice %arg7[%add3A_39, %dma_start3A_40] : memref<80x128xi32, #tpu.memory_space<vmem>> -> memref<1x128xi32, #tpu.memory_space<vmem>>
        %dma_start3A_42 = tpu.memref_squeeze %dma_start3A_41 : memref<1x128xi32, #tpu.memory_space<vmem>> -> memref<128xi32, #tpu.memory_space<vmem>>
        %dma_start3A_43 = arith.constant 0 : i32
        %dma_start3A_44 = arith.constant 0 : i32
        %dma_start3A_45 = tpu.memref_slice %arg2[%dma_start3A_43, %dma_start3A_44] : memref<10240x64xi32, #tpu.memory_space<hbm>> -> memref<10240x64xi32, #tpu.memory_space<hbm>>
        tpu.enqueue_indirect_dma source(%dma_start3A_45 : memref<10240x64xi32, #tpu.memory_space<hbm>>) target(%arg10 : memref<128x64xi32, #tpu.memory_space<vmem>>) offsets(%dma_start3A_42 : memref<128xi32, #tpu.memory_space<vmem>>) semaphore(%arg14 : memref<!tpu.dma_semaphore, #tpu.memory_space<semaphore_mem>>)
        %dma_wait3A = arith.constant 0 : i32
        %dma_wait3A_46 = tpu.memref_slice %arg7[%add3A_37, %dma_wait3A] : memref<80x128xi32, #tpu.memory_space<vmem>> -> memref<1x128xi32, #tpu.memory_space<vmem>>
        %dma_wait3A_47 = tpu.memref_squeeze %dma_wait3A_46 : memref<1x128xi32, #tpu.memory_space<vmem>> -> memref<128xi32, #tpu.memory_space<vmem>>
        %dma_wait3A_48 = arith.constant 0 : i32
        %dma_wait3A_49 = arith.constant 0 : i32
        %dma_wait3A_50 = tpu.memref_slice %arg2[%dma_wait3A_48, %dma_wait3A_49] : memref<10240x64xi32, #tpu.memory_space<hbm>> -> memref<10240x64xi32, #tpu.memory_space<hbm>>
        tpu.wait_indirect_dma semaphore(%arg13 : memref<!tpu.dma_semaphore, #tpu.memory_space<semaphore_mem>>) src(%dma_wait3A_50 : memref<10240x64xi32, #tpu.memory_space<hbm>>) dst(%arg9 : memref<128x64xi32, #tpu.memory_space<vmem>>)
        %broadcast_in_dim3A = arith.constant 16 : i32
        %broadcast_in_dim3A_51 = vector.broadcast %broadcast_in_dim3A : i32 to vector<16xi32>
        %broadcast_in_dim3A_52 = arith.constant -65536 : i32
        %broadcast_in_dim3A_53 = vector.broadcast %broadcast_in_dim3A_52 : i32 to vector<16xi32>
        %scan3A_54 = arith.constant 0 : i32
        %scan3A_55 = arith.constant 0 : i32
        %scan3A_56 = arith.constant 128 : i32
        %scan3A_57 = arith.addi %scan3A_55, %scan3A_56 : i32
        %scan3A_58 = arith.constant 1 : i32
        scf.for %scan3A_88 = %scan3A_55 to %scan3A_57 step %scan3A_58  : i32 {
          %get3A = arith.index_cast %scan3A_88 : i32 to index
          %get3A_89 = arith.constant 0 : index
          %get3A_90 = tpu.vector_load %arg9[%get3A, %get3A_89] {strides = array<i32>} : memref<128x64xi32, #tpu.memory_space<vmem>>, vector<1x16xi32>,
          %get3A_91 = vector.shape_cast %get3A_90 : vector<1x16xi32> to vector<16xi32>
          %shift_left3A = arith.shli %get3A_91, %broadcast_in_dim3A_51 : vector<16xi32>
          %bitcast_convert_type3A = tpu.bitcast %shift_left3A : vector<16xi32> -> vector<16xf32>
          %and3A = arith.andi %get3A_91, %broadcast_in_dim3A_53 : vector<16xi32>
          %bitcast_convert_type3A_92 = tpu.bitcast %and3A : vector<16xi32> -> vector<16xf32>
          %swap3A = arith.index_cast %scan3A_88 : i32 to index
          %swap3A_93 = arith.constant 0 : index
          %swap3A_94 = tpu.vector_load %arg11[%swap3A, %swap3A_93] {strides = array<i32>} : memref<128x128xf32, #tpu.memory_space<vmem>>, vector<1x16xf32>,
          %swap3A_95 = vector.shape_cast %swap3A_94 : vector<1x16xf32> to vector<16xf32>
          %swap3A_96 = vector.shape_cast %bitcast_convert_type3A : vector<16xf32> to vector<1x16xf32>
          tpu.vector_store %arg11[%swap3A, %swap3A_93], %swap3A_96 {strides = array<i32>} : memref<128x128xf32, #tpu.memory_space<vmem>>, vector<1x16xf32>,
          %swap3A_97 = arith.index_cast %scan3A_88 : i32 to index
          %swap3A_98 = arith.constant 16 : index
          %swap3A_99 = tpu.vector_load %arg11[%swap3A_97, %swap3A_98] {strides = array<i32>} : memref<128x128xf32, #tpu.memory_space<vmem>>, vector<1x16xf32>,
          %swap3A_100 = vector.shape_cast %swap3A_99 : vector<1x16xf32> to vector<16xf32>
          %swap3A_101 = vector.shape_cast %bitcast_convert_type3A_92 : vector<16xf32> to vector<1x16xf32>
          tpu.vector_store %arg11[%swap3A_97, %swap3A_98], %swap3A_101 {strides = array<i32>} : memref<128x128xf32, #tpu.memory_space<vmem>>, vector<1x16xf32>,
          %get3A_102 = arith.index_cast %scan3A_88 : i32 to index
          %get3A_103 = arith.constant 16 : index
          %get3A_104 = tpu.vector_load %arg9[%get3A_102, %get3A_103] {strides = array<i32>} : memref<128x64xi32, #tpu.memory_space<vmem>>, vector<1x16xi32>,
          %get3A_105 = vector.shape_cast %get3A_104 : vector<1x16xi32> to vector<16xi32>
          %shift_left3A_106 = arith.shli %get3A_105, %broadcast_in_dim3A_51 : vector<16xi32>
          %bitcast_convert_type3A_107 = tpu.bitcast %shift_left3A_106 : vector<16xi32> -> vector<16xf32>
          %and3A_108 = arith.andi %get3A_105, %broadcast_in_dim3A_53 : vector<16xi32>
          %bitcast_convert_type3A_109 = tpu.bitcast %and3A_108 : vector<16xi32> -> vector<16xf32>
          %swap3A_110 = arith.index_cast %scan3A_88 : i32 to index
          %swap3A_111 = arith.constant 32 : index
          %swap3A_112 = tpu.vector_load %arg11[%swap3A_110, %swap3A_111] {strides = array<i32>} : memref<128x128xf32, #tpu.memory_space<vmem>>, vector<1x16xf32>,
          %swap3A_113 = vector.shape_cast %swap3A_112 : vector<1x16xf32> to vector<16xf32>
          %swap3A_114 = vector.shape_cast %bitcast_convert_type3A_107 : vector<16xf32> to vector<1x16xf32>
          tpu.vector_store %arg11[%swap3A_110, %swap3A_111], %swap3A_114 {strides = array<i32>} : memref<128x128xf32, #tpu.memory_space<vmem>>, vector<1x16xf32>,
          %swap3A_115 = arith.index_cast %scan3A_88 : i32 to index
          %swap3A_116 = arith.constant 48 : index
          %swap3A_117 = tpu.vector_load %arg11[%swap3A_115, %swap3A_116] {strides = array<i32>} : memref<128x128xf32, #tpu.memory_space<vmem>>, vector<1x16xf32>,
          %swap3A_118 = vector.shape_cast %swap3A_117 : vector<1x16xf32> to vector<16xf32>
          %swap3A_119 = vector.shape_cast %bitcast_convert_type3A_109 : vector<16xf32> to vector<1x16xf32>
          tpu.vector_store %arg11[%swap3A_115, %swap3A_116], %swap3A_119 {strides = array<i32>} : memref<128x128xf32, #tpu.memory_space<vmem>>, vector<1x16xf32>,
          %get3A_120 = arith.index_cast %scan3A_88 : i32 to index
          %get3A_121 = arith.constant 32 : index
          %get3A_122 = tpu.vector_load %arg9[%get3A_120, %get3A_121] {strides = array<i32>} : memref<128x64xi32, #tpu.memory_space<vmem>>, vector<1x16xi32>,
          %get3A_123 = vector.shape_cast %get3A_122 : vector<1x16xi32> to vector<16xi32>
          %shift_left3A_124 = arith.shli %get3A_123, %broadcast_in_dim3A_51 : vector<16xi32>
          %bitcast_convert_type3A_125 = tpu.bitcast %shift_left3A_124 : vector<16xi32> -> vector<16xf32>
          %and3A_126 = arith.andi %get3A_123, %broadcast_in_dim3A_53 : vector<16xi32>
          %bitcast_convert_type3A_127 = tpu.bitcast %and3A_126 : vector<16xi32> -> vector<16xf32>
          %swap3A_128 = arith.index_cast %scan3A_88 : i32 to index
          %swap3A_129 = arith.constant 64 : index
          %swap3A_130 = tpu.vector_load %arg11[%swap3A_128, %swap3A_129] {strides = array<i32>} : memref<128x128xf32, #tpu.memory_space<vmem>>, vector<1x16xf32>,
          %swap3A_131 = vector.shape_cast %swap3A_130 : vector<1x16xf32> to vector<16xf32>
          %swap3A_132 = vector.shape_cast %bitcast_convert_type3A_125 : vector<16xf32> to vector<1x16xf32>
          tpu.vector_store %arg11[%swap3A_128, %swap3A_129], %swap3A_132 {strides = array<i32>} : memref<128x128xf32, #tpu.memory_space<vmem>>, vector<1x16xf32>,
          %swap3A_133 = arith.index_cast %scan3A_88 : i32 to index
          %swap3A_134 = arith.constant 80 : index
          %swap3A_135 = tpu.vector_load %arg11[%swap3A_133, %swap3A_134] {strides = array<i32>} : memref<128x128xf32, #tpu.memory_space<vmem>>, vector<1x16xf32>,
          %swap3A_136 = vector.shape_cast %swap3A_135 : vector<1x16xf32> to vector<16xf32>
          %swap3A_137 = vector.shape_cast %bitcast_convert_type3A_127 : vector<16xf32> to vector<1x16xf32>
          tpu.vector_store %arg11[%swap3A_133, %swap3A_134], %swap3A_137 {strides = array<i32>} : memref<128x128xf32, #tpu.memory_space<vmem>>, vector<1x16xf32>,
          %get3A_138 = arith.index_cast %scan3A_88 : i32 to index
          %get3A_139 = arith.constant 48 : index
          %get3A_140 = tpu.vector_load %arg9[%get3A_138, %get3A_139] {strides = array<i32>} : memref<128x64xi32, #tpu.memory_space<vmem>>, vector<1x16xi32>,
          %get3A_141 = vector.shape_cast %get3A_140 : vector<1x16xi32> to vector<16xi32>
          %shift_left3A_142 = arith.shli %get3A_141, %broadcast_in_dim3A_51 : vector<16xi32>
          %bitcast_convert_type3A_143 = tpu.bitcast %shift_left3A_142 : vector<16xi32> -> vector<16xf32>
          %and3A_144 = arith.andi %get3A_141, %broadcast_in_dim3A_53 : vector<16xi32>
          %bitcast_convert_type3A_145 = tpu.bitcast %and3A_144 : vector<16xi32> -> vector<16xf32>
          %swap3A_146 = arith.index_cast %scan3A_88 : i32 to index
          %swap3A_147 = arith.constant 96 : index
          %swap3A_148 = tpu.vector_load %arg11[%swap3A_146, %swap3A_147] {strides = array<i32>} : memref<128x128xf32, #tpu.memory_space<vmem>>, vector<1x16xf32>,
          %swap3A_149 = vector.shape_cast %swap3A_148 : vector<1x16xf32> to vector<16xf32>
          %swap3A_150 = vector.shape_cast %bitcast_convert_type3A_143 : vector<16xf32> to vector<1x16xf32>
          tpu.vector_store %arg11[%swap3A_146, %swap3A_147], %swap3A_150 {strides = array<i32>} : memref<128x128xf32, #tpu.memory_space<vmem>>, vector<1x16xf32>,
          %swap3A_151 = arith.index_cast %scan3A_88 : i32 to index
          %swap3A_152 = arith.constant 112 : index
          %swap3A_153 = tpu.vector_load %arg11[%swap3A_151, %swap3A_152] {strides = array<i32>} : memref<128x128xf32, #tpu.memory_space<vmem>>, vector<1x16xf32>,
          %swap3A_154 = vector.shape_cast %swap3A_153 : vector<1x16xf32> to vector<16xf32>
          %swap3A_155 = vector.shape_cast %bitcast_convert_type3A_145 : vector<16xf32> to vector<1x16xf32>
          tpu.vector_store %arg11[%swap3A_151, %swap3A_152], %swap3A_155 {strides = array<i32>} : memref<128x128xf32, #tpu.memory_space<vmem>>, vector<1x16xf32>,
        }
        %scan3A_59 = arith.constant 128 : i32
        %mul3A_60 = arith.constant 2 : i32
        %mul3A_61 = arith.muli %mul3A_60, %scan3A_32 : i32
        "tpu.region"() ({
          %run_scoped3A = tpu.sem_alloc : memref<!tpu.dma_semaphore, #tpu.memory_space<semaphore_mem>>
          %dma_start3A_88 = arith.constant 0 : i32
          %dma_start3A_89 = tpu.memref_slice %arg8[%mul3A_61, %dma_start3A_88] : memref<16x128xi32, #tpu.memory_space<vmem>> -> memref<1x128xi32, #tpu.memory_space<vmem>>
          %dma_start3A_90 = tpu.memref_squeeze %dma_start3A_89 : memref<1x128xi32, #tpu.memory_space<vmem>> -> memref<128xi32, #tpu.memory_space<vmem>>
          %dma_start3A_91 = arith.constant 0 : i32
          %dma_start3A_92 = arith.constant 0 : i32
          %dma_start3A_93 = tpu.memref_slice %arg12[%dma_start3A_91, %dma_start3A_92] : memref<10240x128xf32, #tpu.memory_space<vmem_shared>> -> memref<10240x128xf32, #tpu.memory_space<vmem_shared>>
          tpu.enqueue_indirect_dma source(%arg11 : memref<128x128xf32, #tpu.memory_space<vmem>>) target(%dma_start3A_93 : memref<10240x128xf32, #tpu.memory_space<vmem_shared>>) offsets(%dma_start3A_90 : memref<128xi32, #tpu.memory_space<vmem>>) semaphore(%run_scoped3A : memref<!tpu.dma_semaphore, #tpu.memory_space<semaphore_mem>>) {add = true}
          %dma_wait3A_94 = arith.constant 0 : i32
          %dma_wait3A_95 = tpu.memref_slice %arg8[%mul3A_61, %dma_wait3A_94] : memref<16x128xi32, #tpu.memory_space<vmem>> -> memref<1x128xi32, #tpu.memory_space<vmem>>
          %dma_wait3A_96 = tpu.memref_squeeze %dma_wait3A_95 : memref<1x128xi32, #tpu.memory_space<vmem>> -> memref<128xi32, #tpu.memory_space<vmem>>
          %dma_wait3A_97 = arith.constant 0 : i32
          %dma_wait3A_98 = arith.constant 0 : i32
          %dma_wait3A_99 = tpu.memref_slice %arg12[%dma_wait3A_97, %dma_wait3A_98] : memref<10240x128xf32, #tpu.memory_space<vmem_shared>> -> memref<10240x128xf32, #tpu.memory_space<vmem_shared>>
          tpu.wait_indirect_dma semaphore(%run_scoped3A : memref<!tpu.dma_semaphore, #tpu.memory_space<semaphore_mem>>) src(%arg11 : memref<128x128xf32, #tpu.memory_space<vmem>>) dst(%dma_wait3A_99 : memref<10240x128xf32, #tpu.memory_space<vmem_shared>>)
          tpu.yield
        }) : () -> ()
        %add3A_62 = arith.constant 2 : i32
        %add3A_63 = arith.addi %add3A_37, %add3A_62 : i32
        %lt3A = arith.constant 80 : i32
        %lt3A_64 = arith.cmpi slt, %add3A_63, %lt3A : i32
        %convert_element_type3A = arith.extui %lt3A_64 : i1 to i32
        %cond3A = arith.constant 0 : i32
        %cond3A_65 = arith.cmpi ne, %convert_element_type3A, %cond3A : i32
        scf.if %cond3A_65 {
          %add3A_88 = arith.constant 2 : i32
          %add3A_89 = arith.addi %add3A_37, %add3A_88 : i32
          %dma_start3A_90 = arith.constant 0 : i32
          %dma_start3A_91 = tpu.memref_slice %arg7[%add3A_89, %dma_start3A_90] : memref<80x128xi32, #tpu.memory_space<vmem>> -> memref<1x128xi32, #tpu.memory_space<vmem>>
          %dma_start3A_92 = tpu.memref_squeeze %dma_start3A_91 : memref<1x128xi32, #tpu.memory_space<vmem>> -> memref<128xi32, #tpu.memory_space<vmem>>
          %dma_start3A_93 = arith.constant 0 : i32
          %dma_start3A_94 = arith.constant 0 : i32
          %dma_start3A_95 = tpu.memref_slice %arg2[%dma_start3A_93, %dma_start3A_94] : memref<10240x64xi32, #tpu.memory_space<hbm>> -> memref<10240x64xi32, #tpu.memory_space<hbm>>
          tpu.enqueue_indirect_dma source(%dma_start3A_95 : memref<10240x64xi32, #tpu.memory_space<hbm>>) target(%arg9 : memref<128x64xi32, #tpu.memory_space<vmem>>) offsets(%dma_start3A_92 : memref<128xi32, #tpu.memory_space<vmem>>) semaphore(%arg13 : memref<!tpu.dma_semaphore, #tpu.memory_space<semaphore_mem>>)
        } else {
        }
        %add3A_66 = arith.constant 1 : i32
        %add3A_67 = arith.addi %add3A_37, %add3A_66 : i32
        %dma_wait3A_68 = arith.constant 0 : i32
        %dma_wait3A_69 = tpu.memref_slice %arg7[%add3A_67, %dma_wait3A_68] : memref<80x128xi32, #tpu.memory_space<vmem>> -> memref<1x128xi32, #tpu.memory_space<vmem>>
        %dma_wait3A_70 = tpu.memref_squeeze %dma_wait3A_69 : memref<1x128xi32, #tpu.memory_space<vmem>> -> memref<128xi32, #tpu.memory_space<vmem>>
        %dma_wait3A_71 = arith.constant 0 : i32
        %dma_wait3A_72 = arith.constant 0 : i32
        %dma_wait3A_73 = tpu.memref_slice %arg2[%dma_wait3A_71, %dma_wait3A_72] : memref<10240x64xi32, #tpu.memory_space<hbm>> -> memref<10240x64xi32, #tpu.memory_space<hbm>>
        tpu.wait_indirect_dma semaphore(%arg14 : memref<!tpu.dma_semaphore, #tpu.memory_space<semaphore_mem>>) src(%dma_wait3A_73 : memref<10240x64xi32, #tpu.memory_space<hbm>>) dst(%arg10 : memref<128x64xi32, #tpu.memory_space<vmem>>)
        %broadcast_in_dim3A_74 = arith.constant 16 : i32
        %broadcast_in_dim3A_75 = vector.broadcast %broadcast_in_dim3A_74 : i32 to vector<16xi32>
        %broadcast_in_dim3A_76 = arith.constant -65536 : i32
        %broadcast_in_dim3A_77 = vector.broadcast %broadcast_in_dim3A_76 : i32 to vector<16xi32>
        %scan3A_78 = arith.constant 0 : i32
        %scan3A_79 = arith.constant 0 : i32
        %scan3A_80 = arith.constant 128 : i32
        %scan3A_81 = arith.addi %scan3A_79, %scan3A_80 : i32
        %scan3A_82 = arith.constant 1 : i32
        scf.for %scan3A_88 = %scan3A_79 to %scan3A_81 step %scan3A_82  : i32 {
          %get3A = arith.index_cast %scan3A_88 : i32 to index
          %get3A_89 = arith.constant 0 : index
          %get3A_90 = tpu.vector_load %arg10[%get3A, %get3A_89] {strides = array<i32>} : memref<128x64xi32, #tpu.memory_space<vmem>>, vector<1x16xi32>,
          %get3A_91 = vector.shape_cast %get3A_90 : vector<1x16xi32> to vector<16xi32>
          %shift_left3A = arith.shli %get3A_91, %broadcast_in_dim3A_75 : vector<16xi32>
          %bitcast_convert_type3A = tpu.bitcast %shift_left3A : vector<16xi32> -> vector<16xf32>
          %and3A = arith.andi %get3A_91, %broadcast_in_dim3A_77 : vector<16xi32>
          %bitcast_convert_type3A_92 = tpu.bitcast %and3A : vector<16xi32> -> vector<16xf32>
          %swap3A = arith.index_cast %scan3A_88 : i32 to index
          %swap3A_93 = arith.constant 0 : index
          %swap3A_94 = tpu.vector_load %arg11[%swap3A, %swap3A_93] {strides = array<i32>} : memref<128x128xf32, #tpu.memory_space<vmem>>, vector<1x16xf32>,
          %swap3A_95 = vector.shape_cast %swap3A_94 : vector<1x16xf32> to vector<16xf32>
          %swap3A_96 = vector.shape_cast %bitcast_convert_type3A : vector<16xf32> to vector<1x16xf32>
          tpu.vector_store %arg11[%swap3A, %swap3A_93], %swap3A_96 {strides = array<i32>} : memref<128x128xf32, #tpu.memory_space<vmem>>, vector<1x16xf32>,
          %swap3A_97 = arith.index_cast %scan3A_88 : i32 to index
          %swap3A_98 = arith.constant 16 : index
          %swap3A_99 = tpu.vector_load %arg11[%swap3A_97, %swap3A_98] {strides = array<i32>} : memref<128x128xf32, #tpu.memory_space<vmem>>, vector<1x16xf32>,
          %swap3A_100 = vector.shape_cast %swap3A_99 : vector<1x16xf32> to vector<16xf32>
          %swap3A_101 = vector.shape_cast %bitcast_convert_type3A_92 : vector<16xf32> to vector<1x16xf32>
          tpu.vector_store %arg11[%swap3A_97, %swap3A_98], %swap3A_101 {strides = array<i32>} : memref<128x128xf32, #tpu.memory_space<vmem>>, vector<1x16xf32>,
          %get3A_102 = arith.index_cast %scan3A_88 : i32 to index
          %get3A_103 = arith.constant 16 : index
          %get3A_104 = tpu.vector_load %arg10[%get3A_102, %get3A_103] {strides = array<i32>} : memref<128x64xi32, #tpu.memory_space<vmem>>, vector<1x16xi32>,
          %get3A_105 = vector.shape_cast %get3A_104 : vector<1x16xi32> to vector<16xi32>
          %shift_left3A_106 = arith.shli %get3A_105, %broadcast_in_dim3A_75 : vector<16xi32>
          %bitcast_convert_type3A_107 = tpu.bitcast %shift_left3A_106 : vector<16xi32> -> vector<16xf32>
          %and3A_108 = arith.andi %get3A_105, %broadcast_in_dim3A_77 : vector<16xi32>
          %bitcast_convert_type3A_109 = tpu.bitcast %and3A_108 : vector<16xi32> -> vector<16xf32>
          %swap3A_110 = arith.index_cast %scan3A_88 : i32 to index
          %swap3A_111 = arith.constant 32 : index
          %swap3A_112 = tpu.vector_load %arg11[%swap3A_110, %swap3A_111] {strides = array<i32>} : memref<128x128xf32, #tpu.memory_space<vmem>>, vector<1x16xf32>,
          %swap3A_113 = vector.shape_cast %swap3A_112 : vector<1x16xf32> to vector<16xf32>
          %swap3A_114 = vector.shape_cast %bitcast_convert_type3A_107 : vector<16xf32> to vector<1x16xf32>
          tpu.vector_store %arg11[%swap3A_110, %swap3A_111], %swap3A_114 {strides = array<i32>} : memref<128x128xf32, #tpu.memory_space<vmem>>, vector<1x16xf32>,
          %swap3A_115 = arith.index_cast %scan3A_88 : i32 to index
          %swap3A_116 = arith.constant 48 : index
          %swap3A_117 = tpu.vector_load %arg11[%swap3A_115, %swap3A_116] {strides = array<i32>} : memref<128x128xf32, #tpu.memory_space<vmem>>, vector<1x16xf32>,
          %swap3A_118 = vector.shape_cast %swap3A_117 : vector<1x16xf32> to vector<16xf32>
          %swap3A_119 = vector.shape_cast %bitcast_convert_type3A_109 : vector<16xf32> to vector<1x16xf32>
          tpu.vector_store %arg11[%swap3A_115, %swap3A_116], %swap3A_119 {strides = array<i32>} : memref<128x128xf32, #tpu.memory_space<vmem>>, vector<1x16xf32>,
          %get3A_120 = arith.index_cast %scan3A_88 : i32 to index
          %get3A_121 = arith.constant 32 : index
          %get3A_122 = tpu.vector_load %arg10[%get3A_120, %get3A_121] {strides = array<i32>} : memref<128x64xi32, #tpu.memory_space<vmem>>, vector<1x16xi32>,
          %get3A_123 = vector.shape_cast %get3A_122 : vector<1x16xi32> to vector<16xi32>
          %shift_left3A_124 = arith.shli %get3A_123, %broadcast_in_dim3A_75 : vector<16xi32>
          %bitcast_convert_type3A_125 = tpu.bitcast %shift_left3A_124 : vector<16xi32> -> vector<16xf32>
          %and3A_126 = arith.andi %get3A_123, %broadcast_in_dim3A_77 : vector<16xi32>
          %bitcast_convert_type3A_127 = tpu.bitcast %and3A_126 : vector<16xi32> -> vector<16xf32>
          %swap3A_128 = arith.index_cast %scan3A_88 : i32 to index
          %swap3A_129 = arith.constant 64 : index
          %swap3A_130 = tpu.vector_load %arg11[%swap3A_128, %swap3A_129] {strides = array<i32>} : memref<128x128xf32, #tpu.memory_space<vmem>>, vector<1x16xf32>,
          %swap3A_131 = vector.shape_cast %swap3A_130 : vector<1x16xf32> to vector<16xf32>
          %swap3A_132 = vector.shape_cast %bitcast_convert_type3A_125 : vector<16xf32> to vector<1x16xf32>
          tpu.vector_store %arg11[%swap3A_128, %swap3A_129], %swap3A_132 {strides = array<i32>} : memref<128x128xf32, #tpu.memory_space<vmem>>, vector<1x16xf32>,
          %swap3A_133 = arith.index_cast %scan3A_88 : i32 to index
          %swap3A_134 = arith.constant 80 : index
          %swap3A_135 = tpu.vector_load %arg11[%swap3A_133, %swap3A_134] {strides = array<i32>} : memref<128x128xf32, #tpu.memory_space<vmem>>, vector<1x16xf32>,
          %swap3A_136 = vector.shape_cast %swap3A_135 : vector<1x16xf32> to vector<16xf32>
          %swap3A_137 = vector.shape_cast %bitcast_convert_type3A_127 : vector<16xf32> to vector<1x16xf32>
          tpu.vector_store %arg11[%swap3A_133, %swap3A_134], %swap3A_137 {strides = array<i32>} : memref<128x128xf32, #tpu.memory_space<vmem>>, vector<1x16xf32>,
          %get3A_138 = arith.index_cast %scan3A_88 : i32 to index
          %get3A_139 = arith.constant 48 : index
          %get3A_140 = tpu.vector_load %arg10[%get3A_138, %get3A_139] {strides = array<i32>} : memref<128x64xi32, #tpu.memory_space<vmem>>, vector<1x16xi32>,
          %get3A_141 = vector.shape_cast %get3A_140 : vector<1x16xi32> to vector<16xi32>
          %shift_left3A_142 = arith.shli %get3A_141, %broadcast_in_dim3A_75 : vector<16xi32>
          %bitcast_convert_type3A_143 = tpu.bitcast %shift_left3A_142 : vector<16xi32> -> vector<16xf32>
          %and3A_144 = arith.andi %get3A_141, %broadcast_in_dim3A_77 : vector<16xi32>
          %bitcast_convert_type3A_145 = tpu.bitcast %and3A_144 : vector<16xi32> -> vector<16xf32>
          %swap3A_146 = arith.index_cast %scan3A_88 : i32 to index
          %swap3A_147 = arith.constant 96 : index
          %swap3A_148 = tpu.vector_load %arg11[%swap3A_146, %swap3A_147] {strides = array<i32>} : memref<128x128xf32, #tpu.memory_space<vmem>>, vector<1x16xf32>,
          %swap3A_149 = vector.shape_cast %swap3A_148 : vector<1x16xf32> to vector<16xf32>
          %swap3A_150 = vector.shape_cast %bitcast_convert_type3A_143 : vector<16xf32> to vector<1x16xf32>
          tpu.vector_store %arg11[%swap3A_146, %swap3A_147], %swap3A_150 {strides = array<i32>} : memref<128x128xf32, #tpu.memory_space<vmem>>, vector<1x16xf32>,
          %swap3A_151 = arith.index_cast %scan3A_88 : i32 to index
          %swap3A_152 = arith.constant 112 : index
          %swap3A_153 = tpu.vector_load %arg11[%swap3A_151, %swap3A_152] {strides = array<i32>} : memref<128x128xf32, #tpu.memory_space<vmem>>, vector<1x16xf32>,
          %swap3A_154 = vector.shape_cast %swap3A_153 : vector<1x16xf32> to vector<16xf32>
          %swap3A_155 = vector.shape_cast %bitcast_convert_type3A_145 : vector<16xf32> to vector<1x16xf32>
          tpu.vector_store %arg11[%swap3A_151, %swap3A_152], %swap3A_155 {strides = array<i32>} : memref<128x128xf32, #tpu.memory_space<vmem>>, vector<1x16xf32>,
        }
        %scan3A_83 = arith.constant 128 : i32
        %mul3A_84 = arith.constant 2 : i32
        %mul3A_85 = arith.muli %mul3A_84, %scan3A_32 : i32
        %add3A_86 = arith.constant 1 : i32
        %add3A_87 = arith.addi %mul3A_85, %add3A_86 : i32
        "tpu.region"() ({
          %run_scoped3A = tpu.sem_alloc : memref<!tpu.dma_semaphore, #tpu.memory_space<semaphore_mem>>
          %dma_start3A_88 = arith.constant 0 : i32
          %dma_start3A_89 = tpu.memref_slice %arg8[%add3A_87, %dma_start3A_88] : memref<16x128xi32, #tpu.memory_space<vmem>> -> memref<1x128xi32, #tpu.memory_space<vmem>>
          %dma_start3A_90 = tpu.memref_squeeze %dma_start3A_89 : memref<1x128xi32, #tpu.memory_space<vmem>> -> memref<128xi32, #tpu.memory_space<vmem>>
          %dma_start3A_91 = arith.constant 0 : i32
          %dma_start3A_92 = arith.constant 0 : i32
          %dma_start3A_93 = tpu.memref_slice %arg12[%dma_start3A_91, %dma_start3A_92] : memref<10240x128xf32, #tpu.memory_space<vmem_shared>> -> memref<10240x128xf32, #tpu.memory_space<vmem_shared>>
          tpu.enqueue_indirect_dma source(%arg11 : memref<128x128xf32, #tpu.memory_space<vmem>>) target(%dma_start3A_93 : memref<10240x128xf32, #tpu.memory_space<vmem_shared>>) offsets(%dma_start3A_90 : memref<128xi32, #tpu.memory_space<vmem>>) semaphore(%run_scoped3A : memref<!tpu.dma_semaphore, #tpu.memory_space<semaphore_mem>>) {add = true}
          %dma_wait3A_94 = arith.constant 0 : i32
          %dma_wait3A_95 = tpu.memref_slice %arg8[%add3A_87, %dma_wait3A_94] : memref<16x128xi32, #tpu.memory_space<vmem>> -> memref<1x128xi32, #tpu.memory_space<vmem>>
          %dma_wait3A_96 = tpu.memref_squeeze %dma_wait3A_95 : memref<1x128xi32, #tpu.memory_space<vmem>> -> memref<128xi32, #tpu.memory_space<vmem>>
          %dma_wait3A_97 = arith.constant 0 : i32
          %dma_wait3A_98 = arith.constant 0 : i32
          %dma_wait3A_99 = tpu.memref_slice %arg12[%dma_wait3A_97, %dma_wait3A_98] : memref<10240x128xf32, #tpu.memory_space<vmem_shared>> -> memref<10240x128xf32, #tpu.memory_space<vmem_shared>>
          tpu.wait_indirect_dma semaphore(%run_scoped3A : memref<!tpu.dma_semaphore, #tpu.memory_space<semaphore_mem>>) src(%arg11 : memref<128x128xf32, #tpu.memory_space<vmem>>) dst(%dma_wait3A_99 : memref<10240x128xf32, #tpu.memory_space<vmem_shared>>)
          tpu.yield
        }) : () -> ()
      }
      %scan3A_31 = arith.constant 8 : i32
    }
    %scan3A_15 = arith.constant 5 : i32
    %barrier3A_16 = arith.constant 0 : index
    tpu.barrier barrier_id(%barrier3A_16)
    %mul3A_17 = arith.constant 640 : i32
    %mul3A_18 = arith.muli %arg1, %mul3A_17 : i32
    %mul3A_19 = arith.constant 640 : i32
    %mul3A_20 = arith.muli %arg1, %mul3A_19 : i32
    "tpu.region"() ({
      %run_scoped3A = tpu.sem_alloc : memref<!tpu.dma_semaphore, #tpu.memory_space<semaphore_mem>>
      %dma_start3A_21 = arith.constant 0 : i32
      %dma_start3A_22 = tpu.memref_slice %arg6[%arg0, %mul3A_20, %dma_start3A_21] : memref<2x10240x128xf32, #tpu.memory_space<hbm>> -> memref<1x640x128xf32, #tpu.memory_space<hbm>>
      %dma_start3A_23 = tpu.memref_squeeze %dma_start3A_22 : memref<1x640x128xf32, #tpu.memory_space<hbm>> -> memref<640x128xf32, #tpu.memory_space<hbm>>
      %dma_start3A_24 = arith.constant 0 : i32
      %dma_start3A_25 = tpu.memref_slice %arg12[%mul3A_18, %dma_start3A_24] : memref<10240x128xf32, #tpu.memory_space<vmem_shared>> -> memref<640x128xf32, #tpu.memory_space<vmem_shared>>
      tpu.enqueue_dma source(%dma_start3A_25 : memref<640x128xf32, #tpu.memory_space<vmem_shared>>) target(%dma_start3A_23 : memref<640x128xf32, #tpu.memory_space<hbm>>) target_semaphore(%run_scoped3A : memref<!tpu.dma_semaphore, #tpu.memory_space<semaphore_mem>>)
      %dma_wait3A = arith.constant 0 : i32
      %dma_wait3A_26 = tpu.memref_slice %arg6[%arg0, %mul3A_20, %dma_wait3A] : memref<2x10240x128xf32, #tpu.memory_space<hbm>> -> memref<1x640x128xf32, #tpu.memory_space<hbm>>
      %dma_wait3A_27 = tpu.memref_squeeze %dma_wait3A_26 : memref<1x640x128xf32, #tpu.memory_space<hbm>> -> memref<640x128xf32, #tpu.memory_space<hbm>>
      %dma_wait3A_28 = arith.constant 0 : i32
      %dma_wait3A_29 = tpu.memref_slice %arg12[%mul3A_18, %dma_wait3A_28] : memref<10240x128xf32, #tpu.memory_space<vmem_shared>> -> memref<640x128xf32, #tpu.memory_space<vmem_shared>>
      tpu.wait_dma2 semaphore(%run_scoped3A : memref<!tpu.dma_semaphore, #tpu.memory_space<semaphore_mem>>) src(%dma_wait3A_29 : memref<640x128xf32, #tpu.memory_space<vmem_shared>>) dst(%dma_wait3A_27 : memref<640x128xf32, #tpu.memory_space<hbm>>)
      tpu.yield
    }) : () -> ()
    return
  }
}

#map = affine_map<(d0, d1) -> (0, 0)>
#map1 = affine_map<(d0, d1) -> (0, 0, 0)>
module attributes {stable_mosaic.version = 14 : i64} {
  func.func @_deg_sc_body(%arg0: i32, %arg1: i32, %arg2: memref<2560x128xi32, #tpu.memory_space<hbm>>, %arg3: memref<128x128xf32, #tpu.memory_space<hbm>>, %arg4: memref<640x128xf32, #tpu.memory_space<hbm>>, %arg5: memref<2x10240x128xf32, #tpu.memory_space<hbm>>, %arg6: memref<80x128xi32, #tpu.memory_space<vmem>>, %arg7: memref<128x128xf32, #tpu.memory_space<vmem>>, %arg8: memref<10240x128xf32, #tpu.memory_space<vmem_shared>>) attributes {dimension_semantics = [#tpu.dimension_semantics<core_parallel>, #tpu.dimension_semantics<subcore_parallel>], iteration_bounds = array<i64: 2, 16>, scalar_prefetch = 0 : i64, scratch_operands = 3 : i64, tpu.core_type = #tpu.core_type<sc_vector_subcore>, window_params = [{transform_indices = #map}, {transform_indices = #map}, {transform_indices = #map}, {transform_indices = #map1}]} {
    %mul3A = arith.constant 2 : i32
    %mul3A_0 = arith.muli %arg1, %mul3A : i32
    %add3A = arith.addi %mul3A_0, %arg0 : i32
    %mul3A_1 = arith.constant 80 : i32
    %mul3A_2 = arith.muli %add3A, %mul3A_1 : i32
    "tpu.region"() ({
      %run_scoped3A = tpu.sem_alloc : memref<!tpu.dma_semaphore, #tpu.memory_space<semaphore_mem>>
      %dma_start3A = arith.constant 0 : i32
      %dma_start3A_15 = tpu.memref_slice %arg2[%mul3A_2, %dma_start3A] : memref<2560x128xi32, #tpu.memory_space<hbm>> -> memref<80x128xi32, #tpu.memory_space<hbm>>
      %dma_start3A_16 = arith.constant 0 : i32
      %dma_start3A_17 = tpu.memref_slice %arg2[%mul3A_2, %dma_start3A_16] : memref<2560x128xi32, #tpu.memory_space<hbm>> -> memref<80x128xi32, #tpu.memory_space<hbm>>
      tpu.enqueue_dma source(%dma_start3A_17 : memref<80x128xi32, #tpu.memory_space<hbm>>) target(%arg6 : memref<80x128xi32, #tpu.memory_space<vmem>>) target_semaphore(%run_scoped3A : memref<!tpu.dma_semaphore, #tpu.memory_space<semaphore_mem>>)
      %dma_wait3A = arith.constant 0 : i32
      %dma_wait3A_18 = tpu.memref_slice %arg2[%mul3A_2, %dma_wait3A] : memref<2560x128xi32, #tpu.memory_space<hbm>> -> memref<80x128xi32, #tpu.memory_space<hbm>>
      %dma_wait3A_19 = arith.constant 0 : i32
      %dma_wait3A_20 = tpu.memref_slice %arg2[%mul3A_2, %dma_wait3A_19] : memref<2560x128xi32, #tpu.memory_space<hbm>> -> memref<80x128xi32, #tpu.memory_space<hbm>>
      tpu.wait_dma2 semaphore(%run_scoped3A : memref<!tpu.dma_semaphore, #tpu.memory_space<semaphore_mem>>) src(%dma_wait3A_20 : memref<80x128xi32, #tpu.memory_space<hbm>>) dst(%arg6 : memref<80x128xi32, #tpu.memory_space<vmem>>)
      tpu.yield
    }) : () -> ()
    "tpu.region"() ({
      %run_scoped3A = tpu.sem_alloc : memref<!tpu.dma_semaphore, #tpu.memory_space<semaphore_mem>>
      tpu.enqueue_dma source(%arg3 : memref<128x128xf32, #tpu.memory_space<hbm>>) target(%arg7 : memref<128x128xf32, #tpu.memory_space<vmem>>) target_semaphore(%run_scoped3A : memref<!tpu.dma_semaphore, #tpu.memory_space<semaphore_mem>>)
      tpu.wait_dma2 semaphore(%run_scoped3A : memref<!tpu.dma_semaphore, #tpu.memory_space<semaphore_mem>>) src(%arg3 : memref<128x128xf32, #tpu.memory_space<hbm>>) dst(%arg7 : memref<128x128xf32, #tpu.memory_space<vmem>>)
      tpu.yield
    }) : () -> ()
    %mul3A_3 = arith.constant 640 : i32
    %mul3A_4 = arith.muli %arg1, %mul3A_3 : i32
    "tpu.region"() ({
      %run_scoped3A = tpu.sem_alloc : memref<!tpu.dma_semaphore, #tpu.memory_space<semaphore_mem>>
      %dma_start3A = arith.constant 0 : i32
      %dma_start3A_15 = tpu.memref_slice %arg8[%mul3A_4, %dma_start3A] : memref<10240x128xf32, #tpu.memory_space<vmem_shared>> -> memref<640x128xf32, #tpu.memory_space<vmem_shared>>
      tpu.enqueue_dma source(%arg4 : memref<640x128xf32, #tpu.memory_space<hbm>>) target(%dma_start3A_15 : memref<640x128xf32, #tpu.memory_space<vmem_shared>>) target_semaphore(%run_scoped3A : memref<!tpu.dma_semaphore, #tpu.memory_space<semaphore_mem>>)
      %dma_wait3A = arith.constant 0 : i32
      %dma_wait3A_16 = tpu.memref_slice %arg8[%mul3A_4, %dma_wait3A] : memref<10240x128xf32, #tpu.memory_space<vmem_shared>> -> memref<640x128xf32, #tpu.memory_space<vmem_shared>>
      tpu.wait_dma2 semaphore(%run_scoped3A : memref<!tpu.dma_semaphore, #tpu.memory_space<semaphore_mem>>) src(%arg4 : memref<640x128xf32, #tpu.memory_space<hbm>>) dst(%dma_wait3A_16 : memref<640x128xf32, #tpu.memory_space<vmem_shared>>)
      tpu.yield
    }) : () -> ()
    %barrier3A = arith.constant 0 : index
    tpu.barrier barrier_id(%barrier3A)
    %scan3A = arith.constant 0 : i32
    %scan3A_5 = arith.constant 0 : i32
    %scan3A_6 = arith.constant 80 : i32
    %scan3A_7 = arith.addi %scan3A_5, %scan3A_6 : i32
    %scan3A_8 = arith.constant 1 : i32
    scf.for %scan3A_15 = %scan3A_5 to %scan3A_7 step %scan3A_8  : i32 {
      "tpu.region"() ({
        %run_scoped3A = tpu.sem_alloc : memref<!tpu.dma_semaphore, #tpu.memory_space<semaphore_mem>>
        %dma_start3A = arith.constant 0 : i32
        %dma_start3A_16 = tpu.memref_slice %arg6[%scan3A_15, %dma_start3A] : memref<80x128xi32, #tpu.memory_space<vmem>> -> memref<1x128xi32, #tpu.memory_space<vmem>>
        %dma_start3A_17 = tpu.memref_squeeze %dma_start3A_16 : memref<1x128xi32, #tpu.memory_space<vmem>> -> memref<128xi32, #tpu.memory_space<vmem>>
        %dma_start3A_18 = arith.constant 0 : i32
        %dma_start3A_19 = arith.constant 0 : i32
        %dma_start3A_20 = tpu.memref_slice %arg8[%dma_start3A_18, %dma_start3A_19] : memref<10240x128xf32, #tpu.memory_space<vmem_shared>> -> memref<10240x128xf32, #tpu.memory_space<vmem_shared>>
        tpu.enqueue_indirect_dma source(%arg7 : memref<128x128xf32, #tpu.memory_space<vmem>>) target(%dma_start3A_20 : memref<10240x128xf32, #tpu.memory_space<vmem_shared>>) offsets(%dma_start3A_17 : memref<128xi32, #tpu.memory_space<vmem>>) semaphore(%run_scoped3A : memref<!tpu.dma_semaphore, #tpu.memory_space<semaphore_mem>>) {add = true}
        %dma_wait3A = arith.constant 0 : i32
        %dma_wait3A_21 = tpu.memref_slice %arg6[%scan3A_15, %dma_wait3A] : memref<80x128xi32, #tpu.memory_space<vmem>> -> memref<1x128xi32, #tpu.memory_space<vmem>>
        %dma_wait3A_22 = tpu.memref_squeeze %dma_wait3A_21 : memref<1x128xi32, #tpu.memory_space<vmem>> -> memref<128xi32, #tpu.memory_space<vmem>>
        %dma_wait3A_23 = arith.constant 0 : i32
        %dma_wait3A_24 = arith.constant 0 : i32
        %dma_wait3A_25 = tpu.memref_slice %arg8[%dma_wait3A_23, %dma_wait3A_24] : memref<10240x128xf32, #tpu.memory_space<vmem_shared>> -> memref<10240x128xf32, #tpu.memory_space<vmem_shared>>
        tpu.wait_indirect_dma semaphore(%run_scoped3A : memref<!tpu.dma_semaphore, #tpu.memory_space<semaphore_mem>>) src(%arg7 : memref<128x128xf32, #tpu.memory_space<vmem>>) dst(%dma_wait3A_25 : memref<10240x128xf32, #tpu.memory_space<vmem_shared>>)
        tpu.yield
      }) : () -> ()
    }
    %scan3A_9 = arith.constant 80 : i32
    %barrier3A_10 = arith.constant 0 : index
    tpu.barrier barrier_id(%barrier3A_10)
    %mul3A_11 = arith.constant 640 : i32
    %mul3A_12 = arith.muli %arg1, %mul3A_11 : i32
    %mul3A_13 = arith.constant 640 : i32
    %mul3A_14 = arith.muli %arg1, %mul3A_13 : i32
    "tpu.region"() ({
      %run_scoped3A = tpu.sem_alloc : memref<!tpu.dma_semaphore, #tpu.memory_space<semaphore_mem>>
      %dma_start3A = arith.constant 0 : i32
      %dma_start3A_15 = tpu.memref_slice %arg5[%arg0, %mul3A_14, %dma_start3A] : memref<2x10240x128xf32, #tpu.memory_space<hbm>> -> memref<1x640x128xf32, #tpu.memory_space<hbm>>
      %dma_start3A_16 = tpu.memref_squeeze %dma_start3A_15 : memref<1x640x128xf32, #tpu.memory_space<hbm>> -> memref<640x128xf32, #tpu.memory_space<hbm>>
      %dma_start3A_17 = arith.constant 0 : i32
      %dma_start3A_18 = tpu.memref_slice %arg8[%mul3A_12, %dma_start3A_17] : memref<10240x128xf32, #tpu.memory_space<vmem_shared>> -> memref<640x128xf32, #tpu.memory_space<vmem_shared>>
      tpu.enqueue_dma source(%dma_start3A_18 : memref<640x128xf32, #tpu.memory_space<vmem_shared>>) target(%dma_start3A_16 : memref<640x128xf32, #tpu.memory_space<hbm>>) target_semaphore(%run_scoped3A : memref<!tpu.dma_semaphore, #tpu.memory_space<semaphore_mem>>)
      %dma_wait3A = arith.constant 0 : i32
      %dma_wait3A_19 = tpu.memref_slice %arg5[%arg0, %mul3A_14, %dma_wait3A] : memref<2x10240x128xf32, #tpu.memory_space<hbm>> -> memref<1x640x128xf32, #tpu.memory_space<hbm>>
      %dma_wait3A_20 = tpu.memref_squeeze %dma_wait3A_19 : memref<1x640x128xf32, #tpu.memory_space<hbm>> -> memref<640x128xf32, #tpu.memory_space<hbm>>
      %dma_wait3A_21 = arith.constant 0 : i32
      %dma_wait3A_22 = tpu.memref_slice %arg8[%mul3A_12, %dma_wait3A_21] : memref<10240x128xf32, #tpu.memory_space<vmem_shared>> -> memref<640x128xf32, #tpu.memory_space<vmem_shared>>
      tpu.wait_dma2 semaphore(%run_scoped3A : memref<!tpu.dma_semaphore, #tpu.memory_space<semaphore_mem>>) src(%dma_wait3A_22 : memref<640x128xf32, #tpu.memory_space<vmem_shared>>) dst(%dma_wait3A_20 : memref<640x128xf32, #tpu.memory_space<hbm>>)
      tpu.yield
    }) : () -> ()
    return
  }
}

#map = affine_map<(d0, d1) -> (0, 0)>
#map1 = affine_map<(d0, d1) -> (0, 0, 0)>
module attributes {stable_mosaic.version = 14 : i64} {
  func.func @_scatter_sc_body(%arg0: i32, %arg1: i32, %arg2: memref<10240x64xi32, #tpu.memory_space<hbm>>, %arg3: memref<2560x128xi32, #tpu.memory_space<hbm>>, %arg4: memref<2560x128xi32, #tpu.memory_space<hbm>>, %arg5: memref<640x128xf32, #tpu.memory_space<hbm>>, %arg6: memref<2x10240x128xf32, #tpu.memory_space<hbm>>, %arg7: memref<80x128xi32, #tpu.memory_space<vmem>>, %arg8: memref<16x128xi32, #tpu.memory_space<vmem>>, %arg9: memref<128x64xi32, #tpu.memory_space<vmem>>, %arg10: memref<128x64xi32, #tpu.memory_space<vmem>>, %arg11: memref<128x128xf32, #tpu.memory_space<vmem>>, %arg12: memref<10240x128xf32, #tpu.memory_space<vmem_shared>>, %arg13: memref<!tpu.dma_semaphore, #tpu.memory_space<semaphore_mem>>, %arg14: memref<!tpu.dma_semaphore, #tpu.memory_space<semaphore_mem>>) attributes {dimension_semantics = [#tpu.dimension_semantics<core_parallel>, #tpu.dimension_semantics<subcore_parallel>], iteration_bounds = array<i64: 2, 16>, scalar_prefetch = 0 : i64, scratch_operands = 8 : i64, tpu.core_type = #tpu.core_type<sc_vector_subcore>, window_params = [{transform_indices = #map}, {transform_indices = #map}, {transform_indices = #map}, {transform_indices = #map}, {transform_indices = #map1}]} {
    %mul3A = arith.constant 2 : i32
    %mul3A_0 = arith.muli %arg1, %mul3A : i32
    %add3A = arith.addi %mul3A_0, %arg0 : i32
    %mul3A_1 = arith.constant 80 : i32
    %mul3A_2 = arith.muli %add3A, %mul3A_1 : i32
    "tpu.region"() ({
      %run_scoped3A = tpu.sem_alloc : memref<!tpu.dma_semaphore, #tpu.memory_space<semaphore_mem>>
      %dma_start3A_21 = arith.constant 0 : i32
      %dma_start3A_22 = tpu.memref_slice %arg3[%mul3A_2, %dma_start3A_21] : memref<2560x128xi32, #tpu.memory_space<hbm>> -> memref<80x128xi32, #tpu.memory_space<hbm>>
      %dma_start3A_23 = arith.constant 0 : i32
      %dma_start3A_24 = tpu.memref_slice %arg3[%mul3A_2, %dma_start3A_23] : memref<2560x128xi32, #tpu.memory_space<hbm>> -> memref<80x128xi32, #tpu.memory_space<hbm>>
      tpu.enqueue_dma source(%dma_start3A_24 : memref<80x128xi32, #tpu.memory_space<hbm>>) target(%arg7 : memref<80x128xi32, #tpu.memory_space<vmem>>) target_semaphore(%run_scoped3A : memref<!tpu.dma_semaphore, #tpu.memory_space<semaphore_mem>>)
      %dma_wait3A = arith.constant 0 : i32
      %dma_wait3A_25 = tpu.memref_slice %arg3[%mul3A_2, %dma_wait3A] : memref<2560x128xi32, #tpu.memory_space<hbm>> -> memref<80x128xi32, #tpu.memory_space<hbm>>
      %dma_wait3A_26 = arith.constant 0 : i32
      %dma_wait3A_27 = tpu.memref_slice %arg3[%mul3A_2, %dma_wait3A_26] : memref<2560x128xi32, #tpu.memory_space<hbm>> -> memref<80x128xi32, #tpu.memory_space<hbm>>
      tpu.wait_dma2 semaphore(%run_scoped3A : memref<!tpu.dma_semaphore, #tpu.memory_space<semaphore_mem>>) src(%dma_wait3A_27 : memref<80x128xi32, #tpu.memory_space<hbm>>) dst(%arg7 : memref<80x128xi32, #tpu.memory_space<vmem>>)
      tpu.yield
    }) : () -> ()
    %mul3A_3 = arith.constant 640 : i32
    %mul3A_4 = arith.muli %arg1, %mul3A_3 : i32
    "tpu.region"() ({
      %run_scoped3A = tpu.sem_alloc : memref<!tpu.dma_semaphore, #tpu.memory_space<semaphore_mem>>
      %dma_start3A_21 = arith.constant 0 : i32
      %dma_start3A_22 = tpu.memref_slice %arg12[%mul3A_4, %dma_start3A_21] : memref<10240x128xf32, #tpu.memory_space<vmem_shared>> -> memref<640x128xf32, #tpu.memory_space<vmem_shared>>
      tpu.enqueue_dma source(%arg5 : memref<640x128xf32, #tpu.memory_space<hbm>>) target(%dma_start3A_22 : memref<640x128xf32, #tpu.memory_space<vmem_shared>>) target_semaphore(%run_scoped3A : memref<!tpu.dma_semaphore, #tpu.memory_space<semaphore_mem>>)
      %dma_wait3A = arith.constant 0 : i32
      %dma_wait3A_23 = tpu.memref_slice %arg12[%mul3A_4, %dma_wait3A] : memref<10240x128xf32, #tpu.memory_space<vmem_shared>> -> memref<640x128xf32, #tpu.memory_space<vmem_shared>>
      tpu.wait_dma2 semaphore(%run_scoped3A : memref<!tpu.dma_semaphore, #tpu.memory_space<semaphore_mem>>) src(%arg5 : memref<640x128xf32, #tpu.memory_space<hbm>>) dst(%dma_wait3A_23 : memref<640x128xf32, #tpu.memory_space<vmem_shared>>)
      tpu.yield
    }) : () -> ()
    %barrier3A = arith.constant 0 : index
    tpu.barrier barrier_id(%barrier3A)
    %dma_start3A = arith.constant 0 : i32
    %dma_start3A_5 = arith.constant 0 : i32
    %dma_start3A_6 = tpu.memref_slice %arg7[%dma_start3A, %dma_start3A_5] : memref<80x128xi32, #tpu.memory_space<vmem>> -> memref<1x128xi32, #tpu.memory_space<vmem>>
    %dma_start3A_7 = tpu.memref_squeeze %dma_start3A_6 : memref<1x128xi32, #tpu.memory_space<vmem>> -> memref<128xi32, #tpu.memory_space<vmem>>
    %dma_start3A_8 = arith.constant 0 : i32
    %dma_start3A_9 = arith.constant 0 : i32
    %dma_start3A_10 = tpu.memref_slice %arg2[%dma_start3A_8, %dma_start3A_9] : memref<10240x64xi32, #tpu.memory_space<hbm>> -> memref<10240x64xi32, #tpu.memory_space<hbm>>
    tpu.enqueue_indirect_dma source(%dma_start3A_10 : memref<10240x64xi32, #tpu.memory_space<hbm>>) target(%arg9 : memref<128x64xi32, #tpu.memory_space<vmem>>) offsets(%dma_start3A_7 : memref<128xi32, #tpu.memory_space<vmem>>) semaphore(%arg13 : memref<!tpu.dma_semaphore, #tpu.memory_space<semaphore_mem>>)
    %scan3A = arith.constant 0 : i32
    %scan3A_11 = arith.constant 0 : i32
    %scan3A_12 = arith.constant 5 : i32
    %scan3A_13 = arith.addi %scan3A_11, %scan3A_12 : i32
    %scan3A_14 = arith.constant 1 : i32
    scf.for %scan3A_21 = %scan3A_11 to %scan3A_13 step %scan3A_14  : i32 {
      %mul3A_22 = arith.constant 80 : i32
      %mul3A_23 = arith.muli %add3A, %mul3A_22 : i32
      %mul3A_24 = arith.constant 16 : i32
      %mul3A_25 = arith.muli %scan3A_21, %mul3A_24 : i32
      %add3A_26 = arith.addi %mul3A_23, %mul3A_25 : i32
      "tpu.region"() ({
        %run_scoped3A = tpu.sem_alloc : memref<!tpu.dma_semaphore, #tpu.memory_space<semaphore_mem>>
        %dma_start3A_32 = arith.constant 0 : i32
        %dma_start3A_33 = tpu.memref_slice %arg4[%add3A_26, %dma_start3A_32] : memref<2560x128xi32, #tpu.memory_space<hbm>> -> memref<16x128xi32, #tpu.memory_space<hbm>>
        %dma_start3A_34 = arith.constant 0 : i32
        %dma_start3A_35 = tpu.memref_slice %arg4[%add3A_26, %dma_start3A_34] : memref<2560x128xi32, #tpu.memory_space<hbm>> -> memref<16x128xi32, #tpu.memory_space<hbm>>
        tpu.enqueue_dma source(%dma_start3A_35 : memref<16x128xi32, #tpu.memory_space<hbm>>) target(%arg8 : memref<16x128xi32, #tpu.memory_space<vmem>>) target_semaphore(%run_scoped3A : memref<!tpu.dma_semaphore, #tpu.memory_space<semaphore_mem>>)
        %dma_wait3A = arith.constant 0 : i32
        %dma_wait3A_36 = tpu.memref_slice %arg4[%add3A_26, %dma_wait3A] : memref<2560x128xi32, #tpu.memory_space<hbm>> -> memref<16x128xi32, #tpu.memory_space<hbm>>
        %dma_wait3A_37 = arith.constant 0 : i32
        %dma_wait3A_38 = tpu.memref_slice %arg4[%add3A_26, %dma_wait3A_37] : memref<2560x128xi32, #tpu.memory_space<hbm>> -> memref<16x128xi32, #tpu.memory_space<hbm>>
        tpu.wait_dma2 semaphore(%run_scoped3A : memref<!tpu.dma_semaphore, #tpu.memory_space<semaphore_mem>>) src(%dma_wait3A_38 : memref<16x128xi32, #tpu.memory_space<hbm>>) dst(%arg8 : memref<16x128xi32, #tpu.memory_space<vmem>>)
        tpu.yield
      }) : () -> ()
      %scan3A_27 = arith.constant 0 : i32
      %scan3A_28 = arith.constant 8 : i32
      %scan3A_29 = arith.addi %scan3A_27, %scan3A_28 : i32
      %scan3A_30 = arith.constant 1 : i32
      scf.for %scan3A_32 = %scan3A_27 to %scan3A_29 step %scan3A_30  : i32 {
        %mul3A_33 = arith.constant 16 : i32
        %mul3A_34 = arith.muli %scan3A_21, %mul3A_33 : i32
        %mul3A_35 = arith.constant 2 : i32
        %mul3A_36 = arith.muli %mul3A_35, %scan3A_32 : i32
        %add3A_37 = arith.addi %mul3A_34, %mul3A_36 : i32
        %add3A_38 = arith.constant 1 : i32
        %add3A_39 = arith.addi %add3A_37, %add3A_38 : i32
        %dma_start3A_40 = arith.constant 0 : i32
        %dma_start3A_41 = tpu.memref_slice %arg7[%add3A_39, %dma_start3A_40] : memref<80x128xi32, #tpu.memory_space<vmem>> -> memref<1x128xi32, #tpu.memory_space<vmem>>
        %dma_start3A_42 = tpu.memref_squeeze %dma_start3A_41 : memref<1x128xi32, #tpu.memory_space<vmem>> -> memref<128xi32, #tpu.memory_space<vmem>>
        %dma_start3A_43 = arith.constant 0 : i32
        %dma_start3A_44 = arith.constant 0 : i32
        %dma_start3A_45 = tpu.memref_slice %arg2[%dma_start3A_43, %dma_start3A_44] : memref<10240x64xi32, #tpu.memory_space<hbm>> -> memref<10240x64xi32, #tpu.memory_space<hbm>>
        tpu.enqueue_indirect_dma source(%dma_start3A_45 : memref<10240x64xi32, #tpu.memory_space<hbm>>) target(%arg10 : memref<128x64xi32, #tpu.memory_space<vmem>>) offsets(%dma_start3A_42 : memref<128xi32, #tpu.memory_space<vmem>>) semaphore(%arg14 : memref<!tpu.dma_semaphore, #tpu.memory_space<semaphore_mem>>)
        %dma_wait3A = arith.constant 0 : i32
        %dma_wait3A_46 = tpu.memref_slice %arg7[%add3A_37, %dma_wait3A] : memref<80x128xi32, #tpu.memory_space<vmem>> -> memref<1x128xi32, #tpu.memory_space<vmem>>
        %dma_wait3A_47 = tpu.memref_squeeze %dma_wait3A_46 : memref<1x128xi32, #tpu.memory_space<vmem>> -> memref<128xi32, #tpu.memory_space<vmem>>
        %dma_wait3A_48 = arith.constant 0 : i32
        %dma_wait3A_49 = arith.constant 0 : i32
        %dma_wait3A_50 = tpu.memref_slice %arg2[%dma_wait3A_48, %dma_wait3A_49] : memref<10240x64xi32, #tpu.memory_space<hbm>> -> memref<10240x64xi32, #tpu.memory_space<hbm>>
        tpu.wait_indirect_dma semaphore(%arg13 : memref<!tpu.dma_semaphore, #tpu.memory_space<semaphore_mem>>) src(%dma_wait3A_50 : memref<10240x64xi32, #tpu.memory_space<hbm>>) dst(%arg9 : memref<128x64xi32, #tpu.memory_space<vmem>>)
        %broadcast_in_dim3A = arith.constant 16 : i32
        %broadcast_in_dim3A_51 = vector.broadcast %broadcast_in_dim3A : i32 to vector<16xi32>
        %broadcast_in_dim3A_52 = arith.constant -65536 : i32
        %broadcast_in_dim3A_53 = vector.broadcast %broadcast_in_dim3A_52 : i32 to vector<16xi32>
        %scan3A_54 = arith.constant 0 : i32
        %scan3A_55 = arith.constant 0 : i32
        %scan3A_56 = arith.constant 128 : i32
        %scan3A_57 = arith.addi %scan3A_55, %scan3A_56 : i32
        %scan3A_58 = arith.constant 1 : i32
        scf.for %scan3A_88 = %scan3A_55 to %scan3A_57 step %scan3A_58  : i32 {
          %get3A = arith.index_cast %scan3A_88 : i32 to index
          %get3A_89 = arith.constant 0 : index
          %get3A_90 = tpu.vector_load %arg9[%get3A, %get3A_89] {strides = array<i32>} : memref<128x64xi32, #tpu.memory_space<vmem>>, vector<1x16xi32>,
          %get3A_91 = vector.shape_cast %get3A_90 : vector<1x16xi32> to vector<16xi32>
          %shift_left3A = arith.shli %get3A_91, %broadcast_in_dim3A_51 : vector<16xi32>
          %bitcast_convert_type3A = tpu.bitcast %shift_left3A : vector<16xi32> -> vector<16xf32>
          %and3A = arith.andi %get3A_91, %broadcast_in_dim3A_53 : vector<16xi32>
          %bitcast_convert_type3A_92 = tpu.bitcast %and3A : vector<16xi32> -> vector<16xf32>
          %swap3A = arith.index_cast %scan3A_88 : i32 to index
          %swap3A_93 = arith.constant 0 : index
          %swap3A_94 = tpu.vector_load %arg11[%swap3A, %swap3A_93] {strides = array<i32>} : memref<128x128xf32, #tpu.memory_space<vmem>>, vector<1x16xf32>,
          %swap3A_95 = vector.shape_cast %swap3A_94 : vector<1x16xf32> to vector<16xf32>
          %swap3A_96 = vector.shape_cast %bitcast_convert_type3A : vector<16xf32> to vector<1x16xf32>
          tpu.vector_store %arg11[%swap3A, %swap3A_93], %swap3A_96 {strides = array<i32>} : memref<128x128xf32, #tpu.memory_space<vmem>>, vector<1x16xf32>,
          %swap3A_97 = arith.index_cast %scan3A_88 : i32 to index
          %swap3A_98 = arith.constant 16 : index
          %swap3A_99 = tpu.vector_load %arg11[%swap3A_97, %swap3A_98] {strides = array<i32>} : memref<128x128xf32, #tpu.memory_space<vmem>>, vector<1x16xf32>,
          %swap3A_100 = vector.shape_cast %swap3A_99 : vector<1x16xf32> to vector<16xf32>
          %swap3A_101 = vector.shape_cast %bitcast_convert_type3A_92 : vector<16xf32> to vector<1x16xf32>
          tpu.vector_store %arg11[%swap3A_97, %swap3A_98], %swap3A_101 {strides = array<i32>} : memref<128x128xf32, #tpu.memory_space<vmem>>, vector<1x16xf32>,
          %get3A_102 = arith.index_cast %scan3A_88 : i32 to index
          %get3A_103 = arith.constant 16 : index
          %get3A_104 = tpu.vector_load %arg9[%get3A_102, %get3A_103] {strides = array<i32>} : memref<128x64xi32, #tpu.memory_space<vmem>>, vector<1x16xi32>,
          %get3A_105 = vector.shape_cast %get3A_104 : vector<1x16xi32> to vector<16xi32>
          %shift_left3A_106 = arith.shli %get3A_105, %broadcast_in_dim3A_51 : vector<16xi32>
          %bitcast_convert_type3A_107 = tpu.bitcast %shift_left3A_106 : vector<16xi32> -> vector<16xf32>
          %and3A_108 = arith.andi %get3A_105, %broadcast_in_dim3A_53 : vector<16xi32>
          %bitcast_convert_type3A_109 = tpu.bitcast %and3A_108 : vector<16xi32> -> vector<16xf32>
          %swap3A_110 = arith.index_cast %scan3A_88 : i32 to index
          %swap3A_111 = arith.constant 32 : index
          %swap3A_112 = tpu.vector_load %arg11[%swap3A_110, %swap3A_111] {strides = array<i32>} : memref<128x128xf32, #tpu.memory_space<vmem>>, vector<1x16xf32>,
          %swap3A_113 = vector.shape_cast %swap3A_112 : vector<1x16xf32> to vector<16xf32>
          %swap3A_114 = vector.shape_cast %bitcast_convert_type3A_107 : vector<16xf32> to vector<1x16xf32>
          tpu.vector_store %arg11[%swap3A_110, %swap3A_111], %swap3A_114 {strides = array<i32>} : memref<128x128xf32, #tpu.memory_space<vmem>>, vector<1x16xf32>,
          %swap3A_115 = arith.index_cast %scan3A_88 : i32 to index
          %swap3A_116 = arith.constant 48 : index
          %swap3A_117 = tpu.vector_load %arg11[%swap3A_115, %swap3A_116] {strides = array<i32>} : memref<128x128xf32, #tpu.memory_space<vmem>>, vector<1x16xf32>,
          %swap3A_118 = vector.shape_cast %swap3A_117 : vector<1x16xf32> to vector<16xf32>
          %swap3A_119 = vector.shape_cast %bitcast_convert_type3A_109 : vector<16xf32> to vector<1x16xf32>
          tpu.vector_store %arg11[%swap3A_115, %swap3A_116], %swap3A_119 {strides = array<i32>} : memref<128x128xf32, #tpu.memory_space<vmem>>, vector<1x16xf32>,
          %get3A_120 = arith.index_cast %scan3A_88 : i32 to index
          %get3A_121 = arith.constant 32 : index
          %get3A_122 = tpu.vector_load %arg9[%get3A_120, %get3A_121] {strides = array<i32>} : memref<128x64xi32, #tpu.memory_space<vmem>>, vector<1x16xi32>,
          %get3A_123 = vector.shape_cast %get3A_122 : vector<1x16xi32> to vector<16xi32>
          %shift_left3A_124 = arith.shli %get3A_123, %broadcast_in_dim3A_51 : vector<16xi32>
          %bitcast_convert_type3A_125 = tpu.bitcast %shift_left3A_124 : vector<16xi32> -> vector<16xf32>
          %and3A_126 = arith.andi %get3A_123, %broadcast_in_dim3A_53 : vector<16xi32>
          %bitcast_convert_type3A_127 = tpu.bitcast %and3A_126 : vector<16xi32> -> vector<16xf32>
          %swap3A_128 = arith.index_cast %scan3A_88 : i32 to index
          %swap3A_129 = arith.constant 64 : index
          %swap3A_130 = tpu.vector_load %arg11[%swap3A_128, %swap3A_129] {strides = array<i32>} : memref<128x128xf32, #tpu.memory_space<vmem>>, vector<1x16xf32>,
          %swap3A_131 = vector.shape_cast %swap3A_130 : vector<1x16xf32> to vector<16xf32>
          %swap3A_132 = vector.shape_cast %bitcast_convert_type3A_125 : vector<16xf32> to vector<1x16xf32>
          tpu.vector_store %arg11[%swap3A_128, %swap3A_129], %swap3A_132 {strides = array<i32>} : memref<128x128xf32, #tpu.memory_space<vmem>>, vector<1x16xf32>,
          %swap3A_133 = arith.index_cast %scan3A_88 : i32 to index
          %swap3A_134 = arith.constant 80 : index
          %swap3A_135 = tpu.vector_load %arg11[%swap3A_133, %swap3A_134] {strides = array<i32>} : memref<128x128xf32, #tpu.memory_space<vmem>>, vector<1x16xf32>,
          %swap3A_136 = vector.shape_cast %swap3A_135 : vector<1x16xf32> to vector<16xf32>
          %swap3A_137 = vector.shape_cast %bitcast_convert_type3A_127 : vector<16xf32> to vector<1x16xf32>
          tpu.vector_store %arg11[%swap3A_133, %swap3A_134], %swap3A_137 {strides = array<i32>} : memref<128x128xf32, #tpu.memory_space<vmem>>, vector<1x16xf32>,
          %get3A_138 = arith.index_cast %scan3A_88 : i32 to index
          %get3A_139 = arith.constant 48 : index
          %get3A_140 = tpu.vector_load %arg9[%get3A_138, %get3A_139] {strides = array<i32>} : memref<128x64xi32, #tpu.memory_space<vmem>>, vector<1x16xi32>,
          %get3A_141 = vector.shape_cast %get3A_140 : vector<1x16xi32> to vector<16xi32>
          %shift_left3A_142 = arith.shli %get3A_141, %broadcast_in_dim3A_51 : vector<16xi32>
          %bitcast_convert_type3A_143 = tpu.bitcast %shift_left3A_142 : vector<16xi32> -> vector<16xf32>
          %and3A_144 = arith.andi %get3A_141, %broadcast_in_dim3A_53 : vector<16xi32>
          %bitcast_convert_type3A_145 = tpu.bitcast %and3A_144 : vector<16xi32> -> vector<16xf32>
          %swap3A_146 = arith.index_cast %scan3A_88 : i32 to index
          %swap3A_147 = arith.constant 96 : index
          %swap3A_148 = tpu.vector_load %arg11[%swap3A_146, %swap3A_147] {strides = array<i32>} : memref<128x128xf32, #tpu.memory_space<vmem>>, vector<1x16xf32>,
          %swap3A_149 = vector.shape_cast %swap3A_148 : vector<1x16xf32> to vector<16xf32>
          %swap3A_150 = vector.shape_cast %bitcast_convert_type3A_143 : vector<16xf32> to vector<1x16xf32>
          tpu.vector_store %arg11[%swap3A_146, %swap3A_147], %swap3A_150 {strides = array<i32>} : memref<128x128xf32, #tpu.memory_space<vmem>>, vector<1x16xf32>,
          %swap3A_151 = arith.index_cast %scan3A_88 : i32 to index
          %swap3A_152 = arith.constant 112 : index
          %swap3A_153 = tpu.vector_load %arg11[%swap3A_151, %swap3A_152] {strides = array<i32>} : memref<128x128xf32, #tpu.memory_space<vmem>>, vector<1x16xf32>,
          %swap3A_154 = vector.shape_cast %swap3A_153 : vector<1x16xf32> to vector<16xf32>
          %swap3A_155 = vector.shape_cast %bitcast_convert_type3A_145 : vector<16xf32> to vector<1x16xf32>
          tpu.vector_store %arg11[%swap3A_151, %swap3A_152], %swap3A_155 {strides = array<i32>} : memref<128x128xf32, #tpu.memory_space<vmem>>, vector<1x16xf32>,
        }
        %scan3A_59 = arith.constant 128 : i32
        %mul3A_60 = arith.constant 2 : i32
        %mul3A_61 = arith.muli %mul3A_60, %scan3A_32 : i32
        "tpu.region"() ({
          %run_scoped3A = tpu.sem_alloc : memref<!tpu.dma_semaphore, #tpu.memory_space<semaphore_mem>>
          %dma_start3A_88 = arith.constant 0 : i32
          %dma_start3A_89 = tpu.memref_slice %arg8[%mul3A_61, %dma_start3A_88] : memref<16x128xi32, #tpu.memory_space<vmem>> -> memref<1x128xi32, #tpu.memory_space<vmem>>
          %dma_start3A_90 = tpu.memref_squeeze %dma_start3A_89 : memref<1x128xi32, #tpu.memory_space<vmem>> -> memref<128xi32, #tpu.memory_space<vmem>>
          %dma_start3A_91 = arith.constant 0 : i32
          %dma_start3A_92 = arith.constant 0 : i32
          %dma_start3A_93 = tpu.memref_slice %arg12[%dma_start3A_91, %dma_start3A_92] : memref<10240x128xf32, #tpu.memory_space<vmem_shared>> -> memref<10240x128xf32, #tpu.memory_space<vmem_shared>>
          tpu.enqueue_indirect_dma source(%arg11 : memref<128x128xf32, #tpu.memory_space<vmem>>) target(%dma_start3A_93 : memref<10240x128xf32, #tpu.memory_space<vmem_shared>>) offsets(%dma_start3A_90 : memref<128xi32, #tpu.memory_space<vmem>>) semaphore(%run_scoped3A : memref<!tpu.dma_semaphore, #tpu.memory_space<semaphore_mem>>) {add = true}
          %dma_wait3A_94 = arith.constant 0 : i32
          %dma_wait3A_95 = tpu.memref_slice %arg8[%mul3A_61, %dma_wait3A_94] : memref<16x128xi32, #tpu.memory_space<vmem>> -> memref<1x128xi32, #tpu.memory_space<vmem>>
          %dma_wait3A_96 = tpu.memref_squeeze %dma_wait3A_95 : memref<1x128xi32, #tpu.memory_space<vmem>> -> memref<128xi32, #tpu.memory_space<vmem>>
          %dma_wait3A_97 = arith.constant 0 : i32
          %dma_wait3A_98 = arith.constant 0 : i32
          %dma_wait3A_99 = tpu.memref_slice %arg12[%dma_wait3A_97, %dma_wait3A_98] : memref<10240x128xf32, #tpu.memory_space<vmem_shared>> -> memref<10240x128xf32, #tpu.memory_space<vmem_shared>>
          tpu.wait_indirect_dma semaphore(%run_scoped3A : memref<!tpu.dma_semaphore, #tpu.memory_space<semaphore_mem>>) src(%arg11 : memref<128x128xf32, #tpu.memory_space<vmem>>) dst(%dma_wait3A_99 : memref<10240x128xf32, #tpu.memory_space<vmem_shared>>)
          tpu.yield
        }) : () -> ()
        %add3A_62 = arith.constant 2 : i32
        %add3A_63 = arith.addi %add3A_37, %add3A_62 : i32
        %lt3A = arith.constant 80 : i32
        %lt3A_64 = arith.cmpi slt, %add3A_63, %lt3A : i32
        %convert_element_type3A = arith.extui %lt3A_64 : i1 to i32
        %cond3A = arith.constant 0 : i32
        %cond3A_65 = arith.cmpi ne, %convert_element_type3A, %cond3A : i32
        scf.if %cond3A_65 {
          %add3A_88 = arith.constant 2 : i32
          %add3A_89 = arith.addi %add3A_37, %add3A_88 : i32
          %dma_start3A_90 = arith.constant 0 : i32
          %dma_start3A_91 = tpu.memref_slice %arg7[%add3A_89, %dma_start3A_90] : memref<80x128xi32, #tpu.memory_space<vmem>> -> memref<1x128xi32, #tpu.memory_space<vmem>>
          %dma_start3A_92 = tpu.memref_squeeze %dma_start3A_91 : memref<1x128xi32, #tpu.memory_space<vmem>> -> memref<128xi32, #tpu.memory_space<vmem>>
          %dma_start3A_93 = arith.constant 0 : i32
          %dma_start3A_94 = arith.constant 0 : i32
          %dma_start3A_95 = tpu.memref_slice %arg2[%dma_start3A_93, %dma_start3A_94] : memref<10240x64xi32, #tpu.memory_space<hbm>> -> memref<10240x64xi32, #tpu.memory_space<hbm>>
          tpu.enqueue_indirect_dma source(%dma_start3A_95 : memref<10240x64xi32, #tpu.memory_space<hbm>>) target(%arg9 : memref<128x64xi32, #tpu.memory_space<vmem>>) offsets(%dma_start3A_92 : memref<128xi32, #tpu.memory_space<vmem>>) semaphore(%arg13 : memref<!tpu.dma_semaphore, #tpu.memory_space<semaphore_mem>>)
        } else {
        }
        %add3A_66 = arith.constant 1 : i32
        %add3A_67 = arith.addi %add3A_37, %add3A_66 : i32
        %dma_wait3A_68 = arith.constant 0 : i32
        %dma_wait3A_69 = tpu.memref_slice %arg7[%add3A_67, %dma_wait3A_68] : memref<80x128xi32, #tpu.memory_space<vmem>> -> memref<1x128xi32, #tpu.memory_space<vmem>>
        %dma_wait3A_70 = tpu.memref_squeeze %dma_wait3A_69 : memref<1x128xi32, #tpu.memory_space<vmem>> -> memref<128xi32, #tpu.memory_space<vmem>>
        %dma_wait3A_71 = arith.constant 0 : i32
        %dma_wait3A_72 = arith.constant 0 : i32
        %dma_wait3A_73 = tpu.memref_slice %arg2[%dma_wait3A_71, %dma_wait3A_72] : memref<10240x64xi32, #tpu.memory_space<hbm>> -> memref<10240x64xi32, #tpu.memory_space<hbm>>
        tpu.wait_indirect_dma semaphore(%arg14 : memref<!tpu.dma_semaphore, #tpu.memory_space<semaphore_mem>>) src(%dma_wait3A_73 : memref<10240x64xi32, #tpu.memory_space<hbm>>) dst(%arg10 : memref<128x64xi32, #tpu.memory_space<vmem>>)
        %broadcast_in_dim3A_74 = arith.constant 16 : i32
        %broadcast_in_dim3A_75 = vector.broadcast %broadcast_in_dim3A_74 : i32 to vector<16xi32>
        %broadcast_in_dim3A_76 = arith.constant -65536 : i32
        %broadcast_in_dim3A_77 = vector.broadcast %broadcast_in_dim3A_76 : i32 to vector<16xi32>
        %scan3A_78 = arith.constant 0 : i32
        %scan3A_79 = arith.constant 0 : i32
        %scan3A_80 = arith.constant 128 : i32
        %scan3A_81 = arith.addi %scan3A_79, %scan3A_80 : i32
        %scan3A_82 = arith.constant 1 : i32
        scf.for %scan3A_88 = %scan3A_79 to %scan3A_81 step %scan3A_82  : i32 {
          %get3A = arith.index_cast %scan3A_88 : i32 to index
          %get3A_89 = arith.constant 0 : index
          %get3A_90 = tpu.vector_load %arg10[%get3A, %get3A_89] {strides = array<i32>} : memref<128x64xi32, #tpu.memory_space<vmem>>, vector<1x16xi32>,
          %get3A_91 = vector.shape_cast %get3A_90 : vector<1x16xi32> to vector<16xi32>
          %shift_left3A = arith.shli %get3A_91, %broadcast_in_dim3A_75 : vector<16xi32>
          %bitcast_convert_type3A = tpu.bitcast %shift_left3A : vector<16xi32> -> vector<16xf32>
          %and3A = arith.andi %get3A_91, %broadcast_in_dim3A_77 : vector<16xi32>
          %bitcast_convert_type3A_92 = tpu.bitcast %and3A : vector<16xi32> -> vector<16xf32>
          %swap3A = arith.index_cast %scan3A_88 : i32 to index
          %swap3A_93 = arith.constant 0 : index
          %swap3A_94 = tpu.vector_load %arg11[%swap3A, %swap3A_93] {strides = array<i32>} : memref<128x128xf32, #tpu.memory_space<vmem>>, vector<1x16xf32>,
          %swap3A_95 = vector.shape_cast %swap3A_94 : vector<1x16xf32> to vector<16xf32>
          %swap3A_96 = vector.shape_cast %bitcast_convert_type3A : vector<16xf32> to vector<1x16xf32>
          tpu.vector_store %arg11[%swap3A, %swap3A_93], %swap3A_96 {strides = array<i32>} : memref<128x128xf32, #tpu.memory_space<vmem>>, vector<1x16xf32>,
          %swap3A_97 = arith.index_cast %scan3A_88 : i32 to index
          %swap3A_98 = arith.constant 16 : index
          %swap3A_99 = tpu.vector_load %arg11[%swap3A_97, %swap3A_98] {strides = array<i32>} : memref<128x128xf32, #tpu.memory_space<vmem>>, vector<1x16xf32>,
          %swap3A_100 = vector.shape_cast %swap3A_99 : vector<1x16xf32> to vector<16xf32>
          %swap3A_101 = vector.shape_cast %bitcast_convert_type3A_92 : vector<16xf32> to vector<1x16xf32>
          tpu.vector_store %arg11[%swap3A_97, %swap3A_98], %swap3A_101 {strides = array<i32>} : memref<128x128xf32, #tpu.memory_space<vmem>>, vector<1x16xf32>,
          %get3A_102 = arith.index_cast %scan3A_88 : i32 to index
          %get3A_103 = arith.constant 16 : index
          %get3A_104 = tpu.vector_load %arg10[%get3A_102, %get3A_103] {strides = array<i32>} : memref<128x64xi32, #tpu.memory_space<vmem>>, vector<1x16xi32>,
          %get3A_105 = vector.shape_cast %get3A_104 : vector<1x16xi32> to vector<16xi32>
          %shift_left3A_106 = arith.shli %get3A_105, %broadcast_in_dim3A_75 : vector<16xi32>
          %bitcast_convert_type3A_107 = tpu.bitcast %shift_left3A_106 : vector<16xi32> -> vector<16xf32>
          %and3A_108 = arith.andi %get3A_105, %broadcast_in_dim3A_77 : vector<16xi32>
          %bitcast_convert_type3A_109 = tpu.bitcast %and3A_108 : vector<16xi32> -> vector<16xf32>
          %swap3A_110 = arith.index_cast %scan3A_88 : i32 to index
          %swap3A_111 = arith.constant 32 : index
          %swap3A_112 = tpu.vector_load %arg11[%swap3A_110, %swap3A_111] {strides = array<i32>} : memref<128x128xf32, #tpu.memory_space<vmem>>, vector<1x16xf32>,
          %swap3A_113 = vector.shape_cast %swap3A_112 : vector<1x16xf32> to vector<16xf32>
          %swap3A_114 = vector.shape_cast %bitcast_convert_type3A_107 : vector<16xf32> to vector<1x16xf32>
          tpu.vector_store %arg11[%swap3A_110, %swap3A_111], %swap3A_114 {strides = array<i32>} : memref<128x128xf32, #tpu.memory_space<vmem>>, vector<1x16xf32>,
          %swap3A_115 = arith.index_cast %scan3A_88 : i32 to index
          %swap3A_116 = arith.constant 48 : index
          %swap3A_117 = tpu.vector_load %arg11[%swap3A_115, %swap3A_116] {strides = array<i32>} : memref<128x128xf32, #tpu.memory_space<vmem>>, vector<1x16xf32>,
          %swap3A_118 = vector.shape_cast %swap3A_117 : vector<1x16xf32> to vector<16xf32>
          %swap3A_119 = vector.shape_cast %bitcast_convert_type3A_109 : vector<16xf32> to vector<1x16xf32>
          tpu.vector_store %arg11[%swap3A_115, %swap3A_116], %swap3A_119 {strides = array<i32>} : memref<128x128xf32, #tpu.memory_space<vmem>>, vector<1x16xf32>,
          %get3A_120 = arith.index_cast %scan3A_88 : i32 to index
          %get3A_121 = arith.constant 32 : index
          %get3A_122 = tpu.vector_load %arg10[%get3A_120, %get3A_121] {strides = array<i32>} : memref<128x64xi32, #tpu.memory_space<vmem>>, vector<1x16xi32>,
          %get3A_123 = vector.shape_cast %get3A_122 : vector<1x16xi32> to vector<16xi32>
          %shift_left3A_124 = arith.shli %get3A_123, %broadcast_in_dim3A_75 : vector<16xi32>
          %bitcast_convert_type3A_125 = tpu.bitcast %shift_left3A_124 : vector<16xi32> -> vector<16xf32>
          %and3A_126 = arith.andi %get3A_123, %broadcast_in_dim3A_77 : vector<16xi32>
          %bitcast_convert_type3A_127 = tpu.bitcast %and3A_126 : vector<16xi32> -> vector<16xf32>
          %swap3A_128 = arith.index_cast %scan3A_88 : i32 to index
          %swap3A_129 = arith.constant 64 : index
          %swap3A_130 = tpu.vector_load %arg11[%swap3A_128, %swap3A_129] {strides = array<i32>} : memref<128x128xf32, #tpu.memory_space<vmem>>, vector<1x16xf32>,
          %swap3A_131 = vector.shape_cast %swap3A_130 : vector<1x16xf32> to vector<16xf32>
          %swap3A_132 = vector.shape_cast %bitcast_convert_type3A_125 : vector<16xf32> to vector<1x16xf32>
          tpu.vector_store %arg11[%swap3A_128, %swap3A_129], %swap3A_132 {strides = array<i32>} : memref<128x128xf32, #tpu.memory_space<vmem>>, vector<1x16xf32>,
          %swap3A_133 = arith.index_cast %scan3A_88 : i32 to index
          %swap3A_134 = arith.constant 80 : index
          %swap3A_135 = tpu.vector_load %arg11[%swap3A_133, %swap3A_134] {strides = array<i32>} : memref<128x128xf32, #tpu.memory_space<vmem>>, vector<1x16xf32>,
          %swap3A_136 = vector.shape_cast %swap3A_135 : vector<1x16xf32> to vector<16xf32>
          %swap3A_137 = vector.shape_cast %bitcast_convert_type3A_127 : vector<16xf32> to vector<1x16xf32>
          tpu.vector_store %arg11[%swap3A_133, %swap3A_134], %swap3A_137 {strides = array<i32>} : memref<128x128xf32, #tpu.memory_space<vmem>>, vector<1x16xf32>,
          %get3A_138 = arith.index_cast %scan3A_88 : i32 to index
          %get3A_139 = arith.constant 48 : index
          %get3A_140 = tpu.vector_load %arg10[%get3A_138, %get3A_139] {strides = array<i32>} : memref<128x64xi32, #tpu.memory_space<vmem>>, vector<1x16xi32>,
          %get3A_141 = vector.shape_cast %get3A_140 : vector<1x16xi32> to vector<16xi32>
          %shift_left3A_142 = arith.shli %get3A_141, %broadcast_in_dim3A_75 : vector<16xi32>
          %bitcast_convert_type3A_143 = tpu.bitcast %shift_left3A_142 : vector<16xi32> -> vector<16xf32>
          %and3A_144 = arith.andi %get3A_141, %broadcast_in_dim3A_77 : vector<16xi32>
          %bitcast_convert_type3A_145 = tpu.bitcast %and3A_144 : vector<16xi32> -> vector<16xf32>
          %swap3A_146 = arith.index_cast %scan3A_88 : i32 to index
          %swap3A_147 = arith.constant 96 : index
          %swap3A_148 = tpu.vector_load %arg11[%swap3A_146, %swap3A_147] {strides = array<i32>} : memref<128x128xf32, #tpu.memory_space<vmem>>, vector<1x16xf32>,
          %swap3A_149 = vector.shape_cast %swap3A_148 : vector<1x16xf32> to vector<16xf32>
          %swap3A_150 = vector.shape_cast %bitcast_convert_type3A_143 : vector<16xf32> to vector<1x16xf32>
          tpu.vector_store %arg11[%swap3A_146, %swap3A_147], %swap3A_150 {strides = array<i32>} : memref<128x128xf32, #tpu.memory_space<vmem>>, vector<1x16xf32>,
          %swap3A_151 = arith.index_cast %scan3A_88 : i32 to index
          %swap3A_152 = arith.constant 112 : index
          %swap3A_153 = tpu.vector_load %arg11[%swap3A_151, %swap3A_152] {strides = array<i32>} : memref<128x128xf32, #tpu.memory_space<vmem>>, vector<1x16xf32>,
          %swap3A_154 = vector.shape_cast %swap3A_153 : vector<1x16xf32> to vector<16xf32>
          %swap3A_155 = vector.shape_cast %bitcast_convert_type3A_145 : vector<16xf32> to vector<1x16xf32>
          tpu.vector_store %arg11[%swap3A_151, %swap3A_152], %swap3A_155 {strides = array<i32>} : memref<128x128xf32, #tpu.memory_space<vmem>>, vector<1x16xf32>,
        }
        %scan3A_83 = arith.constant 128 : i32
        %mul3A_84 = arith.constant 2 : i32
        %mul3A_85 = arith.muli %mul3A_84, %scan3A_32 : i32
        %add3A_86 = arith.constant 1 : i32
        %add3A_87 = arith.addi %mul3A_85, %add3A_86 : i32
        "tpu.region"() ({
          %run_scoped3A = tpu.sem_alloc : memref<!tpu.dma_semaphore, #tpu.memory_space<semaphore_mem>>
          %dma_start3A_88 = arith.constant 0 : i32
          %dma_start3A_89 = tpu.memref_slice %arg8[%add3A_87, %dma_start3A_88] : memref<16x128xi32, #tpu.memory_space<vmem>> -> memref<1x128xi32, #tpu.memory_space<vmem>>
          %dma_start3A_90 = tpu.memref_squeeze %dma_start3A_89 : memref<1x128xi32, #tpu.memory_space<vmem>> -> memref<128xi32, #tpu.memory_space<vmem>>
          %dma_start3A_91 = arith.constant 0 : i32
          %dma_start3A_92 = arith.constant 0 : i32
          %dma_start3A_93 = tpu.memref_slice %arg12[%dma_start3A_91, %dma_start3A_92] : memref<10240x128xf32, #tpu.memory_space<vmem_shared>> -> memref<10240x128xf32, #tpu.memory_space<vmem_shared>>
          tpu.enqueue_indirect_dma source(%arg11 : memref<128x128xf32, #tpu.memory_space<vmem>>) target(%dma_start3A_93 : memref<10240x128xf32, #tpu.memory_space<vmem_shared>>) offsets(%dma_start3A_90 : memref<128xi32, #tpu.memory_space<vmem>>) semaphore(%run_scoped3A : memref<!tpu.dma_semaphore, #tpu.memory_space<semaphore_mem>>) {add = true}
          %dma_wait3A_94 = arith.constant 0 : i32
          %dma_wait3A_95 = tpu.memref_slice %arg8[%add3A_87, %dma_wait3A_94] : memref<16x128xi32, #tpu.memory_space<vmem>> -> memref<1x128xi32, #tpu.memory_space<vmem>>
          %dma_wait3A_96 = tpu.memref_squeeze %dma_wait3A_95 : memref<1x128xi32, #tpu.memory_space<vmem>> -> memref<128xi32, #tpu.memory_space<vmem>>
          %dma_wait3A_97 = arith.constant 0 : i32
          %dma_wait3A_98 = arith.constant 0 : i32
          %dma_wait3A_99 = tpu.memref_slice %arg12[%dma_wait3A_97, %dma_wait3A_98] : memref<10240x128xf32, #tpu.memory_space<vmem_shared>> -> memref<10240x128xf32, #tpu.memory_space<vmem_shared>>
          tpu.wait_indirect_dma semaphore(%run_scoped3A : memref<!tpu.dma_semaphore, #tpu.memory_space<semaphore_mem>>) src(%arg11 : memref<128x128xf32, #tpu.memory_space<vmem>>) dst(%dma_wait3A_99 : memref<10240x128xf32, #tpu.memory_space<vmem_shared>>)
          tpu.yield
        }) : () -> ()
      }
      %scan3A_31 = arith.constant 8 : i32
    }
    %scan3A_15 = arith.constant 5 : i32
    %barrier3A_16 = arith.constant 0 : index
    tpu.barrier barrier_id(%barrier3A_16)
    %mul3A_17 = arith.constant 640 : i32
    %mul3A_18 = arith.muli %arg1, %mul3A_17 : i32
    %mul3A_19 = arith.constant 640 : i32
    %mul3A_20 = arith.muli %arg1, %mul3A_19 : i32
    "tpu.region"() ({
      %run_scoped3A = tpu.sem_alloc : memref<!tpu.dma_semaphore, #tpu.memory_space<semaphore_mem>>
      %dma_start3A_21 = arith.constant 0 : i32
      %dma_start3A_22 = tpu.memref_slice %arg6[%arg0, %mul3A_20, %dma_start3A_21] : memref<2x10240x128xf32, #tpu.memory_space<hbm>> -> memref<1x640x128xf32, #tpu.memory_space<hbm>>
      %dma_start3A_23 = tpu.memref_squeeze %dma_start3A_22 : memref<1x640x128xf32, #tpu.memory_space<hbm>> -> memref<640x128xf32, #tpu.memory_space<hbm>>
      %dma_start3A_24 = arith.constant 0 : i32
      %dma_start3A_25 = tpu.memref_slice %arg12[%mul3A_18, %dma_start3A_24] : memref<10240x128xf32, #tpu.memory_space<vmem_shared>> -> memref<640x128xf32, #tpu.memory_space<vmem_shared>>
      tpu.enqueue_dma source(%dma_start3A_25 : memref<640x128xf32, #tpu.memory_space<vmem_shared>>) target(%dma_start3A_23 : memref<640x128xf32, #tpu.memory_space<hbm>>) target_semaphore(%run_scoped3A : memref<!tpu.dma_semaphore, #tpu.memory_space<semaphore_mem>>)
      %dma_wait3A = arith.constant 0 : i32
      %dma_wait3A_26 = tpu.memref_slice %arg6[%arg0, %mul3A_20, %dma_wait3A] : memref<2x10240x128xf32, #tpu.memory_space<hbm>> -> memref<1x640x128xf32, #tpu.memory_space<hbm>>
      %dma_wait3A_27 = tpu.memref_squeeze %dma_wait3A_26 : memref<1x640x128xf32, #tpu.memory_space<hbm>> -> memref<640x128xf32, #tpu.memory_space<hbm>>
      %dma_wait3A_28 = arith.constant 0 : i32
      %dma_wait3A_29 = tpu.memref_slice %arg12[%mul3A_18, %dma_wait3A_28] : memref<10240x128xf32, #tpu.memory_space<vmem_shared>> -> memref<640x128xf32, #tpu.memory_space<vmem_shared>>
      tpu.wait_dma2 semaphore(%run_scoped3A : memref<!tpu.dma_semaphore, #tpu.memory_space<semaphore_mem>>) src(%dma_wait3A_29 : memref<640x128xf32, #tpu.memory_space<vmem_shared>>) dst(%dma_wait3A_27 : memref<640x128xf32, #tpu.memory_space<hbm>>)
      tpu.yield
    }) : () -> ()
    return
  }
}

#map = affine_map<(d0, d1) -> (0, 0)>
#map1 = affine_map<(d0, d1) -> (0, 0, 0)>
module attributes {stable_mosaic.version = 14 : i64} {
  func.func @_scatter_sc_body(%arg0: i32, %arg1: i32, %arg2: memref<10240x64xi32, #tpu.memory_space<hbm>>, %arg3: memref<2560x128xi32, #tpu.memory_space<hbm>>, %arg4: memref<2560x128xi32, #tpu.memory_space<hbm>>, %arg5: memref<640x128xf32, #tpu.memory_space<hbm>>, %arg6: memref<2x10240x128xf32, #tpu.memory_space<hbm>>, %arg7: memref<80x128xi32, #tpu.memory_space<vmem>>, %arg8: memref<16x128xi32, #tpu.memory_space<vmem>>, %arg9: memref<128x64xi32, #tpu.memory_space<vmem>>, %arg10: memref<128x64xi32, #tpu.memory_space<vmem>>, %arg11: memref<128x128xf32, #tpu.memory_space<vmem>>, %arg12: memref<10240x128xf32, #tpu.memory_space<vmem_shared>>, %arg13: memref<!tpu.dma_semaphore, #tpu.memory_space<semaphore_mem>>, %arg14: memref<!tpu.dma_semaphore, #tpu.memory_space<semaphore_mem>>) attributes {dimension_semantics = [#tpu.dimension_semantics<core_parallel>, #tpu.dimension_semantics<subcore_parallel>], iteration_bounds = array<i64: 2, 16>, scalar_prefetch = 0 : i64, scratch_operands = 8 : i64, tpu.core_type = #tpu.core_type<sc_vector_subcore>, window_params = [{transform_indices = #map}, {transform_indices = #map}, {transform_indices = #map}, {transform_indices = #map}, {transform_indices = #map1}]} {
    %mul3A = arith.constant 2 : i32
    %mul3A_0 = arith.muli %arg1, %mul3A : i32
    %add3A = arith.addi %mul3A_0, %arg0 : i32
    %mul3A_1 = arith.constant 80 : i32
    %mul3A_2 = arith.muli %add3A, %mul3A_1 : i32
    "tpu.region"() ({
      %run_scoped3A = tpu.sem_alloc : memref<!tpu.dma_semaphore, #tpu.memory_space<semaphore_mem>>
      %dma_start3A_21 = arith.constant 0 : i32
      %dma_start3A_22 = tpu.memref_slice %arg3[%mul3A_2, %dma_start3A_21] : memref<2560x128xi32, #tpu.memory_space<hbm>> -> memref<80x128xi32, #tpu.memory_space<hbm>>
      %dma_start3A_23 = arith.constant 0 : i32
      %dma_start3A_24 = tpu.memref_slice %arg3[%mul3A_2, %dma_start3A_23] : memref<2560x128xi32, #tpu.memory_space<hbm>> -> memref<80x128xi32, #tpu.memory_space<hbm>>
      tpu.enqueue_dma source(%dma_start3A_24 : memref<80x128xi32, #tpu.memory_space<hbm>>) target(%arg7 : memref<80x128xi32, #tpu.memory_space<vmem>>) target_semaphore(%run_scoped3A : memref<!tpu.dma_semaphore, #tpu.memory_space<semaphore_mem>>)
      %dma_wait3A = arith.constant 0 : i32
      %dma_wait3A_25 = tpu.memref_slice %arg3[%mul3A_2, %dma_wait3A] : memref<2560x128xi32, #tpu.memory_space<hbm>> -> memref<80x128xi32, #tpu.memory_space<hbm>>
      %dma_wait3A_26 = arith.constant 0 : i32
      %dma_wait3A_27 = tpu.memref_slice %arg3[%mul3A_2, %dma_wait3A_26] : memref<2560x128xi32, #tpu.memory_space<hbm>> -> memref<80x128xi32, #tpu.memory_space<hbm>>
      tpu.wait_dma2 semaphore(%run_scoped3A : memref<!tpu.dma_semaphore, #tpu.memory_space<semaphore_mem>>) src(%dma_wait3A_27 : memref<80x128xi32, #tpu.memory_space<hbm>>) dst(%arg7 : memref<80x128xi32, #tpu.memory_space<vmem>>)
      tpu.yield
    }) : () -> ()
    %mul3A_3 = arith.constant 640 : i32
    %mul3A_4 = arith.muli %arg1, %mul3A_3 : i32
    "tpu.region"() ({
      %run_scoped3A = tpu.sem_alloc : memref<!tpu.dma_semaphore, #tpu.memory_space<semaphore_mem>>
      %dma_start3A_21 = arith.constant 0 : i32
      %dma_start3A_22 = tpu.memref_slice %arg12[%mul3A_4, %dma_start3A_21] : memref<10240x128xf32, #tpu.memory_space<vmem_shared>> -> memref<640x128xf32, #tpu.memory_space<vmem_shared>>
      tpu.enqueue_dma source(%arg5 : memref<640x128xf32, #tpu.memory_space<hbm>>) target(%dma_start3A_22 : memref<640x128xf32, #tpu.memory_space<vmem_shared>>) target_semaphore(%run_scoped3A : memref<!tpu.dma_semaphore, #tpu.memory_space<semaphore_mem>>)
      %dma_wait3A = arith.constant 0 : i32
      %dma_wait3A_23 = tpu.memref_slice %arg12[%mul3A_4, %dma_wait3A] : memref<10240x128xf32, #tpu.memory_space<vmem_shared>> -> memref<640x128xf32, #tpu.memory_space<vmem_shared>>
      tpu.wait_dma2 semaphore(%run_scoped3A : memref<!tpu.dma_semaphore, #tpu.memory_space<semaphore_mem>>) src(%arg5 : memref<640x128xf32, #tpu.memory_space<hbm>>) dst(%dma_wait3A_23 : memref<640x128xf32, #tpu.memory_space<vmem_shared>>)
      tpu.yield
    }) : () -> ()
    %barrier3A = arith.constant 0 : index
    tpu.barrier barrier_id(%barrier3A)
    %dma_start3A = arith.constant 0 : i32
    %dma_start3A_5 = arith.constant 0 : i32
    %dma_start3A_6 = tpu.memref_slice %arg7[%dma_start3A, %dma_start3A_5] : memref<80x128xi32, #tpu.memory_space<vmem>> -> memref<1x128xi32, #tpu.memory_space<vmem>>
    %dma_start3A_7 = tpu.memref_squeeze %dma_start3A_6 : memref<1x128xi32, #tpu.memory_space<vmem>> -> memref<128xi32, #tpu.memory_space<vmem>>
    %dma_start3A_8 = arith.constant 0 : i32
    %dma_start3A_9 = arith.constant 0 : i32
    %dma_start3A_10 = tpu.memref_slice %arg2[%dma_start3A_8, %dma_start3A_9] : memref<10240x64xi32, #tpu.memory_space<hbm>> -> memref<10240x64xi32, #tpu.memory_space<hbm>>
    tpu.enqueue_indirect_dma source(%dma_start3A_10 : memref<10240x64xi32, #tpu.memory_space<hbm>>) target(%arg9 : memref<128x64xi32, #tpu.memory_space<vmem>>) offsets(%dma_start3A_7 : memref<128xi32, #tpu.memory_space<vmem>>) semaphore(%arg13 : memref<!tpu.dma_semaphore, #tpu.memory_space<semaphore_mem>>)
    %scan3A = arith.constant 0 : i32
    %scan3A_11 = arith.constant 0 : i32
    %scan3A_12 = arith.constant 5 : i32
    %scan3A_13 = arith.addi %scan3A_11, %scan3A_12 : i32
    %scan3A_14 = arith.constant 1 : i32
    scf.for %scan3A_21 = %scan3A_11 to %scan3A_13 step %scan3A_14  : i32 {
      %mul3A_22 = arith.constant 80 : i32
      %mul3A_23 = arith.muli %add3A, %mul3A_22 : i32
      %mul3A_24 = arith.constant 16 : i32
      %mul3A_25 = arith.muli %scan3A_21, %mul3A_24 : i32
      %add3A_26 = arith.addi %mul3A_23, %mul3A_25 : i32
      "tpu.region"() ({
        %run_scoped3A = tpu.sem_alloc : memref<!tpu.dma_semaphore, #tpu.memory_space<semaphore_mem>>
        %dma_start3A_32 = arith.constant 0 : i32
        %dma_start3A_33 = tpu.memref_slice %arg4[%add3A_26, %dma_start3A_32] : memref<2560x128xi32, #tpu.memory_space<hbm>> -> memref<16x128xi32, #tpu.memory_space<hbm>>
        %dma_start3A_34 = arith.constant 0 : i32
        %dma_start3A_35 = tpu.memref_slice %arg4[%add3A_26, %dma_start3A_34] : memref<2560x128xi32, #tpu.memory_space<hbm>> -> memref<16x128xi32, #tpu.memory_space<hbm>>
        tpu.enqueue_dma source(%dma_start3A_35 : memref<16x128xi32, #tpu.memory_space<hbm>>) target(%arg8 : memref<16x128xi32, #tpu.memory_space<vmem>>) target_semaphore(%run_scoped3A : memref<!tpu.dma_semaphore, #tpu.memory_space<semaphore_mem>>)
        %dma_wait3A = arith.constant 0 : i32
        %dma_wait3A_36 = tpu.memref_slice %arg4[%add3A_26, %dma_wait3A] : memref<2560x128xi32, #tpu.memory_space<hbm>> -> memref<16x128xi32, #tpu.memory_space<hbm>>
        %dma_wait3A_37 = arith.constant 0 : i32
        %dma_wait3A_38 = tpu.memref_slice %arg4[%add3A_26, %dma_wait3A_37] : memref<2560x128xi32, #tpu.memory_space<hbm>> -> memref<16x128xi32, #tpu.memory_space<hbm>>
        tpu.wait_dma2 semaphore(%run_scoped3A : memref<!tpu.dma_semaphore, #tpu.memory_space<semaphore_mem>>) src(%dma_wait3A_38 : memref<16x128xi32, #tpu.memory_space<hbm>>) dst(%arg8 : memref<16x128xi32, #tpu.memory_space<vmem>>)
        tpu.yield
      }) : () -> ()
      %scan3A_27 = arith.constant 0 : i32
      %scan3A_28 = arith.constant 8 : i32
      %scan3A_29 = arith.addi %scan3A_27, %scan3A_28 : i32
      %scan3A_30 = arith.constant 1 : i32
      scf.for %scan3A_32 = %scan3A_27 to %scan3A_29 step %scan3A_30  : i32 {
        %mul3A_33 = arith.constant 16 : i32
        %mul3A_34 = arith.muli %scan3A_21, %mul3A_33 : i32
        %mul3A_35 = arith.constant 2 : i32
        %mul3A_36 = arith.muli %mul3A_35, %scan3A_32 : i32
        %add3A_37 = arith.addi %mul3A_34, %mul3A_36 : i32
        %add3A_38 = arith.constant 1 : i32
        %add3A_39 = arith.addi %add3A_37, %add3A_38 : i32
        %dma_start3A_40 = arith.constant 0 : i32
        %dma_start3A_41 = tpu.memref_slice %arg7[%add3A_39, %dma_start3A_40] : memref<80x128xi32, #tpu.memory_space<vmem>> -> memref<1x128xi32, #tpu.memory_space<vmem>>
        %dma_start3A_42 = tpu.memref_squeeze %dma_start3A_41 : memref<1x128xi32, #tpu.memory_space<vmem>> -> memref<128xi32, #tpu.memory_space<vmem>>
        %dma_start3A_43 = arith.constant 0 : i32
        %dma_start3A_44 = arith.constant 0 : i32
        %dma_start3A_45 = tpu.memref_slice %arg2[%dma_start3A_43, %dma_start3A_44] : memref<10240x64xi32, #tpu.memory_space<hbm>> -> memref<10240x64xi32, #tpu.memory_space<hbm>>
        tpu.enqueue_indirect_dma source(%dma_start3A_45 : memref<10240x64xi32, #tpu.memory_space<hbm>>) target(%arg10 : memref<128x64xi32, #tpu.memory_space<vmem>>) offsets(%dma_start3A_42 : memref<128xi32, #tpu.memory_space<vmem>>) semaphore(%arg14 : memref<!tpu.dma_semaphore, #tpu.memory_space<semaphore_mem>>)
        %dma_wait3A = arith.constant 0 : i32
        %dma_wait3A_46 = tpu.memref_slice %arg7[%add3A_37, %dma_wait3A] : memref<80x128xi32, #tpu.memory_space<vmem>> -> memref<1x128xi32, #tpu.memory_space<vmem>>
        %dma_wait3A_47 = tpu.memref_squeeze %dma_wait3A_46 : memref<1x128xi32, #tpu.memory_space<vmem>> -> memref<128xi32, #tpu.memory_space<vmem>>
        %dma_wait3A_48 = arith.constant 0 : i32
        %dma_wait3A_49 = arith.constant 0 : i32
        %dma_wait3A_50 = tpu.memref_slice %arg2[%dma_wait3A_48, %dma_wait3A_49] : memref<10240x64xi32, #tpu.memory_space<hbm>> -> memref<10240x64xi32, #tpu.memory_space<hbm>>
        tpu.wait_indirect_dma semaphore(%arg13 : memref<!tpu.dma_semaphore, #tpu.memory_space<semaphore_mem>>) src(%dma_wait3A_50 : memref<10240x64xi32, #tpu.memory_space<hbm>>) dst(%arg9 : memref<128x64xi32, #tpu.memory_space<vmem>>)
        %broadcast_in_dim3A = arith.constant 16 : i32
        %broadcast_in_dim3A_51 = vector.broadcast %broadcast_in_dim3A : i32 to vector<16xi32>
        %broadcast_in_dim3A_52 = arith.constant -65536 : i32
        %broadcast_in_dim3A_53 = vector.broadcast %broadcast_in_dim3A_52 : i32 to vector<16xi32>
        %scan3A_54 = arith.constant 0 : i32
        %scan3A_55 = arith.constant 0 : i32
        %scan3A_56 = arith.constant 128 : i32
        %scan3A_57 = arith.addi %scan3A_55, %scan3A_56 : i32
        %scan3A_58 = arith.constant 1 : i32
        scf.for %scan3A_88 = %scan3A_55 to %scan3A_57 step %scan3A_58  : i32 {
          %get3A = arith.index_cast %scan3A_88 : i32 to index
          %get3A_89 = arith.constant 0 : index
          %get3A_90 = tpu.vector_load %arg9[%get3A, %get3A_89] {strides = array<i32>} : memref<128x64xi32, #tpu.memory_space<vmem>>, vector<1x16xi32>,
          %get3A_91 = vector.shape_cast %get3A_90 : vector<1x16xi32> to vector<16xi32>
          %shift_left3A = arith.shli %get3A_91, %broadcast_in_dim3A_51 : vector<16xi32>
          %bitcast_convert_type3A = tpu.bitcast %shift_left3A : vector<16xi32> -> vector<16xf32>
          %and3A = arith.andi %get3A_91, %broadcast_in_dim3A_53 : vector<16xi32>
          %bitcast_convert_type3A_92 = tpu.bitcast %and3A : vector<16xi32> -> vector<16xf32>
          %swap3A = arith.index_cast %scan3A_88 : i32 to index
          %swap3A_93 = arith.constant 0 : index
          %swap3A_94 = tpu.vector_load %arg11[%swap3A, %swap3A_93] {strides = array<i32>} : memref<128x128xf32, #tpu.memory_space<vmem>>, vector<1x16xf32>,
          %swap3A_95 = vector.shape_cast %swap3A_94 : vector<1x16xf32> to vector<16xf32>
          %swap3A_96 = vector.shape_cast %bitcast_convert_type3A : vector<16xf32> to vector<1x16xf32>
          tpu.vector_store %arg11[%swap3A, %swap3A_93], %swap3A_96 {strides = array<i32>} : memref<128x128xf32, #tpu.memory_space<vmem>>, vector<1x16xf32>,
          %swap3A_97 = arith.index_cast %scan3A_88 : i32 to index
          %swap3A_98 = arith.constant 16 : index
          %swap3A_99 = tpu.vector_load %arg11[%swap3A_97, %swap3A_98] {strides = array<i32>} : memref<128x128xf32, #tpu.memory_space<vmem>>, vector<1x16xf32>,
          %swap3A_100 = vector.shape_cast %swap3A_99 : vector<1x16xf32> to vector<16xf32>
          %swap3A_101 = vector.shape_cast %bitcast_convert_type3A_92 : vector<16xf32> to vector<1x16xf32>
          tpu.vector_store %arg11[%swap3A_97, %swap3A_98], %swap3A_101 {strides = array<i32>} : memref<128x128xf32, #tpu.memory_space<vmem>>, vector<1x16xf32>,
          %get3A_102 = arith.index_cast %scan3A_88 : i32 to index
          %get3A_103 = arith.constant 16 : index
          %get3A_104 = tpu.vector_load %arg9[%get3A_102, %get3A_103] {strides = array<i32>} : memref<128x64xi32, #tpu.memory_space<vmem>>, vector<1x16xi32>,
          %get3A_105 = vector.shape_cast %get3A_104 : vector<1x16xi32> to vector<16xi32>
          %shift_left3A_106 = arith.shli %get3A_105, %broadcast_in_dim3A_51 : vector<16xi32>
          %bitcast_convert_type3A_107 = tpu.bitcast %shift_left3A_106 : vector<16xi32> -> vector<16xf32>
          %and3A_108 = arith.andi %get3A_105, %broadcast_in_dim3A_53 : vector<16xi32>
          %bitcast_convert_type3A_109 = tpu.bitcast %and3A_108 : vector<16xi32> -> vector<16xf32>
          %swap3A_110 = arith.index_cast %scan3A_88 : i32 to index
          %swap3A_111 = arith.constant 32 : index
          %swap3A_112 = tpu.vector_load %arg11[%swap3A_110, %swap3A_111] {strides = array<i32>} : memref<128x128xf32, #tpu.memory_space<vmem>>, vector<1x16xf32>,
          %swap3A_113 = vector.shape_cast %swap3A_112 : vector<1x16xf32> to vector<16xf32>
          %swap3A_114 = vector.shape_cast %bitcast_convert_type3A_107 : vector<16xf32> to vector<1x16xf32>
          tpu.vector_store %arg11[%swap3A_110, %swap3A_111], %swap3A_114 {strides = array<i32>} : memref<128x128xf32, #tpu.memory_space<vmem>>, vector<1x16xf32>,
          %swap3A_115 = arith.index_cast %scan3A_88 : i32 to index
          %swap3A_116 = arith.constant 48 : index
          %swap3A_117 = tpu.vector_load %arg11[%swap3A_115, %swap3A_116] {strides = array<i32>} : memref<128x128xf32, #tpu.memory_space<vmem>>, vector<1x16xf32>,
          %swap3A_118 = vector.shape_cast %swap3A_117 : vector<1x16xf32> to vector<16xf32>
          %swap3A_119 = vector.shape_cast %bitcast_convert_type3A_109 : vector<16xf32> to vector<1x16xf32>
          tpu.vector_store %arg11[%swap3A_115, %swap3A_116], %swap3A_119 {strides = array<i32>} : memref<128x128xf32, #tpu.memory_space<vmem>>, vector<1x16xf32>,
          %get3A_120 = arith.index_cast %scan3A_88 : i32 to index
          %get3A_121 = arith.constant 32 : index
          %get3A_122 = tpu.vector_load %arg9[%get3A_120, %get3A_121] {strides = array<i32>} : memref<128x64xi32, #tpu.memory_space<vmem>>, vector<1x16xi32>,
          %get3A_123 = vector.shape_cast %get3A_122 : vector<1x16xi32> to vector<16xi32>
          %shift_left3A_124 = arith.shli %get3A_123, %broadcast_in_dim3A_51 : vector<16xi32>
          %bitcast_convert_type3A_125 = tpu.bitcast %shift_left3A_124 : vector<16xi32> -> vector<16xf32>
          %and3A_126 = arith.andi %get3A_123, %broadcast_in_dim3A_53 : vector<16xi32>
          %bitcast_convert_type3A_127 = tpu.bitcast %and3A_126 : vector<16xi32> -> vector<16xf32>
          %swap3A_128 = arith.index_cast %scan3A_88 : i32 to index
          %swap3A_129 = arith.constant 64 : index
          %swap3A_130 = tpu.vector_load %arg11[%swap3A_128, %swap3A_129] {strides = array<i32>} : memref<128x128xf32, #tpu.memory_space<vmem>>, vector<1x16xf32>,
          %swap3A_131 = vector.shape_cast %swap3A_130 : vector<1x16xf32> to vector<16xf32>
          %swap3A_132 = vector.shape_cast %bitcast_convert_type3A_125 : vector<16xf32> to vector<1x16xf32>
          tpu.vector_store %arg11[%swap3A_128, %swap3A_129], %swap3A_132 {strides = array<i32>} : memref<128x128xf32, #tpu.memory_space<vmem>>, vector<1x16xf32>,
          %swap3A_133 = arith.index_cast %scan3A_88 : i32 to index
          %swap3A_134 = arith.constant 80 : index
          %swap3A_135 = tpu.vector_load %arg11[%swap3A_133, %swap3A_134] {strides = array<i32>} : memref<128x128xf32, #tpu.memory_space<vmem>>, vector<1x16xf32>,
          %swap3A_136 = vector.shape_cast %swap3A_135 : vector<1x16xf32> to vector<16xf32>
          %swap3A_137 = vector.shape_cast %bitcast_convert_type3A_127 : vector<16xf32> to vector<1x16xf32>
          tpu.vector_store %arg11[%swap3A_133, %swap3A_134], %swap3A_137 {strides = array<i32>} : memref<128x128xf32, #tpu.memory_space<vmem>>, vector<1x16xf32>,
          %get3A_138 = arith.index_cast %scan3A_88 : i32 to index
          %get3A_139 = arith.constant 48 : index
          %get3A_140 = tpu.vector_load %arg9[%get3A_138, %get3A_139] {strides = array<i32>} : memref<128x64xi32, #tpu.memory_space<vmem>>, vector<1x16xi32>,
          %get3A_141 = vector.shape_cast %get3A_140 : vector<1x16xi32> to vector<16xi32>
          %shift_left3A_142 = arith.shli %get3A_141, %broadcast_in_dim3A_51 : vector<16xi32>
          %bitcast_convert_type3A_143 = tpu.bitcast %shift_left3A_142 : vector<16xi32> -> vector<16xf32>
          %and3A_144 = arith.andi %get3A_141, %broadcast_in_dim3A_53 : vector<16xi32>
          %bitcast_convert_type3A_145 = tpu.bitcast %and3A_144 : vector<16xi32> -> vector<16xf32>
          %swap3A_146 = arith.index_cast %scan3A_88 : i32 to index
          %swap3A_147 = arith.constant 96 : index
          %swap3A_148 = tpu.vector_load %arg11[%swap3A_146, %swap3A_147] {strides = array<i32>} : memref<128x128xf32, #tpu.memory_space<vmem>>, vector<1x16xf32>,
          %swap3A_149 = vector.shape_cast %swap3A_148 : vector<1x16xf32> to vector<16xf32>
          %swap3A_150 = vector.shape_cast %bitcast_convert_type3A_143 : vector<16xf32> to vector<1x16xf32>
          tpu.vector_store %arg11[%swap3A_146, %swap3A_147], %swap3A_150 {strides = array<i32>} : memref<128x128xf32, #tpu.memory_space<vmem>>, vector<1x16xf32>,
          %swap3A_151 = arith.index_cast %scan3A_88 : i32 to index
          %swap3A_152 = arith.constant 112 : index
          %swap3A_153 = tpu.vector_load %arg11[%swap3A_151, %swap3A_152] {strides = array<i32>} : memref<128x128xf32, #tpu.memory_space<vmem>>, vector<1x16xf32>,
          %swap3A_154 = vector.shape_cast %swap3A_153 : vector<1x16xf32> to vector<16xf32>
          %swap3A_155 = vector.shape_cast %bitcast_convert_type3A_145 : vector<16xf32> to vector<1x16xf32>
          tpu.vector_store %arg11[%swap3A_151, %swap3A_152], %swap3A_155 {strides = array<i32>} : memref<128x128xf32, #tpu.memory_space<vmem>>, vector<1x16xf32>,
        }
        %scan3A_59 = arith.constant 128 : i32
        %mul3A_60 = arith.constant 2 : i32
        %mul3A_61 = arith.muli %mul3A_60, %scan3A_32 : i32
        "tpu.region"() ({
          %run_scoped3A = tpu.sem_alloc : memref<!tpu.dma_semaphore, #tpu.memory_space<semaphore_mem>>
          %dma_start3A_88 = arith.constant 0 : i32
          %dma_start3A_89 = tpu.memref_slice %arg8[%mul3A_61, %dma_start3A_88] : memref<16x128xi32, #tpu.memory_space<vmem>> -> memref<1x128xi32, #tpu.memory_space<vmem>>
          %dma_start3A_90 = tpu.memref_squeeze %dma_start3A_89 : memref<1x128xi32, #tpu.memory_space<vmem>> -> memref<128xi32, #tpu.memory_space<vmem>>
          %dma_start3A_91 = arith.constant 0 : i32
          %dma_start3A_92 = arith.constant 0 : i32
          %dma_start3A_93 = tpu.memref_slice %arg12[%dma_start3A_91, %dma_start3A_92] : memref<10240x128xf32, #tpu.memory_space<vmem_shared>> -> memref<10240x128xf32, #tpu.memory_space<vmem_shared>>
          tpu.enqueue_indirect_dma source(%arg11 : memref<128x128xf32, #tpu.memory_space<vmem>>) target(%dma_start3A_93 : memref<10240x128xf32, #tpu.memory_space<vmem_shared>>) offsets(%dma_start3A_90 : memref<128xi32, #tpu.memory_space<vmem>>) semaphore(%run_scoped3A : memref<!tpu.dma_semaphore, #tpu.memory_space<semaphore_mem>>) {add = true}
          %dma_wait3A_94 = arith.constant 0 : i32
          %dma_wait3A_95 = tpu.memref_slice %arg8[%mul3A_61, %dma_wait3A_94] : memref<16x128xi32, #tpu.memory_space<vmem>> -> memref<1x128xi32, #tpu.memory_space<vmem>>
          %dma_wait3A_96 = tpu.memref_squeeze %dma_wait3A_95 : memref<1x128xi32, #tpu.memory_space<vmem>> -> memref<128xi32, #tpu.memory_space<vmem>>
          %dma_wait3A_97 = arith.constant 0 : i32
          %dma_wait3A_98 = arith.constant 0 : i32
          %dma_wait3A_99 = tpu.memref_slice %arg12[%dma_wait3A_97, %dma_wait3A_98] : memref<10240x128xf32, #tpu.memory_space<vmem_shared>> -> memref<10240x128xf32, #tpu.memory_space<vmem_shared>>
          tpu.wait_indirect_dma semaphore(%run_scoped3A : memref<!tpu.dma_semaphore, #tpu.memory_space<semaphore_mem>>) src(%arg11 : memref<128x128xf32, #tpu.memory_space<vmem>>) dst(%dma_wait3A_99 : memref<10240x128xf32, #tpu.memory_space<vmem_shared>>)
          tpu.yield
        }) : () -> ()
        %add3A_62 = arith.constant 2 : i32
        %add3A_63 = arith.addi %add3A_37, %add3A_62 : i32
        %lt3A = arith.constant 80 : i32
        %lt3A_64 = arith.cmpi slt, %add3A_63, %lt3A : i32
        %convert_element_type3A = arith.extui %lt3A_64 : i1 to i32
        %cond3A = arith.constant 0 : i32
        %cond3A_65 = arith.cmpi ne, %convert_element_type3A, %cond3A : i32
        scf.if %cond3A_65 {
          %add3A_88 = arith.constant 2 : i32
          %add3A_89 = arith.addi %add3A_37, %add3A_88 : i32
          %dma_start3A_90 = arith.constant 0 : i32
          %dma_start3A_91 = tpu.memref_slice %arg7[%add3A_89, %dma_start3A_90] : memref<80x128xi32, #tpu.memory_space<vmem>> -> memref<1x128xi32, #tpu.memory_space<vmem>>
          %dma_start3A_92 = tpu.memref_squeeze %dma_start3A_91 : memref<1x128xi32, #tpu.memory_space<vmem>> -> memref<128xi32, #tpu.memory_space<vmem>>
          %dma_start3A_93 = arith.constant 0 : i32
          %dma_start3A_94 = arith.constant 0 : i32
          %dma_start3A_95 = tpu.memref_slice %arg2[%dma_start3A_93, %dma_start3A_94] : memref<10240x64xi32, #tpu.memory_space<hbm>> -> memref<10240x64xi32, #tpu.memory_space<hbm>>
          tpu.enqueue_indirect_dma source(%dma_start3A_95 : memref<10240x64xi32, #tpu.memory_space<hbm>>) target(%arg9 : memref<128x64xi32, #tpu.memory_space<vmem>>) offsets(%dma_start3A_92 : memref<128xi32, #tpu.memory_space<vmem>>) semaphore(%arg13 : memref<!tpu.dma_semaphore, #tpu.memory_space<semaphore_mem>>)
        } else {
        }
        %add3A_66 = arith.constant 1 : i32
        %add3A_67 = arith.addi %add3A_37, %add3A_66 : i32
        %dma_wait3A_68 = arith.constant 0 : i32
        %dma_wait3A_69 = tpu.memref_slice %arg7[%add3A_67, %dma_wait3A_68] : memref<80x128xi32, #tpu.memory_space<vmem>> -> memref<1x128xi32, #tpu.memory_space<vmem>>
        %dma_wait3A_70 = tpu.memref_squeeze %dma_wait3A_69 : memref<1x128xi32, #tpu.memory_space<vmem>> -> memref<128xi32, #tpu.memory_space<vmem>>
        %dma_wait3A_71 = arith.constant 0 : i32
        %dma_wait3A_72 = arith.constant 0 : i32
        %dma_wait3A_73 = tpu.memref_slice %arg2[%dma_wait3A_71, %dma_wait3A_72] : memref<10240x64xi32, #tpu.memory_space<hbm>> -> memref<10240x64xi32, #tpu.memory_space<hbm>>
        tpu.wait_indirect_dma semaphore(%arg14 : memref<!tpu.dma_semaphore, #tpu.memory_space<semaphore_mem>>) src(%dma_wait3A_73 : memref<10240x64xi32, #tpu.memory_space<hbm>>) dst(%arg10 : memref<128x64xi32, #tpu.memory_space<vmem>>)
        %broadcast_in_dim3A_74 = arith.constant 16 : i32
        %broadcast_in_dim3A_75 = vector.broadcast %broadcast_in_dim3A_74 : i32 to vector<16xi32>
        %broadcast_in_dim3A_76 = arith.constant -65536 : i32
        %broadcast_in_dim3A_77 = vector.broadcast %broadcast_in_dim3A_76 : i32 to vector<16xi32>
        %scan3A_78 = arith.constant 0 : i32
        %scan3A_79 = arith.constant 0 : i32
        %scan3A_80 = arith.constant 128 : i32
        %scan3A_81 = arith.addi %scan3A_79, %scan3A_80 : i32
        %scan3A_82 = arith.constant 1 : i32
        scf.for %scan3A_88 = %scan3A_79 to %scan3A_81 step %scan3A_82  : i32 {
          %get3A = arith.index_cast %scan3A_88 : i32 to index
          %get3A_89 = arith.constant 0 : index
          %get3A_90 = tpu.vector_load %arg10[%get3A, %get3A_89] {strides = array<i32>} : memref<128x64xi32, #tpu.memory_space<vmem>>, vector<1x16xi32>,
          %get3A_91 = vector.shape_cast %get3A_90 : vector<1x16xi32> to vector<16xi32>
          %shift_left3A = arith.shli %get3A_91, %broadcast_in_dim3A_75 : vector<16xi32>
          %bitcast_convert_type3A = tpu.bitcast %shift_left3A : vector<16xi32> -> vector<16xf32>
          %and3A = arith.andi %get3A_91, %broadcast_in_dim3A_77 : vector<16xi32>
          %bitcast_convert_type3A_92 = tpu.bitcast %and3A : vector<16xi32> -> vector<16xf32>
          %swap3A = arith.index_cast %scan3A_88 : i32 to index
          %swap3A_93 = arith.constant 0 : index
          %swap3A_94 = tpu.vector_load %arg11[%swap3A, %swap3A_93] {strides = array<i32>} : memref<128x128xf32, #tpu.memory_space<vmem>>, vector<1x16xf32>,
          %swap3A_95 = vector.shape_cast %swap3A_94 : vector<1x16xf32> to vector<16xf32>
          %swap3A_96 = vector.shape_cast %bitcast_convert_type3A : vector<16xf32> to vector<1x16xf32>
          tpu.vector_store %arg11[%swap3A, %swap3A_93], %swap3A_96 {strides = array<i32>} : memref<128x128xf32, #tpu.memory_space<vmem>>, vector<1x16xf32>,
          %swap3A_97 = arith.index_cast %scan3A_88 : i32 to index
          %swap3A_98 = arith.constant 16 : index
          %swap3A_99 = tpu.vector_load %arg11[%swap3A_97, %swap3A_98] {strides = array<i32>} : memref<128x128xf32, #tpu.memory_space<vmem>>, vector<1x16xf32>,
          %swap3A_100 = vector.shape_cast %swap3A_99 : vector<1x16xf32> to vector<16xf32>
          %swap3A_101 = vector.shape_cast %bitcast_convert_type3A_92 : vector<16xf32> to vector<1x16xf32>
          tpu.vector_store %arg11[%swap3A_97, %swap3A_98], %swap3A_101 {strides = array<i32>} : memref<128x128xf32, #tpu.memory_space<vmem>>, vector<1x16xf32>,
          %get3A_102 = arith.index_cast %scan3A_88 : i32 to index
          %get3A_103 = arith.constant 16 : index
          %get3A_104 = tpu.vector_load %arg10[%get3A_102, %get3A_103] {strides = array<i32>} : memref<128x64xi32, #tpu.memory_space<vmem>>, vector<1x16xi32>,
          %get3A_105 = vector.shape_cast %get3A_104 : vector<1x16xi32> to vector<16xi32>
          %shift_left3A_106 = arith.shli %get3A_105, %broadcast_in_dim3A_75 : vector<16xi32>
          %bitcast_convert_type3A_107 = tpu.bitcast %shift_left3A_106 : vector<16xi32> -> vector<16xf32>
          %and3A_108 = arith.andi %get3A_105, %broadcast_in_dim3A_77 : vector<16xi32>
          %bitcast_convert_type3A_109 = tpu.bitcast %and3A_108 : vector<16xi32> -> vector<16xf32>
          %swap3A_110 = arith.index_cast %scan3A_88 : i32 to index
          %swap3A_111 = arith.constant 32 : index
          %swap3A_112 = tpu.vector_load %arg11[%swap3A_110, %swap3A_111] {strides = array<i32>} : memref<128x128xf32, #tpu.memory_space<vmem>>, vector<1x16xf32>,
          %swap3A_113 = vector.shape_cast %swap3A_112 : vector<1x16xf32> to vector<16xf32>
          %swap3A_114 = vector.shape_cast %bitcast_convert_type3A_107 : vector<16xf32> to vector<1x16xf32>
          tpu.vector_store %arg11[%swap3A_110, %swap3A_111], %swap3A_114 {strides = array<i32>} : memref<128x128xf32, #tpu.memory_space<vmem>>, vector<1x16xf32>,
          %swap3A_115 = arith.index_cast %scan3A_88 : i32 to index
          %swap3A_116 = arith.constant 48 : index
          %swap3A_117 = tpu.vector_load %arg11[%swap3A_115, %swap3A_116] {strides = array<i32>} : memref<128x128xf32, #tpu.memory_space<vmem>>, vector<1x16xf32>,
          %swap3A_118 = vector.shape_cast %swap3A_117 : vector<1x16xf32> to vector<16xf32>
          %swap3A_119 = vector.shape_cast %bitcast_convert_type3A_109 : vector<16xf32> to vector<1x16xf32>
          tpu.vector_store %arg11[%swap3A_115, %swap3A_116], %swap3A_119 {strides = array<i32>} : memref<128x128xf32, #tpu.memory_space<vmem>>, vector<1x16xf32>,
          %get3A_120 = arith.index_cast %scan3A_88 : i32 to index
          %get3A_121 = arith.constant 32 : index
          %get3A_122 = tpu.vector_load %arg10[%get3A_120, %get3A_121] {strides = array<i32>} : memref<128x64xi32, #tpu.memory_space<vmem>>, vector<1x16xi32>,
          %get3A_123 = vector.shape_cast %get3A_122 : vector<1x16xi32> to vector<16xi32>
          %shift_left3A_124 = arith.shli %get3A_123, %broadcast_in_dim3A_75 : vector<16xi32>
          %bitcast_convert_type3A_125 = tpu.bitcast %shift_left3A_124 : vector<16xi32> -> vector<16xf32>
          %and3A_126 = arith.andi %get3A_123, %broadcast_in_dim3A_77 : vector<16xi32>
          %bitcast_convert_type3A_127 = tpu.bitcast %and3A_126 : vector<16xi32> -> vector<16xf32>
          %swap3A_128 = arith.index_cast %scan3A_88 : i32 to index
          %swap3A_129 = arith.constant 64 : index
          %swap3A_130 = tpu.vector_load %arg11[%swap3A_128, %swap3A_129] {strides = array<i32>} : memref<128x128xf32, #tpu.memory_space<vmem>>, vector<1x16xf32>,
          %swap3A_131 = vector.shape_cast %swap3A_130 : vector<1x16xf32> to vector<16xf32>
          %swap3A_132 = vector.shape_cast %bitcast_convert_type3A_125 : vector<16xf32> to vector<1x16xf32>
          tpu.vector_store %arg11[%swap3A_128, %swap3A_129], %swap3A_132 {strides = array<i32>} : memref<128x128xf32, #tpu.memory_space<vmem>>, vector<1x16xf32>,
          %swap3A_133 = arith.index_cast %scan3A_88 : i32 to index
          %swap3A_134 = arith.constant 80 : index
          %swap3A_135 = tpu.vector_load %arg11[%swap3A_133, %swap3A_134] {strides = array<i32>} : memref<128x128xf32, #tpu.memory_space<vmem>>, vector<1x16xf32>,
          %swap3A_136 = vector.shape_cast %swap3A_135 : vector<1x16xf32> to vector<16xf32>
          %swap3A_137 = vector.shape_cast %bitcast_convert_type3A_127 : vector<16xf32> to vector<1x16xf32>
          tpu.vector_store %arg11[%swap3A_133, %swap3A_134], %swap3A_137 {strides = array<i32>} : memref<128x128xf32, #tpu.memory_space<vmem>>, vector<1x16xf32>,
          %get3A_138 = arith.index_cast %scan3A_88 : i32 to index
          %get3A_139 = arith.constant 48 : index
          %get3A_140 = tpu.vector_load %arg10[%get3A_138, %get3A_139] {strides = array<i32>} : memref<128x64xi32, #tpu.memory_space<vmem>>, vector<1x16xi32>,
          %get3A_141 = vector.shape_cast %get3A_140 : vector<1x16xi32> to vector<16xi32>
          %shift_left3A_142 = arith.shli %get3A_141, %broadcast_in_dim3A_75 : vector<16xi32>
          %bitcast_convert_type3A_143 = tpu.bitcast %shift_left3A_142 : vector<16xi32> -> vector<16xf32>
          %and3A_144 = arith.andi %get3A_141, %broadcast_in_dim3A_77 : vector<16xi32>
          %bitcast_convert_type3A_145 = tpu.bitcast %and3A_144 : vector<16xi32> -> vector<16xf32>
          %swap3A_146 = arith.index_cast %scan3A_88 : i32 to index
          %swap3A_147 = arith.constant 96 : index
          %swap3A_148 = tpu.vector_load %arg11[%swap3A_146, %swap3A_147] {strides = array<i32>} : memref<128x128xf32, #tpu.memory_space<vmem>>, vector<1x16xf32>,
          %swap3A_149 = vector.shape_cast %swap3A_148 : vector<1x16xf32> to vector<16xf32>
          %swap3A_150 = vector.shape_cast %bitcast_convert_type3A_143 : vector<16xf32> to vector<1x16xf32>
          tpu.vector_store %arg11[%swap3A_146, %swap3A_147], %swap3A_150 {strides = array<i32>} : memref<128x128xf32, #tpu.memory_space<vmem>>, vector<1x16xf32>,
          %swap3A_151 = arith.index_cast %scan3A_88 : i32 to index
          %swap3A_152 = arith.constant 112 : index
          %swap3A_153 = tpu.vector_load %arg11[%swap3A_151, %swap3A_152] {strides = array<i32>} : memref<128x128xf32, #tpu.memory_space<vmem>>, vector<1x16xf32>,
          %swap3A_154 = vector.shape_cast %swap3A_153 : vector<1x16xf32> to vector<16xf32>
          %swap3A_155 = vector.shape_cast %bitcast_convert_type3A_145 : vector<16xf32> to vector<1x16xf32>
          tpu.vector_store %arg11[%swap3A_151, %swap3A_152], %swap3A_155 {strides = array<i32>} : memref<128x128xf32, #tpu.memory_space<vmem>>, vector<1x16xf32>,
        }
        %scan3A_83 = arith.constant 128 : i32
        %mul3A_84 = arith.constant 2 : i32
        %mul3A_85 = arith.muli %mul3A_84, %scan3A_32 : i32
        %add3A_86 = arith.constant 1 : i32
        %add3A_87 = arith.addi %mul3A_85, %add3A_86 : i32
        "tpu.region"() ({
          %run_scoped3A = tpu.sem_alloc : memref<!tpu.dma_semaphore, #tpu.memory_space<semaphore_mem>>
          %dma_start3A_88 = arith.constant 0 : i32
          %dma_start3A_89 = tpu.memref_slice %arg8[%add3A_87, %dma_start3A_88] : memref<16x128xi32, #tpu.memory_space<vmem>> -> memref<1x128xi32, #tpu.memory_space<vmem>>
          %dma_start3A_90 = tpu.memref_squeeze %dma_start3A_89 : memref<1x128xi32, #tpu.memory_space<vmem>> -> memref<128xi32, #tpu.memory_space<vmem>>
          %dma_start3A_91 = arith.constant 0 : i32
          %dma_start3A_92 = arith.constant 0 : i32
          %dma_start3A_93 = tpu.memref_slice %arg12[%dma_start3A_91, %dma_start3A_92] : memref<10240x128xf32, #tpu.memory_space<vmem_shared>> -> memref<10240x128xf32, #tpu.memory_space<vmem_shared>>
          tpu.enqueue_indirect_dma source(%arg11 : memref<128x128xf32, #tpu.memory_space<vmem>>) target(%dma_start3A_93 : memref<10240x128xf32, #tpu.memory_space<vmem_shared>>) offsets(%dma_start3A_90 : memref<128xi32, #tpu.memory_space<vmem>>) semaphore(%run_scoped3A : memref<!tpu.dma_semaphore, #tpu.memory_space<semaphore_mem>>) {add = true}
          %dma_wait3A_94 = arith.constant 0 : i32
          %dma_wait3A_95 = tpu.memref_slice %arg8[%add3A_87, %dma_wait3A_94] : memref<16x128xi32, #tpu.memory_space<vmem>> -> memref<1x128xi32, #tpu.memory_space<vmem>>
          %dma_wait3A_96 = tpu.memref_squeeze %dma_wait3A_95 : memref<1x128xi32, #tpu.memory_space<vmem>> -> memref<128xi32, #tpu.memory_space<vmem>>
          %dma_wait3A_97 = arith.constant 0 : i32
          %dma_wait3A_98 = arith.constant 0 : i32
          %dma_wait3A_99 = tpu.memref_slice %arg12[%dma_wait3A_97, %dma_wait3A_98] : memref<10240x128xf32, #tpu.memory_space<vmem_shared>> -> memref<10240x128xf32, #tpu.memory_space<vmem_shared>>
          tpu.wait_indirect_dma semaphore(%run_scoped3A : memref<!tpu.dma_semaphore, #tpu.memory_space<semaphore_mem>>) src(%arg11 : memref<128x128xf32, #tpu.memory_space<vmem>>) dst(%dma_wait3A_99 : memref<10240x128xf32, #tpu.memory_space<vmem_shared>>)
          tpu.yield
        }) : () -> ()
      }
      %scan3A_31 = arith.constant 8 : i32
    }
    %scan3A_15 = arith.constant 5 : i32
    %barrier3A_16 = arith.constant 0 : index
    tpu.barrier barrier_id(%barrier3A_16)
    %mul3A_17 = arith.constant 640 : i32
    %mul3A_18 = arith.muli %arg1, %mul3A_17 : i32
    %mul3A_19 = arith.constant 640 : i32
    %mul3A_20 = arith.muli %arg1, %mul3A_19 : i32
    "tpu.region"() ({
      %run_scoped3A = tpu.sem_alloc : memref<!tpu.dma_semaphore, #tpu.memory_space<semaphore_mem>>
      %dma_start3A_21 = arith.constant 0 : i32
      %dma_start3A_22 = tpu.memref_slice %arg6[%arg0, %mul3A_20, %dma_start3A_21] : memref<2x10240x128xf32, #tpu.memory_space<hbm>> -> memref<1x640x128xf32, #tpu.memory_space<hbm>>
      %dma_start3A_23 = tpu.memref_squeeze %dma_start3A_22 : memref<1x640x128xf32, #tpu.memory_space<hbm>> -> memref<640x128xf32, #tpu.memory_space<hbm>>
      %dma_start3A_24 = arith.constant 0 : i32
      %dma_start3A_25 = tpu.memref_slice %arg12[%mul3A_18, %dma_start3A_24] : memref<10240x128xf32, #tpu.memory_space<vmem_shared>> -> memref<640x128xf32, #tpu.memory_space<vmem_shared>>
      tpu.enqueue_dma source(%dma_start3A_25 : memref<640x128xf32, #tpu.memory_space<vmem_shared>>) target(%dma_start3A_23 : memref<640x128xf32, #tpu.memory_space<hbm>>) target_semaphore(%run_scoped3A : memref<!tpu.dma_semaphore, #tpu.memory_space<semaphore_mem>>)
      %dma_wait3A = arith.constant 0 : i32
      %dma_wait3A_26 = tpu.memref_slice %arg6[%arg0, %mul3A_20, %dma_wait3A] : memref<2x10240x128xf32, #tpu.memory_space<hbm>> -> memref<1x640x128xf32, #tpu.memory_space<hbm>>
      %dma_wait3A_27 = tpu.memref_squeeze %dma_wait3A_26 : memref<1x640x128xf32, #tpu.memory_space<hbm>> -> memref<640x128xf32, #tpu.memory_space<hbm>>
      %dma_wait3A_28 = arith.constant 0 : i32
      %dma_wait3A_29 = tpu.memref_slice %arg12[%mul3A_18, %dma_wait3A_28] : memref<10240x128xf32, #tpu.memory_space<vmem_shared>> -> memref<640x128xf32, #tpu.memory_space<vmem_shared>>
      tpu.wait_dma2 semaphore(%run_scoped3A : memref<!tpu.dma_semaphore, #tpu.memory_space<semaphore_mem>>) src(%dma_wait3A_29 : memref<640x128xf32, #tpu.memory_space<vmem_shared>>) dst(%dma_wait3A_27 : memref<640x128xf32, #tpu.memory_space<hbm>>)
      tpu.yield
    }) : () -> ()
    return
  }
}

module attributes {stable_mosaic.version = 14 : i64} {
  func.func @_tc1_body(%arg0: i32, %arg1: memref<1024x128xf32, #tpu.memory_space<vmem>>, %arg2: memref<128x128xf32, #tpu.memory_space<vmem>>, %arg3: memref<128x128xf32, #tpu.memory_space<vmem>>, %arg4: memref<1024x128xf32, #tpu.memory_space<vmem>>, %arg5: memref<1024x128xf32, #tpu.memory_space<vmem>>, %arg6: memref<1024x128xf32, #tpu.memory_space<vmem>>, %arg7: memref<1024x128xbf16, #tpu.memory_space<vmem>>, %arg8: memref<1024x128xf32, #tpu.memory_space<vmem>>) attributes {dimension_semantics = [#tpu.dimension_semantics<arbitrary>], iteration_bounds = array<i64: 10>, scalar_prefetch = 0 : i64, scratch_operands = 0 : i64, tpu.core_type = #tpu.core_type<tc>, window_params = [{transform_indices = @transform_0, window_bounds = array<i64: 1024, 128>}, {pipeline_mode = #tpu.pipeline_mode<synchronous>, transform_indices = @transform_1, window_bounds = array<i64: 128, 128>}, {pipeline_mode = #tpu.pipeline_mode<synchronous>, transform_indices = @transform_2, window_bounds = array<i64: 128, 128>}, {transform_indices = @transform_3, window_bounds = array<i64: 1024, 128>}, {transform_indices = @transform_4, window_bounds = array<i64: 1024, 128>}, {transform_indices = @transform_5, window_bounds = array<i64: 1024, 128>}, {transform_indices = @transform_6, window_bounds = array<i64: 1024, 128>}, {transform_indices = @transform_7, window_bounds = array<i64: 1024, 128>}]} {
    %get3A = arith.constant 0 : index
    %get3A_0 = arith.constant 0 : index
    %get3A_1 = vector.load %arg4[%get3A, %get3A_0] : memref<1024x128xf32, #tpu.memory_space<vmem>>, vector<1024x1xf32>
    %get3A_2 = arith.constant 0 : index
    %get3A_3 = arith.constant 0 : index
    %get3A_4 = vector.load %arg5[%get3A_2, %get3A_3] : memref<1024x128xf32, #tpu.memory_space<vmem>>, vector<1024x1xf32>
    %add3A = arith.addf %get3A_1, %get3A_4 : vector<1024x1xf32>
    %add3A_5 = arith.constant 1.000000e+00 : f32
    %add3A_6 = vector.broadcast %add3A_5 : f32 to vector<1024x1xf32>
    %add3A_7 = arith.addf %add3A, %add3A_6 : vector<1024x1xf32>
    %rsqrt3A = math.rsqrt %add3A_7 : vector<1024x1xf32>
    %get3A_8 = arith.constant 0 : index
    %get3A_9 = arith.constant 0 : index
    %get3A_10 = vector.load %arg1[%get3A_8, %get3A_9] : memref<1024x128xf32, #tpu.memory_space<vmem>>, vector<1024x128xf32>
    %get3A_11 = arith.constant 0 : index
    %get3A_12 = arith.constant 0 : index
    %get3A_13 = vector.load %arg2[%get3A_11, %get3A_12] : memref<128x128xf32, #tpu.memory_space<vmem>>, vector<128x128xf32>
    %dot_general3A = arith.constant dense<0.000000e+00> : vector<1024x128xf32>
    %dot_general3A_14 = tpu.matmul %get3A_10, %get3A_13, %dot_general3A {dimension_numbers = #tpu.dot_dimension_numbers<[1], [0], [0], [1], [0, 0, 1, 1], [], []>, transpose_lhs_hint = false} : vector<1024x128xf32>, vector<128x128xf32>, vector<1024x128xf32> -> vector<1024x128xf32>
    %mul3A = vector.broadcast %rsqrt3A : vector<1024x1xf32> to vector<1024x128xf32>
    %mul3A_15 = arith.mulf %dot_general3A_14, %mul3A : vector<1024x128xf32>
    %swap3A = arith.constant 0 : index
    %swap3A_16 = arith.constant 0 : index
    %swap3A_17 = vector.load %arg6[%swap3A, %swap3A_16] : memref<1024x128xf32, #tpu.memory_space<vmem>>, vector<1024x128xf32>
    tpu.vector_store %arg6[%swap3A, %swap3A_16], %mul3A_15 {strides = array<i32>} : memref<1024x128xf32, #tpu.memory_space<vmem>>, vector<1024x128xf32>,
    %get3A_18 = arith.constant 0 : index
    %get3A_19 = arith.constant 0 : index
    %get3A_20 = vector.load %arg1[%get3A_18, %get3A_19] : memref<1024x128xf32, #tpu.memory_space<vmem>>, vector<1024x128xf32>
    %get3A_21 = arith.constant 0 : index
    %get3A_22 = arith.constant 0 : index
    %get3A_23 = vector.load %arg3[%get3A_21, %get3A_22] : memref<128x128xf32, #tpu.memory_space<vmem>>, vector<128x128xf32>
    %dot_general3A_24 = arith.constant dense<0.000000e+00> : vector<1024x128xf32>
    %dot_general3A_25 = tpu.matmul %get3A_20, %get3A_23, %dot_general3A_24 {dimension_numbers = #tpu.dot_dimension_numbers<[1], [0], [0], [1], [0, 0, 1, 1], [], []>, transpose_lhs_hint = false} : vector<1024x128xf32>, vector<128x128xf32>, vector<1024x128xf32> -> vector<1024x128xf32>
    %mul3A_26 = vector.broadcast %rsqrt3A : vector<1024x1xf32> to vector<1024x128xf32>
    %mul3A_27 = arith.mulf %dot_general3A_25, %mul3A_26 : vector<1024x128xf32>
    %convert_element_type3A = arith.truncf %mul3A_27 : vector<1024x128xf32> to vector<1024x128xbf16>
    %swap3A_28 = arith.constant 0 : index
    %swap3A_29 = arith.constant 0 : index
    %swap3A_30 = vector.load %arg7[%swap3A_28, %swap3A_29] : memref<1024x128xbf16, #tpu.memory_space<vmem>>, vector<1024x128xbf16>
    tpu.vector_store %arg7[%swap3A_28, %swap3A_29], %convert_element_type3A {strides = array<i32>} : memref<1024x128xbf16, #tpu.memory_space<vmem>>, vector<1024x128xbf16>,
    %broadcast_in_dim3A = vector.shape_cast %rsqrt3A : vector<1024x1xf32> to vector<1024x1xf32>
    %broadcast_in_dim3A_31 = vector.broadcast %broadcast_in_dim3A : vector<1024x1xf32> to vector<1024x128xf32>
    %swap3A_32 = arith.constant 0 : index
    %swap3A_33 = arith.constant 0 : index
    %swap3A_34 = vector.load %arg8[%swap3A_32, %swap3A_33] : memref<1024x128xf32, #tpu.memory_space<vmem>>, vector<1024x128xf32>
    tpu.vector_store %arg8[%swap3A_32, %swap3A_33], %broadcast_in_dim3A_31 {strides = array<i32>} : memref<1024x128xf32, #tpu.memory_space<vmem>>, vector<1024x128xf32>,
    return
  }
  func.func @transform_0(%arg0: i32) -> (i32, i32) {
    %c0_i32 = arith.constant 0 : i32
    %c0_i32_0 = arith.constant 0 : i32
    return %arg0, %c0_i32 : i32, i32
  }
  func.func @transform_1(%arg0: i32) -> (i32, i32) {
    %c0_i32 = arith.constant 0 : i32
    %c0_i32_0 = arith.constant 0 : i32
    %c0_i32_1 = arith.constant 0 : i32
    return %c0_i32, %c0_i32_0 : i32, i32
  }
  func.func @transform_2(%arg0: i32) -> (i32, i32) {
    %c0_i32 = arith.constant 0 : i32
    %c0_i32_0 = arith.constant 0 : i32
    %c0_i32_1 = arith.constant 0 : i32
    return %c0_i32, %c0_i32_0 : i32, i32
  }
  func.func @transform_3(%arg0: i32) -> (i32, i32) {
    %c0_i32 = arith.constant 0 : i32
    %c0_i32_0 = arith.constant 0 : i32
    return %arg0, %c0_i32 : i32, i32
  }
  func.func @transform_4(%arg0: i32) -> (i32, i32) {
    %c0_i32 = arith.constant 0 : i32
    %c0_i32_0 = arith.constant 0 : i32
    return %arg0, %c0_i32 : i32, i32
  }
  func.func @transform_5(%arg0: i32) -> (i32, i32) {
    %c0_i32 = arith.constant 0 : i32
    %c0_i32_0 = arith.constant 0 : i32
    return %arg0, %c0_i32 : i32, i32
  }
  func.func @transform_6(%arg0: i32) -> (i32, i32) {
    %c0_i32 = arith.constant 0 : i32
    %c0_i32_0 = arith.constant 0 : i32
    return %arg0, %c0_i32 : i32, i32
  }
  func.func @transform_7(%arg0: i32) -> (i32, i32) {
    %c0_i32 = arith.constant 0 : i32
    %c0_i32_0 = arith.constant 0 : i32
    return %arg0, %c0_i32 : i32, i32
  }
}

module attributes {stable_mosaic.version = 14 : i64} {
  func.func @_tc2_body(%arg0: i32, %arg1: memref<1024x128xf32, #tpu.memory_space<vmem>>, %arg2: memref<1024x128xf32, #tpu.memory_space<vmem>>, %arg3: memref<1024x128xf32, #tpu.memory_space<vmem>>, %arg4: memref<1024x128xf32, #tpu.memory_space<vmem>>, %arg5: memref<1x128xf32, #tpu.memory_space<vmem>>, %arg6: memref<1x128xf32, #tpu.memory_space<vmem>>, %arg7: memref<1x128xf32, #tpu.memory_space<vmem>>, %arg8: memref<128x128xf32, #tpu.memory_space<vmem>>, %arg9: memref<128x128xf32, #tpu.memory_space<vmem>>, %arg10: memref<1024x128xf32, #tpu.memory_space<vmem>>, %arg11: memref<1024x128xbf16, #tpu.memory_space<vmem>>) attributes {dimension_semantics = [#tpu.dimension_semantics<arbitrary>], iteration_bounds = array<i64: 10>, scalar_prefetch = 0 : i64, scratch_operands = 0 : i64, tpu.core_type = #tpu.core_type<tc>, window_params = [{transform_indices = @transform_0, window_bounds = array<i64: 1024, 128>}, {transform_indices = @transform_1, window_bounds = array<i64: 1024, 128>}, {transform_indices = @transform_2, window_bounds = array<i64: 1024, 128>}, {transform_indices = @transform_3, window_bounds = array<i64: 1024, 128>}, {pipeline_mode = #tpu.pipeline_mode<synchronous>, transform_indices = @transform_4, window_bounds = array<i64: 1, 128>}, {pipeline_mode = #tpu.pipeline_mode<synchronous>, transform_indices = @transform_5, window_bounds = array<i64: 1, 128>}, {pipeline_mode = #tpu.pipeline_mode<synchronous>, transform_indices = @transform_6, window_bounds = array<i64: 1, 128>}, {pipeline_mode = #tpu.pipeline_mode<synchronous>, transform_indices = @transform_7, window_bounds = array<i64: 128, 128>}, {pipeline_mode = #tpu.pipeline_mode<synchronous>, transform_indices = @transform_8, window_bounds = array<i64: 128, 128>}, {transform_indices = @transform_9, window_bounds = array<i64: 1024, 128>}, {transform_indices = @transform_10, window_bounds = array<i64: 1024, 128>}]} {
    %get3A = arith.constant 0 : index
    %get3A_0 = arith.constant 0 : index
    %get3A_1 = vector.load %arg1[%get3A, %get3A_0] : memref<1024x128xf32, #tpu.memory_space<vmem>>, vector<1024x128xf32>
    %get3A_2 = arith.constant 0 : index
    %get3A_3 = arith.constant 0 : index
    %get3A_4 = vector.load %arg2[%get3A_2, %get3A_3] : memref<1024x128xf32, #tpu.memory_space<vmem>>, vector<1024x128xf32>
    %add3A = arith.addf %get3A_1, %get3A_4 : vector<1024x128xf32>
    %get3A_5 = arith.constant 0 : index
    %get3A_6 = arith.constant 0 : index
    %get3A_7 = vector.load %arg3[%get3A_5, %get3A_6] : memref<1024x128xf32, #tpu.memory_space<vmem>>, vector<1024x128xf32>
    %add3A_8 = arith.addf %add3A, %get3A_7 : vector<1024x128xf32>
    %get3A_9 = arith.constant 0 : index
    %get3A_10 = arith.constant 0 : index
    %get3A_11 = vector.load %arg4[%get3A_9, %get3A_10] : memref<1024x128xf32, #tpu.memory_space<vmem>>, vector<1024x128xf32>
    %mul3A = arith.mulf %add3A_8, %get3A_11 : vector<1024x128xf32>
    %get3A_12 = arith.constant 0 : index
    %get3A_13 = arith.constant 0 : index
    %get3A_14 = vector.load %arg5[%get3A_12, %get3A_13] : memref<1x128xf32, #tpu.memory_space<vmem>>, vector<1x128xf32>
    %add3A_15 = vector.broadcast %get3A_14 : vector<1x128xf32> to vector<1024x128xf32>
    %add3A_16 = arith.addf %mul3A, %add3A_15 : vector<1024x128xf32>
    %max3A = arith.constant 0.000000e+00 : f32
    %max3A_17 = vector.broadcast %max3A : f32 to vector<1024x128xf32>
    %max3A_18 = arith.maximumf %add3A_16, %max3A_17 : vector<1024x128xf32>
    %reduce_sum3A = arith.constant dense<0.000000e+00> : vector<1024xf32>
    %reduce_sum3A_19 = vector.multi_reduction <add>, %max3A_18, %reduce_sum3A [1] : vector<1024x128xf32> to vector<1024xf32>
    %broadcast_in_dim3A = vector.shape_cast %reduce_sum3A_19 : vector<1024xf32> to vector<1024x1xf32>
    %div3A = arith.constant 1.280000e+02 : f32
    %div3A_20 = vector.broadcast %div3A : f32 to vector<1024x1xf32>
    %div3A_21 = arith.divf %broadcast_in_dim3A, %div3A_20 : vector<1024x1xf32>
    %sub3A = vector.broadcast %div3A_21 : vector<1024x1xf32> to vector<1024x128xf32>
    %sub3A_22 = arith.subf %max3A_18, %sub3A : vector<1024x128xf32>
    %mul3A_23 = arith.mulf %sub3A_22, %sub3A_22 : vector<1024x128xf32>
    %reduce_sum3A_24 = arith.constant dense<0.000000e+00> : vector<1024xf32>
    %reduce_sum3A_25 = vector.multi_reduction <add>, %mul3A_23, %reduce_sum3A_24 [1] : vector<1024x128xf32> to vector<1024xf32>
    %broadcast_in_dim3A_26 = vector.shape_cast %reduce_sum3A_25 : vector<1024xf32> to vector<1024x1xf32>
    %div3A_27 = arith.constant 1.280000e+02 : f32
    %div3A_28 = vector.broadcast %div3A_27 : f32 to vector<1024x1xf32>
    %div3A_29 = arith.divf %broadcast_in_dim3A_26, %div3A_28 : vector<1024x1xf32>
    %add3A_30 = arith.constant 9.99999974E-6 : f32
    %add3A_31 = vector.broadcast %add3A_30 : f32 to vector<1024x1xf32>
    %add3A_32 = arith.addf %div3A_29, %add3A_31 : vector<1024x1xf32>
    %rsqrt3A = math.rsqrt %add3A_32 : vector<1024x1xf32>
    %mul3A_33 = vector.broadcast %rsqrt3A : vector<1024x1xf32> to vector<1024x128xf32>
    %mul3A_34 = arith.mulf %sub3A_22, %mul3A_33 : vector<1024x128xf32>
    %get3A_35 = arith.constant 0 : index
    %get3A_36 = arith.constant 0 : index
    %get3A_37 = vector.load %arg6[%get3A_35, %get3A_36] : memref<1x128xf32, #tpu.memory_space<vmem>>, vector<1x128xf32>
    %mul3A_38 = vector.broadcast %get3A_37 : vector<1x128xf32> to vector<1024x128xf32>
    %mul3A_39 = arith.mulf %mul3A_34, %mul3A_38 : vector<1024x128xf32>
    %get3A_40 = arith.constant 0 : index
    %get3A_41 = arith.constant 0 : index
    %get3A_42 = vector.load %arg7[%get3A_40, %get3A_41] : memref<1x128xf32, #tpu.memory_space<vmem>>, vector<1x128xf32>
    %add3A_43 = vector.broadcast %get3A_42 : vector<1x128xf32> to vector<1024x128xf32>
    %add3A_44 = arith.addf %mul3A_39, %add3A_43 : vector<1024x128xf32>
    %get3A_45 = arith.constant 0 : index
    %get3A_46 = arith.constant 0 : index
    %get3A_47 = vector.load %arg8[%get3A_45, %get3A_46] : memref<128x128xf32, #tpu.memory_space<vmem>>, vector<128x128xf32>
    %dot_general3A = arith.constant dense<0.000000e+00> : vector<1024x128xf32>
    %dot_general3A_48 = tpu.matmul %add3A_44, %get3A_47, %dot_general3A {dimension_numbers = #tpu.dot_dimension_numbers<[1], [0], [0], [1], [0, 0, 1, 1], [], []>, transpose_lhs_hint = false} : vector<1024x128xf32>, vector<128x128xf32>, vector<1024x128xf32> -> vector<1024x128xf32>
    %get3A_49 = arith.constant 0 : index
    %get3A_50 = arith.constant 0 : index
    %get3A_51 = vector.load %arg4[%get3A_49, %get3A_50] : memref<1024x128xf32, #tpu.memory_space<vmem>>, vector<1024x128xf32>
    %mul3A_52 = arith.mulf %dot_general3A_48, %get3A_51 : vector<1024x128xf32>
    %swap3A = arith.constant 0 : index
    %swap3A_53 = arith.constant 0 : index
    %swap3A_54 = vector.load %arg10[%swap3A, %swap3A_53] : memref<1024x128xf32, #tpu.memory_space<vmem>>, vector<1024x128xf32>
    tpu.vector_store %arg10[%swap3A, %swap3A_53], %mul3A_52 {strides = array<i32>} : memref<1024x128xf32, #tpu.memory_space<vmem>>, vector<1024x128xf32>,
    %get3A_55 = arith.constant 0 : index
    %get3A_56 = arith.constant 0 : index
    %get3A_57 = vector.load %arg9[%get3A_55, %get3A_56] : memref<128x128xf32, #tpu.memory_space<vmem>>, vector<128x128xf32>
    %dot_general3A_58 = arith.constant dense<0.000000e+00> : vector<1024x128xf32>
    %dot_general3A_59 = tpu.matmul %add3A_44, %get3A_57, %dot_general3A_58 {dimension_numbers = #tpu.dot_dimension_numbers<[1], [0], [0], [1], [0, 0, 1, 1], [], []>, transpose_lhs_hint = false} : vector<1024x128xf32>, vector<128x128xf32>, vector<1024x128xf32> -> vector<1024x128xf32>
    %get3A_60 = arith.constant 0 : index
    %get3A_61 = arith.constant 0 : index
    %get3A_62 = vector.load %arg4[%get3A_60, %get3A_61] : memref<1024x128xf32, #tpu.memory_space<vmem>>, vector<1024x128xf32>
    %mul3A_63 = arith.mulf %dot_general3A_59, %get3A_62 : vector<1024x128xf32>
    %convert_element_type3A = arith.truncf %mul3A_63 : vector<1024x128xf32> to vector<1024x128xbf16>
    %swap3A_64 = arith.constant 0 : index
    %swap3A_65 = arith.constant 0 : index
    %swap3A_66 = vector.load %arg11[%swap3A_64, %swap3A_65] : memref<1024x128xbf16, #tpu.memory_space<vmem>>, vector<1024x128xbf16>
    tpu.vector_store %arg11[%swap3A_64, %swap3A_65], %convert_element_type3A {strides = array<i32>} : memref<1024x128xbf16, #tpu.memory_space<vmem>>, vector<1024x128xbf16>,
    return
  }
  func.func @transform_0(%arg0: i32) -> (i32, i32) {
    %c0_i32 = arith.constant 0 : i32
    %c0_i32_0 = arith.constant 0 : i32
    return %arg0, %c0_i32 : i32, i32
  }
  func.func @transform_1(%arg0: i32) -> (i32, i32) {
    %c0_i32 = arith.constant 0 : i32
    %c0_i32_0 = arith.constant 0 : i32
    return %arg0, %c0_i32 : i32, i32
  }
  func.func @transform_2(%arg0: i32) -> (i32, i32) {
    %c0_i32 = arith.constant 0 : i32
    %c0_i32_0 = arith.constant 0 : i32
    return %arg0, %c0_i32 : i32, i32
  }
  func.func @transform_3(%arg0: i32) -> (i32, i32) {
    %c0_i32 = arith.constant 0 : i32
    %c0_i32_0 = arith.constant 0 : i32
    return %arg0, %c0_i32 : i32, i32
  }
  func.func @transform_4(%arg0: i32) -> (i32, i32) {
    %c0_i32 = arith.constant 0 : i32
    %c0_i32_0 = arith.constant 0 : i32
    %c0_i32_1 = arith.constant 0 : i32
    return %c0_i32, %c0_i32_0 : i32, i32
  }
  func.func @transform_5(%arg0: i32) -> (i32, i32) {
    %c0_i32 = arith.constant 0 : i32
    %c0_i32_0 = arith.constant 0 : i32
    %c0_i32_1 = arith.constant 0 : i32
    return %c0_i32, %c0_i32_0 : i32, i32
  }
  func.func @transform_6(%arg0: i32) -> (i32, i32) {
    %c0_i32 = arith.constant 0 : i32
    %c0_i32_0 = arith.constant 0 : i32
    %c0_i32_1 = arith.constant 0 : i32
    return %c0_i32, %c0_i32_0 : i32, i32
  }
  func.func @transform_7(%arg0: i32) -> (i32, i32) {
    %c0_i32 = arith.constant 0 : i32
    %c0_i32_0 = arith.constant 0 : i32
    %c0_i32_1 = arith.constant 0 : i32
    return %c0_i32, %c0_i32_0 : i32, i32
  }
  func.func @transform_8(%arg0: i32) -> (i32, i32) {
    %c0_i32 = arith.constant 0 : i32
    %c0_i32_0 = arith.constant 0 : i32
    %c0_i32_1 = arith.constant 0 : i32
    return %c0_i32, %c0_i32_0 : i32, i32
  }
  func.func @transform_9(%arg0: i32) -> (i32, i32) {
    %c0_i32 = arith.constant 0 : i32
    %c0_i32_0 = arith.constant 0 : i32
    return %arg0, %c0_i32 : i32, i32
  }
  func.func @transform_10(%arg0: i32) -> (i32, i32) {
    %c0_i32 = arith.constant 0 : i32
    %c0_i32_0 = arith.constant 0 : i32
    return %arg0, %c0_i32 : i32, i32
  }
}

module attributes {stable_mosaic.version = 14 : i64} {
  func.func @_tc3_body(%arg0: i32, %arg1: memref<1024x128xf32, #tpu.memory_space<vmem>>, %arg2: memref<1024x128xf32, #tpu.memory_space<vmem>>, %arg3: memref<1024x128xf32, #tpu.memory_space<vmem>>, %arg4: memref<1024x128xf32, #tpu.memory_space<vmem>>, %arg5: memref<1x128xf32, #tpu.memory_space<vmem>>, %arg6: memref<1x1x1024xi32, #tpu.memory_space<vmem>>, %arg7: memref<128x128xf32, #tpu.memory_space<vmem>>, %arg8: memref<1x128xf32, #tpu.memory_space<vmem>>, %arg9: memref<64x10xf32, #tpu.memory_space<vmem>>, %arg10: memref<64x10xf32, #tpu.memory_space<vmem>>, %arg11: memref<64x128xf32, #tpu.memory_space<vmem>>, %arg12: memref<64x128xf32, #tpu.memory_space<vmem>>) attributes {dimension_semantics = [#tpu.dimension_semantics<arbitrary>], iteration_bounds = array<i64: 10>, scalar_prefetch = 0 : i64, scratch_operands = 2 : i64, tpu.core_type = #tpu.core_type<tc>, window_params = [{transform_indices = @transform_0, window_bounds = array<i64: 1024, 128>}, {transform_indices = @transform_1, window_bounds = array<i64: 1024, 128>}, {transform_indices = @transform_2, window_bounds = array<i64: 1024, 128>}, {transform_indices = @transform_3, window_bounds = array<i64: 1024, 128>}, {pipeline_mode = #tpu.pipeline_mode<synchronous>, transform_indices = @transform_4, window_bounds = array<i64: 1, 128>}, {transform_indices = @transform_5, window_bounds = array<i64: 1, 1, 1024>}, {pipeline_mode = #tpu.pipeline_mode<synchronous>, transform_indices = @transform_6, window_bounds = array<i64: 128, 128>}, {pipeline_mode = #tpu.pipeline_mode<synchronous>, transform_indices = @transform_7, window_bounds = array<i64: 1, 128>}, {pipeline_mode = #tpu.pipeline_mode<synchronous>, transform_indices = @transform_8, window_bounds = array<i64: 64, 10>}, {pipeline_mode = #tpu.pipeline_mode<synchronous>, transform_indices = @transform_9, window_bounds = array<i64: 64, 10>}]} {
    %eq3A = arith.constant 0 : i32
    %eq3A_0 = arith.cmpi eq, %arg0, %eq3A : i32
    %convert_element_type3A = arith.extui %eq3A_0 : i1 to i32
    %cond3A = arith.constant 0 : i32
    %cond3A_1 = arith.cmpi ne, %convert_element_type3A, %cond3A : i32
    scf.if %cond3A_1 {
      %broadcast_in_dim3A_49 = arith.constant 0.000000e+00 : f32
      %broadcast_in_dim3A_50 = vector.broadcast %broadcast_in_dim3A_49 : f32 to vector<64x128xf32>
      %swap3A_51 = arith.constant 0 : index
      %swap3A_52 = arith.constant 0 : index
      %swap3A_53 = vector.load %arg11[%swap3A_51, %swap3A_52] : memref<64x128xf32, #tpu.memory_space<vmem>>, vector<64x128xf32>
      tpu.vector_store %arg11[%swap3A_51, %swap3A_52], %broadcast_in_dim3A_50 {strides = array<i32>} : memref<64x128xf32, #tpu.memory_space<vmem>>, vector<64x128xf32>,
      %broadcast_in_dim3A_54 = arith.constant 0.000000e+00 : f32
      %broadcast_in_dim3A_55 = vector.broadcast %broadcast_in_dim3A_54 : f32 to vector<64x128xf32>
      %swap3A_56 = arith.constant 0 : index
      %swap3A_57 = arith.constant 0 : index
      %swap3A_58 = vector.load %arg12[%swap3A_56, %swap3A_57] : memref<64x128xf32, #tpu.memory_space<vmem>>, vector<64x128xf32>
      tpu.vector_store %arg12[%swap3A_56, %swap3A_57], %broadcast_in_dim3A_55 {strides = array<i32>} : memref<64x128xf32, #tpu.memory_space<vmem>>, vector<64x128xf32>,
    } else {
    }
    %get3A = arith.constant 0 : index
    %get3A_2 = arith.constant 0 : index
    %get3A_3 = vector.load %arg1[%get3A, %get3A_2] : memref<1024x128xf32, #tpu.memory_space<vmem>>, vector<1024x128xf32>
    %get3A_4 = arith.constant 0 : index
    %get3A_5 = arith.constant 0 : index
    %get3A_6 = vector.load %arg2[%get3A_4, %get3A_5] : memref<1024x128xf32, #tpu.memory_space<vmem>>, vector<1024x128xf32>
    %add3A = arith.addf %get3A_3, %get3A_6 : vector<1024x128xf32>
    %get3A_7 = arith.constant 0 : index
    %get3A_8 = arith.constant 0 : index
    %get3A_9 = vector.load %arg3[%get3A_7, %get3A_8] : memref<1024x128xf32, #tpu.memory_space<vmem>>, vector<1024x128xf32>
    %add3A_10 = arith.addf %add3A, %get3A_9 : vector<1024x128xf32>
    %get3A_11 = arith.constant 0 : index
    %get3A_12 = arith.constant 0 : index
    %get3A_13 = vector.load %arg4[%get3A_11, %get3A_12] : memref<1024x128xf32, #tpu.memory_space<vmem>>, vector<1024x128xf32>
    %mul3A = arith.mulf %add3A_10, %get3A_13 : vector<1024x128xf32>
    %get3A_14 = arith.constant 0 : index
    %get3A_15 = arith.constant 0 : index
    %get3A_16 = vector.load %arg5[%get3A_14, %get3A_15] : memref<1x128xf32, #tpu.memory_space<vmem>>, vector<1x128xf32>
    %add3A_17 = vector.broadcast %get3A_16 : vector<1x128xf32> to vector<1024x128xf32>
    %add3A_18 = arith.addf %mul3A, %add3A_17 : vector<1024x128xf32>
    %get3A_19 = arith.constant 0 : index
    %get3A_20 = arith.constant 0 : index
    %get3A_21 = arith.constant 0 : index
    %get3A_22 = vector.load %arg6[%get3A_19, %get3A_20, %get3A_21] : memref<1x1x1024xi32, #tpu.memory_space<vmem>>, vector<1x1x1024xi32>
    %reshape3A = vector.shape_cast %get3A_22 : vector<1x1x1024xi32> to vector<1x1024xi32>
    %iota3A = tpu.iota {dimensions = array<i32: 0>} : vector<64x1024xi32>
    %eq3A_23 = vector.broadcast %reshape3A : vector<1x1024xi32> to vector<64x1024xi32>
    %eq3A_24 = arith.cmpi eq, %iota3A, %eq3A_23 : vector<64x1024xi32>
    %convert_element_type3A_25 = arith.extui %eq3A_24 : vector<64x1024xi1> to vector<64x1024xi32>
    %convert_element_type3A_26 = arith.sitofp %convert_element_type3A_25 : vector<64x1024xi32> to vector<64x1024xf32>
    %get3A_27 = arith.constant 0 : index
    %get3A_28 = arith.constant 0 : index
    %get3A_29 = vector.load %arg11[%get3A_27, %get3A_28] : memref<64x128xf32, #tpu.memory_space<vmem>>, vector<64x128xf32>
    %dot_general3A = arith.constant dense<0.000000e+00> : vector<64x128xf32>
    %dot_general3A_30 = tpu.matmul %convert_element_type3A_26, %add3A_18, %dot_general3A {dimension_numbers = #tpu.dot_dimension_numbers<[1], [0], [0], [1], [0, 0, 1, 1], [], []>, transpose_lhs_hint = false} : vector<64x1024xf32>, vector<1024x128xf32>, vector<64x128xf32> -> vector<64x128xf32>
    %add3A_31 = arith.addf %get3A_29, %dot_general3A_30 : vector<64x128xf32>
    %swap3A = arith.constant 0 : index
    %swap3A_32 = arith.constant 0 : index
    %swap3A_33 = vector.load %arg11[%swap3A, %swap3A_32] : memref<64x128xf32, #tpu.memory_space<vmem>>, vector<64x128xf32>
    tpu.vector_store %arg11[%swap3A, %swap3A_32], %add3A_31 {strides = array<i32>} : memref<64x128xf32, #tpu.memory_space<vmem>>, vector<64x128xf32>,
    %get3A_34 = arith.constant 0 : index
    %get3A_35 = arith.constant 0 : index
    %get3A_36 = vector.load %arg12[%get3A_34, %get3A_35] : memref<64x128xf32, #tpu.memory_space<vmem>>, vector<64x128xf32>
    %reduce_sum3A = arith.constant dense<0.000000e+00> : vector<64xf32>
    %reduce_sum3A_37 = vector.multi_reduction <add>, %convert_element_type3A_26, %reduce_sum3A [1] : vector<64x1024xf32> to vector<64xf32>
    %broadcast_in_dim3A = vector.shape_cast %reduce_sum3A_37 : vector<64xf32> to vector<64x1xf32>
    %broadcast_in_dim3A_38 = vector.shape_cast %broadcast_in_dim3A : vector<64x1xf32> to vector<64x1xf32>
    %broadcast_in_dim3A_39 = vector.broadcast %broadcast_in_dim3A_38 : vector<64x1xf32> to vector<64x128xf32>
    %add3A_40 = arith.addf %get3A_36, %broadcast_in_dim3A_39 : vector<64x128xf32>
    %swap3A_41 = arith.constant 0 : index
    %swap3A_42 = arith.constant 0 : index
    %swap3A_43 = vector.load %arg12[%swap3A_41, %swap3A_42] : memref<64x128xf32, #tpu.memory_space<vmem>>, vector<64x128xf32>
    tpu.vector_store %arg12[%swap3A_41, %swap3A_42], %add3A_40 {strides = array<i32>} : memref<64x128xf32, #tpu.memory_space<vmem>>, vector<64x128xf32>,
    %eq3A_44 = arith.constant 9 : i32
    %eq3A_45 = arith.cmpi eq, %arg0, %eq3A_44 : i32
    %convert_element_type3A_46 = arith.extui %eq3A_45 : i1 to i32
    %cond3A_47 = arith.constant 0 : i32
    %cond3A_48 = arith.cmpi ne, %convert_element_type3A_46, %cond3A_47 : i32
    scf.if %cond3A_48 {
      %get3A_49 = arith.constant 0 : index
      %get3A_50 = arith.constant 0 : index
      %get3A_51 = vector.load %arg11[%get3A_49, %get3A_50] : memref<64x128xf32, #tpu.memory_space<vmem>>, vector<64x128xf32>
      %get3A_52 = arith.constant 0 : index
      %get3A_53 = arith.constant 0 : index
      %get3A_54 = vector.load %arg12[%get3A_52, %get3A_53] : memref<64x128xf32, #tpu.memory_space<vmem>>, vector<64x128xf32>
      %max3A = arith.constant 1.000000e+00 : f32
      %max3A_55 = vector.broadcast %max3A : f32 to vector<64x128xf32>
      %max3A_56 = arith.maximumf %get3A_54, %max3A_55 : vector<64x128xf32>
      %div3A = arith.divf %get3A_51, %max3A_56 : vector<64x128xf32>
      %get3A_57 = arith.constant 0 : index
      %get3A_58 = arith.constant 0 : index
      %get3A_59 = vector.load %arg7[%get3A_57, %get3A_58] : memref<128x128xf32, #tpu.memory_space<vmem>>, vector<128x128xf32>
      %dot_general3A_60 = arith.constant dense<0.000000e+00> : vector<64x128xf32>
      %dot_general3A_61 = tpu.matmul %div3A, %get3A_59, %dot_general3A_60 {dimension_numbers = #tpu.dot_dimension_numbers<[1], [0], [0], [1], [0, 0, 1, 1], [], []>, transpose_lhs_hint = false} : vector<64x128xf32>, vector<128x128xf32>, vector<64x128xf32> -> vector<64x128xf32>
      %get3A_62 = arith.constant 0 : index
      %get3A_63 = arith.constant 0 : index
      %get3A_64 = vector.load %arg8[%get3A_62, %get3A_63] : memref<1x128xf32, #tpu.memory_space<vmem>>, vector<1x128xf32>
      %add3A_65 = vector.broadcast %get3A_64 : vector<1x128xf32> to vector<64x128xf32>
      %add3A_66 = arith.addf %dot_general3A_61, %add3A_65 : vector<64x128xf32>
      %iota3A_67 = tpu.iota {dimensions = array<i32: 1>} : vector<64x128xi32>
      %lt3A = arith.constant 10 : i32
      %lt3A_68 = vector.broadcast %lt3A : i32 to vector<64x128xi32>
      %lt3A_69 = arith.cmpi slt, %iota3A_67, %lt3A_68 : vector<64x128xi32>
      %jit3A = arith.constant 0xFF800000 : f32
      %broadcast_in_dim3A_70 = vector.broadcast %jit3A : f32 to vector<64x128xf32>
      %select_n3A = arith.select %lt3A_69, %add3A_66, %broadcast_in_dim3A_70 : vector<64x128xi1>, vector<64x128xf32>
      %reduce_max3A = arith.constant dense<0xFF800000> : vector<64xf32>
      %reduce_max3A_71 = vector.multi_reduction <maximumf>, %select_n3A, %reduce_max3A [1] : vector<64x128xf32> to vector<64xf32>
      %broadcast_in_dim3A_72 = vector.shape_cast %reduce_max3A_71 : vector<64xf32> to vector<64x1xf32>
      %sub3A = vector.broadcast %broadcast_in_dim3A_72 : vector<64x1xf32> to vector<64x128xf32>
      %sub3A_73 = arith.subf %add3A_66, %sub3A : vector<64x128xf32>
      %exp3A = math.exp %sub3A_73 : vector<64x128xf32>
      %jit3A_74 = arith.constant 0.000000e+00 : f32
      %broadcast_in_dim3A_75 = vector.broadcast %jit3A_74 : f32 to vector<64x128xf32>
      %select_n3A_76 = arith.select %lt3A_69, %exp3A, %broadcast_in_dim3A_75 : vector<64x128xi1>, vector<64x128xf32>
      %reduce_sum3A_77 = arith.constant dense<0.000000e+00> : vector<64xf32>
      %reduce_sum3A_78 = vector.multi_reduction <add>, %select_n3A_76, %reduce_sum3A_77 [1] : vector<64x128xf32> to vector<64xf32>
      %broadcast_in_dim3A_79 = vector.shape_cast %reduce_sum3A_78 : vector<64xf32> to vector<64x1xf32>
      %sub3A_80 = vector.broadcast %broadcast_in_dim3A_72 : vector<64x1xf32> to vector<64x128xf32>
      %sub3A_81 = arith.subf %add3A_66, %sub3A_80 : vector<64x128xf32>
      %log3A = math.log %broadcast_in_dim3A_79 : vector<64x1xf32>
      %sub3A_82 = vector.broadcast %log3A : vector<64x1xf32> to vector<64x128xf32>
      %sub3A_83 = arith.subf %sub3A_81, %sub3A_82 : vector<64x128xf32>
      %slice3A = vector.extract_strided_slice %add3A_66 {offsets = [0, 0], sizes = [64, 10], strides = [1, 1]} : vector<64x128xf32> to vector<64x10xf32>
      %swap3A_84 = arith.constant 0 : index
      %swap3A_85 = arith.constant 0 : index
      %swap3A_86 = vector.load %arg9[%swap3A_84, %swap3A_85] : memref<64x10xf32, #tpu.memory_space<vmem>>, vector<64x10xf32>
      tpu.vector_store %arg9[%swap3A_84, %swap3A_85], %slice3A {strides = array<i32>} : memref<64x10xf32, #tpu.memory_space<vmem>>, vector<64x10xf32>,
      %slice3A_87 = vector.extract_strided_slice %sub3A_83 {offsets = [0, 0], sizes = [64, 10], strides = [1, 1]} : vector<64x128xf32> to vector<64x10xf32>
      %swap3A_88 = arith.constant 0 : index
      %swap3A_89 = arith.constant 0 : index
      %swap3A_90 = vector.load %arg10[%swap3A_88, %swap3A_89] : memref<64x10xf32, #tpu.memory_space<vmem>>, vector<64x10xf32>
      tpu.vector_store %arg10[%swap3A_88, %swap3A_89], %slice3A_87 {strides = array<i32>} : memref<64x10xf32, #tpu.memory_space<vmem>>, vector<64x10xf32>,
    } else {
    }
    return
  }
  func.func @transform_0(%arg0: i32) -> (i32, i32) {
    %c0_i32 = arith.constant 0 : i32
    %c0_i32_0 = arith.constant 0 : i32
    return %arg0, %c0_i32 : i32, i32
  }
  func.func @transform_1(%arg0: i32) -> (i32, i32) {
    %c0_i32 = arith.constant 0 : i32
    %c0_i32_0 = arith.constant 0 : i32
    return %arg0, %c0_i32 : i32, i32
  }
  func.func @transform_2(%arg0: i32) -> (i32, i32) {
    %c0_i32 = arith.constant 0 : i32
    %c0_i32_0 = arith.constant 0 : i32
    return %arg0, %c0_i32 : i32, i32
  }
  func.func @transform_3(%arg0: i32) -> (i32, i32) {
    %c0_i32 = arith.constant 0 : i32
    %c0_i32_0 = arith.constant 0 : i32
    return %arg0, %c0_i32 : i32, i32
  }
  func.func @transform_4(%arg0: i32) -> (i32, i32) {
    %c0_i32 = arith.constant 0 : i32
    %c0_i32_0 = arith.constant 0 : i32
    %c0_i32_1 = arith.constant 0 : i32
    return %c0_i32, %c0_i32_0 : i32, i32
  }
  func.func @transform_5(%arg0: i32) -> (i32, i32, i32) {
    %c0_i32 = arith.constant 0 : i32
    %c0_i32_0 = arith.constant 0 : i32
    %c0_i32_1 = arith.constant 0 : i32
    return %arg0, %c0_i32, %c0_i32_0 : i32, i32, i32
  }
  func.func @transform_6(%arg0: i32) -> (i32, i32) {
    %c0_i32 = arith.constant 0 : i32
    %c0_i32_0 = arith.constant 0 : i32
    %c0_i32_1 = arith.constant 0 : i32
    return %c0_i32, %c0_i32_0 : i32, i32
  }
  func.func @transform_7(%arg0: i32) -> (i32, i32) {
    %c0_i32 = arith.constant 0 : i32
    %c0_i32_0 = arith.constant 0 : i32
    %c0_i32_1 = arith.constant 0 : i32
    return %c0_i32, %c0_i32_0 : i32, i32
  }
  func.func @transform_8(%arg0: i32) -> (i32, i32) {
    %c0_i32 = arith.constant 0 : i32
    %c0_i32_0 = arith.constant 0 : i32
    %c0_i32_1 = arith.constant 0 : i32
    return %c0_i32, %c0_i32_0 : i32, i32
  }
  func.func @transform_9(%arg0: i32) -> (i32, i32) {
    %c0_i32 = arith.constant 0 : i32
    %c0_i32_0 = arith.constant 0 : i32
    %c0_i32_1 = arith.constant 0 : i32
    return %c0_i32, %c0_i32_0 : i32, i32
  }
}

</mosaic_0001>

<sc_bundles>
// kernel: kernel.10.cloned.1.call-start
scs
__scs_entry_jumppad:
0x0: {  	(pc) =	sbr.rel $0x88, $3  }
0x1: {  	(tag) =	ssettag $0x0;
	lr =	simm.s32 $0x1  }
0x2: {  	[smem:$0x3F92] =	sst lr;
	_ =	strace $0xD0000000  }
0x3: {  	_ = 	snop  }
0x4: {  	_ = 	snop  }
0x5: {  	_ = 	snop  }
0x6: {  	_ = 	snop  }
0x7: {  	_ = 	snop  }
__scs_overlays_trampoline_lowered:
0x8: {  	[smem:$0x3FA1] =	sst s0  }
0x9: {  	[smem:$0x3FA2] =	sst s1  }
0xa: {  	[smem:$0x3FA3] =	sst s2  }
0xb: {  	[smem:$0x3FA4] =	sst s3  }
0xc: {  	[smem:$0x3FA5] =	sst s4  }
0xd: {  	[smem:$0x3FA6] =	sst s5  }
0xe: {  	[smem:$0x3FA7] =	sst s6  }
0xf: {  	[smem:$0x3FA8] =	sst s7  }
0x10: {  	[smem:$0x3FA9] =	sst s8  }
0x11: {  	[smem:$0x3FAA] =	sst s9;
	s0 =	simm.s32 @!p0 $0x0  }
0x12: {  	s1 =	sld [smem:$0x3F90];
	s0 =	simm.s32 @p0 $0x1  }
0x13: {  	[smem:$0x3FAB] =	sst s0;
	s0 =	simm.s32 @!p1 $0x0  }
0x14: {  	s2 =	sld [smem:$0x3F8F];
	s0 =	simm.s32 @p1 $0x1  }
0x15: {  	[smem:$0x3FAC] =	sst s0;
	s0 =	simm.s32 @!p2 $0x0  }
0x16: {  	s3 =	sld [smem:$0x3FDB];
	s0 =	simm.s32 @p2 $0x1  }
0x17: {  	s4 =	simm.s32 $0x1BF5;
	[smem:$0x3FAE] =	sst s0  }
0x18: {  	s0 =	sld [smem:$0x3F91];
	_ =	swait.ge [sflag:s4], $0x0  }
0x19: {  	s7 =	sld [smem:$0x3F92]  }
0x1a: {  	s8 =	sadd.s32 $0xFFFFE003, lr  }
0x1b: {  	s9 =	sadd.s32 $0xFFFFFEF7, lr;
	s5 =	simm.s32 $0xFFFFFFFF;
	p2 =	slt.u32 s8, $0xFFFFF086  }
0x1c: {  	p1 =	slt.u32 s9, $0xF7A;
	s5 =	simm.s32 @!p2 $0x0  }
0x1d: {  	s5 =	simm.s32 @p1 $0x1;
	p0 =	seq.s32 s7, s2  }
0x1e: {  	s7 =	smul.u32 @!p0 $0xF7A, s2;
	p2 =	seq.s32 @!p0 s5, $0x0  }
0x1f: {  	s9 =	smul.u32 $0xF7A, s1;
	s8 =	simm.s32 @!p0 $0x1BF5;
	p2 =	por !p2, p0  }
0x20: {  	[sflag:s8] =	ssyncset.s32 @!p0 $0xFFFFF086;
	s6 =	sadd.s32 @!p0 s3, s7;
	s7 =	simm.s32 @!p0 $0x108  }
0x21: {  	s3 =	sadd.s32 s3, s9;
	s6 =	sadd.s32 @!p0 $0x88, s6;
	s7 =	simm.s32 @p2 $0x1082  }
0x22: {  	[simem:s7], [sflag:s8] =	dma.local @!p0 [hbm:s6], $0xF7A  }
0x23: {  	s9 =	sor.u32 $0xD0000000, s2;
	s6 =	simm.s32 $0x108;
	_ =	swait.ge @!p0 [sflag:s8], $0x0  }
0x24: {  	s3 =	sadd.s32 $0x88, s3;
	s6 =	simm.s32 @!p1 $0x1082;
	[sflag:s4] =	ssyncset.s32 $0xFFFFF086  }
0x25: {  	[simem:s6], [sflag:s4] =	dma.local [hbm:s3], $0xF7A  }
0x26: {  	[smem:$0x3F92] =	sst s1;
	(tag) =	ssettag s2;
	_ =	strace s9  }
0x27: {  	s1 =	sld [smem:$0x3FA2]  }
0x28: {  	s2 =	sld [smem:$0x3FA3]  }
0x29: {  	s4 =	sld [smem:$0x3FA5]  }
0x2a: {  	p0 =	seq.s32 s5, $0x0;
	s5 =	sld [smem:$0x3FA6]  }
0x2b: {  	s6 =	sld [smem:$0x3FA7]  }
0x2c: {  	s7 =	sld [smem:$0x3FA8]  }
0x2d: {  	s3 =	simm.s32 $0x108;
	s8 =	sld [smem:$0x3FA9]  }
0x2e: {  	s3 =	simm.s32 @!p0 $0x1082;
	s9 =	sld [smem:$0x3FAA]  }
0x2f: {  	lr =	sadd.s32 s0, s3;
	s0 =	sld [smem:$0x3FA1]  }
0x30: {  	s3 =	sld [smem:$0x3FA4]  }
0x31: {  	[smem:$0x3FAD] =	sst s10  }
0x32: {  	s10 =	sld [smem:$0x3FAB];
	_ =	sdelay $0x3  }
0x33: {  	p0 =	seq.s32 s10, $0x1;
	s10 =	sld [smem:$0x3FAD];
	_ =	sdelay $0x3  }
0x34: {  	[smem:$0x3FAD] =	sst s10  }
0x35: {  	s10 =	sld [smem:$0x3FAC];
	_ =	sdelay $0x3  }
0x36: {  	p1 =	seq.s32 s10, $0x1;
	s10 =	sld [smem:$0x3FAD];
	_ =	sdelay $0x3  }
0x37: {  	[smem:$0x3FAD] =	sst s10  }
0x38: {  	s10 =	sld [smem:$0x3FAE]  }
0x39: {  	_ = 	snop;
	(pc) =	sbr.ind lr, $3  }
0x3a: {  	_ = 	snop  }
0x3b: {  	_ = 	snop  }
0x3c: {  	p2 =	seq.s32 s10, $0x1;
	s10 =	sld [smem:$0x3FAD]  }
0x3d: {  	_ =	shalt  }
0x3e: {  	_ =	shalt  }
0x3f: {  	_ =	shalt  }
0x40: {  	_ =	shalt  }
0x41: {  	_ =	shalt  }
0x42: {  	_ =	shalt  }
0x43: {  	_ =	shalt  }
0x44: {  	_ =	shalt  }
0x45: {  	_ =	shalt  }
0x46: {  	_ =	shalt  }
0x47: {  	_ =	shalt  }
0x48: {  	_ =	shalt  }
0x49: {  	_ =	shalt  }
0x4a: {  	_ =	shalt  }
0x4b: {  	_ =	shalt  }
0x4c: {  	_ =	shalt  }
0x4d: {  	_ =	shalt  }
0x4e: {  	_ =	shalt  }
0x4f: {  	_ =	shalt  }
0x50: {  	_ =	shalt  }
0x51: {  	_ =	shalt  }
0x52: {  	_ =	shalt  }
0x53: {  	_ =	shalt  }
0x54: {  	_ =	shalt  }
0x55: {  	_ =	shalt  }
0x56: {  	_ =	shalt  }
0x57: {  	_ =	shalt  }
0x58: {  	_ =	shalt  }
0x59: {  	_ =	shalt  }
0x5a: {  	_ =	shalt  }
0x5b: {  	_ =	shalt  }
0x5c: {  	_ =	shalt  }
0x5d: {  	_ =	shalt  }
0x5e: {  	_ =	shalt  }
0x5f: {  	_ =	shalt  }
0x60: {  	_ =	shalt  }
0x61: {  	_ =	shalt  }
0x62: {  	_ =	shalt  }
0x63: {  	_ =	shalt  }
0x64: {  	_ =	shalt  }
0x65: {  	_ =	shalt  }
0x66: {  	_ =	shalt  }
0x67: {  	_ =	shalt  }
0x68: {  	_ =	shalt  }
0x69: {  	_ =	shalt  }
0x6a: {  	_ =	shalt  }
0x6b: {  	_ =	shalt  }
0x6c: {  	_ =	shalt  }
0x6d: {  	_ =	shalt  }
0x6e: {  	_ =	shalt  }
0x6f: {  	_ =	shalt  }
0x70: {  	_ =	shalt  }
0x71: {  	_ =	shalt  }
0x72: {  	_ =	shalt  }
0x73: {  	_ =	shalt  }
0x74: {  	_ =	shalt  }
0x75: {  	_ =	shalt  }
0x76: {  	_ =	shalt  }
0x77: {  	_ =	shalt  }
0x78: {  	_ =	shalt  }
0x79: {  	_ =	shalt  }
0x7a: {  	_ =	shalt  }
0x7b: {  	_ =	shalt  }
0x7c: {  	_ =	shalt  }
0x7d: {  	_ =	shalt  }
0x7e: {  	_ =	shalt  }
0x7f: {  	_ =	shalt  }
0x80: {  	_ =	shalt  }
0x81: {  	_ =	shalt  }
0x82: {  	_ =	shalt  }
0x83: {  	_ =	shalt  }
0x84: {  	_ =	shalt  }
0x85: {  	_ =	shalt  }
0x86: {  	_ =	shalt  }
0x87: {  	_ =	shalt  }
.Lfunc_end0:
.L_simem_size_0:
called_computation_lowered:
.L_overlay_start_0:
0x88: {  	s2 =	sld [smem:$0x3FD9]  }
0x89: {  	s3 =	sld [smem:$0x3FFE];
	_ =	sdelay $0x1  }
0x8a: {  	s1 =	srdreg.scid  }
0x8b: {  	s0 =	sand.u32 $0x1, s1  }
0x8c: {  	s16 =	sshll.u32 s0, $0xA;
	s2 =	sadd.s32 s3, s2  }
0x8d: {  	s2 =	sadd.s32 s2, s16  }
0x8e: {  	[smem:$0x3FB9] =	sst s2  }
0x8f: {  	_ = 	snop  }
0x90: {  	(tm) =	ssettm $0x1  }
0x91: {  	s17 =	sld [smem:$0x3FFB];
	_ =	sdelay $0x3  }
0x92: {  	_ =	strace s17  }
0x93: {  	s2 =	sld [smem:$0x3FFC];
	_ =	sdelay $0x3  }
0x94: {  	_ =	strace s2  }
0x95: {  	s2 =	sld [smem:$0x3FFD];
	_ =	sdelay $0x3  }
0x96: {  	_ =	strace s2  }
0x97: {  	_ =	strace $0x8FFFFFFF  }
0x98: {  	s18 =	sld [smem:$0x3FDB];
	_ =	sdelay $0x1  }
0x99: {  	s19 =	simm.s32 $_scs_section_size  }
0x9a: {  	s4 =	simm.s32 $_size__tile_overlayer_lowered;
	s5 =	simm.s32 $_tile_overlayer_lowered  }
0x9b: {  	s22 =	simm.s32 $0x1BFF;
	s21 =	sshll.u32 s5, $0x1;
	s2 =	sadd.s32 s19, s18  }
0x9c: {  	s6 =	simm.s32 $0x0;
	s20 =	sshll.u32 s4, $0x1;
	s4 =	sadd.s32 s21, s2  }
0x9d: {  	[timem:s6], [sflag:s22] =	dma.local [hbm:s4], s20  }
0x9e: {  	_ =	swait.ge [sflag:s22], s20  }
0x9f: {  	s3 =	ssub.s32 $0x0, s20;
	[sflag:s22] =	ssyncset.done $0x0  }
0xa0: {  	[sflag:s22] =	ssyncadd.s32 s3;
	_ =	sdelay $0x1  }
0xa1: {  	s23 =	simm.s32 $0x1B8B  }
0xa2: {  	_ =	swait.ge [sflag:s23], $0x1  }
0xa3: {  	[sflag:s23] =	ssyncset.done $0x0  }
0xa4: {  	s25 =	simm.s32 $0x1B8E;
	s24 =	sld [smem:$0x3FFE];
	[sflag:s23] =	ssyncadd.s32 $0xFFFFFFFF  }
0xa5: {  	s26 =	simm.s32 $execute0_lowered;
	[smem:$0x3FD2] =	sst s25  }
0xa6: {  	s4 =	sshll.u32 s26, $0x1;
	_ =	strace $0x80000046;
	[dreg:$0x1] =	wrdreg $0xFFFFFFFF  }
0xa7: {  	s28 =	simm.s32 $_size_execute0_lowered;
	s2 =	sadd.s32 s2, s4;
	[dreg:$0x0] =	wrdreg $0x0  }
0xa8: {  	s4 =	sshll.u32 s28, $0x1;
	[dreg:$0x2] =	wrdreg s2  }
0xa9: {  	[dreg:$0x3] =	wrdreg s4  }
0xaa: {  	[dreg:$0x4] =	wrdreg $0xC0  }
0xab: {  	_ =	task [dreg:s6], $0x5FFFF  }
0xac: {  	[dreg:$0x1] =	wrdreg $0xFFFFFFFF  }
0xad: {  	[dreg:$0x0] =	wrdreg $0x60  }
0xae: {  	[dreg:$0x2] =	wrdreg s24  }
0xaf: {  	[dreg:$0x3] =	wrdreg $0x68000  }
0xb0: {  	[dreg:$0x4] =	wrdreg $0x9  }
0xb1: {  	_ =	task.clear_ibuf [dreg:s6], $0x5FFFF;
	_ =	strace $0x90000046  }
0xb2: {  	s29 =	simm.s32 $0x9;
	_ =	strace $0x80000048  }
0xb3: {  	_ =	swait.ge [sflag:s29], $0x1  }
0xb4: {  	[sflag:s29] =	ssyncadd.s32 $0xFFFFFFFF  }
0xb5: {  	_ =	strace $0x90000048  }
0xb6: {  	_ =	sfence  }
0xb7: {  	s30 =	sld [smem:$0x0];
	_ =	sdelay $0x2  }
0xb8: {  	s31 =	sshll.u32 s1, $0xD;
	s1 =	sshrl.u32 s1, $0x2  }
0xb9: {  	s3 =	sand.u32 $0x4000, s31;
	s1 =	sadd.s32 s1, s30  }
0xba: {  	s0 =	sor.u32 s3, s0;
	s1 =	sshll.u32 s1, $0x11  }
0xbb: {  	s0 =	sor.u32 s1, s0  }
0xbc: {  	s0 =	sadd.s32 $0x8F2B, s0  }
0xbd: {  	[sflag:s0] =	ssyncadd.remote.s32 $0x1  }
0xbe: {  	_ =	sfence.sel $0xFFFF  }
0xbf: {  	[dreg:$0x0] =	wrdreg $0xFFFFFFFF;
	(pc) =	sbr.abs _section_cstart, $3  }
0xc0: {  	[dreg:$0x1] =	wrdreg $0xFFFFFFFF  }
0xc1: {  	_ =	task.clear_ibuf [dreg:s6], $0x2FFFF;
	_ =	strace $0x9FFFFFFF  }
0xc2: {  	(tm) =	ssettm $0x7FFFFFFF  }
0xc3: {  	_ =	shalt  }
tec
execute0_lowered:
.L_overlay_start_1:
0x0: {  	(tag) =	ssettag $0x1  }
0x1: {  	s1 =	srdreg.scid  }
0x2: {  	s0 =	stileid.u32;
	s7 =	rddreg [dreg:$0x0]  }
0x3: {  	s2 =	rddreg [dreg:$0x1];
	s3 =	simm.s32 $0x0;
	s13 =	simm.s32 $0x80  }
0x4: {  	s14 =	simm.s32 $0x0;
	s6 =	sand.u32 $0x1, s1;
	s8 =	smul.u32 $0x14000, s0  }
0x5: {  	s30 =	sshll.u32 s0, $0x1;
	[smem:$0x7FF] =	sst s3;
	s10 =	smul.u32 $0x50000, s0  }
0x6: {  	s11 =	sshll.u32 s0, $0x6;
	s1 =	sor.u32 s6, s30;
	s5 =	smul.u32 $0x140000, s6  }
0x7: {  	s6 =	ssub.s32 $0x2, s6;
	s11 =	sor.u32 $0x1C01, s11;
	s4 =	smul.u32 $0x500, s1  }
0x8: {  	s1 =	rddreg [dreg:$0x2];
	_ =	strace $0x80000047;
	s31 =	sshrl.u32 s6, $0x1  }
0x9: {  	s10 =	sshrl.u32 s10, $0x2;
	s8 =	sadd.s32 s8, s5;
	s5 =	sadd.s32 $0x17400, s7  }
0xa: {  	s12 =	sadd.s32 s10, s2;
	s10 =	simm.s32 $0x2800;
	s9 =	sadd.s32 s4, s7  }
0xb: {  	s4 =	sadd.s32 $0x19C00, s7;
	s8 =	sshrl.u32 s8, $0x3;
	s12 =	sshrl.u32 s12, $0x3  }
0xc: {  	s7 =	sadd.s32 s8, s7;
	s8 =	ssub.s32 s6, s31;
	s6 =	sadd.s32 $0x3400, s9  }
0xd: {  	s9 =	simm.s32 $0x1;
	s7 =	sadd.s32 $0x1A400, s7;
	s8 =	smax.u32 s8, $0x1  }
.LBB2_1:
0xe: {  	[tilespmem:s3], [sflag:$0x1] =	stream.linear.gather [hbm4b:s6+s3], $0x2800, $0x38;
	[tilespmem:$0x1A800] =	vst v63  }
0xf: {  	_ =	swait.ge [sflag:s9], $0x2800  }
0x10: {  	[sflag:s9] =	ssyncset.done $0x0  }
0x11: {  	[sflag:s9] =	ssyncadd.s32 $0xFFFFD800  }
0x12: {  	[tilespmem:s10], [sflag:$0x1] =	stream.linear.gather [hbm4b:s4+s3], $0x4000, $0x38;
	[tilespmem:$0x1A800] =	vst v63  }
0x13: {  	_ =	swait.ge [sflag:s9], $0x4000  }
0x14: {  	[sflag:s9] =	ssyncset.done $0x0  }
0x15: {  	[sflag:s9] =	ssyncadd.s32 $0xFFFFC000  }
0x16: {  	[spmem:s12], [sflag:s11] =	dma.local [hbm:s5], $0x2800  }
0x17: {  	_ =	swait.ge [sflag:s9], $0x2800  }
0x18: {  	[sflag:s9] =	ssyncset.done $0x0  }
0x19: {  	[sflag:s9] =	ssyncadd.s32 $0xFFFFD800  }
0x1a: {  	s15 =	simm.s32 $0x0;
	[bflag:$0x0] =	sbarrier.arrive $0xFFFF  }
0x1b: {  	[spmem:s2] =	stream.indirect.scatter.add.f32 [tilespmem:s10], [sflag:$0x1], $0x80, s15, s13, $0xb8;
	[tilespmem:$0x1A800] =	vst v63  }
0x1c: {  	_ =	swait.ge [sflag:s9], $0x4000  }
0x1d: {  	s15 =	simm.s32 $0x200;
	[sflag:s9] =	ssyncset.done $0x0  }
.LBB2_2:
0x1e: {  	s16 =	sshra.s32 s15, $0x2;
	[sflag:s9] =	ssyncadd.s32 $0xFFFFC000;
	p0 =	sne.s32 s15, $0x9E00  }
0x1f: {  	[spmem:s2] =	stream.indirect.scatter.add.f32 [tilespmem:s10], [sflag:$0x1], $0x80, s16, s13, $0xb8;
	[tilespmem:$0x1A800] =	vst v63  }
.Ltmp0:
0x20: {  	_ = 	snop;
	(pc) =	sbr.rel @p0 .LBB2_2-.Ltmp0, $4  }
0x21: {  	_ = 	snop  }
0x22: {  	s15 =	sadd.s32 $0x200, s15  }
0x23: {  	_ =	swait.ge [sflag:s9], $0x4000  }
0x24: {  	[sflag:s9] =	ssyncset.done $0x0  }
0x25: {  	s14 =	sadd.s32 $0x1, s14  }
0x26: {  	[sflag:s9] =	ssyncadd.s32 $0xFFFFC000;
	p0 =	sne.s32 s14, s8  }
.Ltmp1:
0x27: {  	[bflag:$0x0] =	sbarrier.arrive $0xFFFF;
	(pc) =	sbr.rel @p0 .LBB2_1-.Ltmp1, $4  }
0x28: {  	[hbm:s7], [sflag:s11] =	dma.local [spmem:s12], $0x2800  }
0x29: {  	_ =	swait.ge [sflag:s9], $0x2800  }
0x2a: {  	[sflag:s9] =	ssyncset.done $0x0  }
0x2b: {  	[sflag:s9] =	ssyncadd.s32 $0xFFFFD800  }
0x2c: {  	_ =	sfence.sel $0x180000  }
0x2d: {  	[bflag:$0x0] =	sbarrier.arrive $0xFFFF  }
0x2e: {  	p0 =	sne.s32 s0, $0x0;
	_ =	strace $0x90000047  }
0x2f: {  	s0 =	sadd.s32 @!p0 $0x100000, s1;
	[bflag:$0x2] =	sbarrier.arrive $0xFFFF  }
0x30: {  	[sflag:s0] =	ssyncadd.tile.s32 @!p0 $0x1;
	_ =	shalt  }
.Lfunc_end2:
_tile_overlayer_lowered:
.L_overlay_start_2:
0x31: {  	(tag) =	ssettag $0x2  }
0x32: {  	s0 =	rddreg [dreg:$0x0];
	s2 =	stileid.u32  }
0x33: {  	s1 =	rddreg [dreg:$0x1];
	p0 =	sne.s32 s2, $0x0  }
0x34: {  	s3 =	rddreg [dreg:$0x2];
	[bflag:$0x3] =	sbarrier.arrive $0xFFFF;
	s2 =	simm.s32 @!p0 $0x1C01  }
0x35: {  	[timem:s3], [sflag:s2] =	dma.local @!p0 [hbm:s0], s1  }
0x36: {  	s0 =	simm.s32 @!p0 $0x1  }
0x37: {  	_ =	swait.ge @!p0 [sflag:s0], s1  }
0x38: {  	s1 =	ssub.s32 @!p0 $0x0, s1;
	[sflag:s0] =	ssyncset.done @!p0 $0x0  }
0x39: {  	[sflag:s0] =	ssyncadd.s32 @!p0 s1  }
0x3a: {  	[bflag:$0x3] =	sbarrier.arrive $0xFFFF  }
0x3b: {  	_ =	shalt  }

// kernel: kernel.13.cloned.1.call-start
scs
__scs_entry_jumppad:
0x0: {  	(pc) =	sbr.rel $0x88, $3  }
0x1: {  	(tag) =	ssettag $0x0;
	lr =	simm.s32 $0x1  }
0x2: {  	[smem:$0x3F92] =	sst lr;
	_ =	strace $0xD0000000  }
0x3: {  	_ = 	snop  }
0x4: {  	_ = 	snop  }
0x5: {  	_ = 	snop  }
0x6: {  	_ = 	snop  }
0x7: {  	_ = 	snop  }
__scs_overlays_trampoline_lowered:
0x8: {  	[smem:$0x3FA1] =	sst s0  }
0x9: {  	[smem:$0x3FA2] =	sst s1  }
0xa: {  	[smem:$0x3FA3] =	sst s2  }
0xb: {  	[smem:$0x3FA4] =	sst s3  }
0xc: {  	[smem:$0x3FA5] =	sst s4  }
0xd: {  	[smem:$0x3FA6] =	sst s5  }
0xe: {  	[smem:$0x3FA7] =	sst s6  }
0xf: {  	[smem:$0x3FA8] =	sst s7  }
0x10: {  	[smem:$0x3FA9] =	sst s8  }
0x11: {  	[smem:$0x3FAA] =	sst s9;
	s0 =	simm.s32 @!p0 $0x0  }
0x12: {  	s1 =	sld [smem:$0x3F90];
	s0 =	simm.s32 @p0 $0x1  }
0x13: {  	[smem:$0x3FAB] =	sst s0;
	s0 =	simm.s32 @!p1 $0x0  }
0x14: {  	s2 =	sld [smem:$0x3F8F];
	s0 =	simm.s32 @p1 $0x1  }
0x15: {  	[smem:$0x3FAC] =	sst s0;
	s0 =	simm.s32 @!p2 $0x0  }
0x16: {  	s3 =	sld [smem:$0x3FDB];
	s0 =	simm.s32 @p2 $0x1  }
0x17: {  	s4 =	simm.s32 $0x1BF5;
	[smem:$0x3FAE] =	sst s0  }
0x18: {  	s0 =	sld [smem:$0x3F91];
	_ =	swait.ge [sflag:s4], $0x0  }
0x19: {  	s7 =	sld [smem:$0x3F92]  }
0x1a: {  	s8 =	sadd.s32 $0xFFFFE003, lr  }
0x1b: {  	s9 =	sadd.s32 $0xFFFFFEF7, lr;
	s5 =	simm.s32 $0xFFFFFFFF;
	p2 =	slt.u32 s8, $0xFFFFF086  }
0x1c: {  	p1 =	slt.u32 s9, $0xF7A;
	s5 =	simm.s32 @!p2 $0x0  }
0x1d: {  	s5 =	simm.s32 @p1 $0x1;
	p0 =	seq.s32 s7, s2  }
0x1e: {  	s7 =	smul.u32 @!p0 $0xF7A, s2;
	p2 =	seq.s32 @!p0 s5, $0x0  }
0x1f: {  	s9 =	smul.u32 $0xF7A, s1;
	s8 =	simm.s32 @!p0 $0x1BF5;
	p2 =	por !p2, p0  }
0x20: {  	[sflag:s8] =	ssyncset.s32 @!p0 $0xFFFFF086;
	s6 =	sadd.s32 @!p0 s3, s7;
	s7 =	simm.s32 @!p0 $0x108  }
0x21: {  	s3 =	sadd.s32 s3, s9;
	s6 =	sadd.s32 @!p0 $0x88, s6;
	s7 =	simm.s32 @p2 $0x1082  }
0x22: {  	[simem:s7], [sflag:s8] =	dma.local @!p0 [hbm:s6], $0xF7A  }
0x23: {  	s9 =	sor.u32 $0xD0000000, s2;
	s6 =	simm.s32 $0x108;
	_ =	swait.ge @!p0 [sflag:s8], $0x0  }
0x24: {  	s3 =	sadd.s32 $0x88, s3;
	s6 =	simm.s32 @!p1 $0x1082;
	[sflag:s4] =	ssyncset.s32 $0xFFFFF086  }
0x25: {  	[simem:s6], [sflag:s4] =	dma.local [hbm:s3], $0xF7A  }
0x26: {  	[smem:$0x3F92] =	sst s1;
	(tag) =	ssettag s2;
	_ =	strace s9  }
0x27: {  	s1 =	sld [smem:$0x3FA2]  }
0x28: {  	s2 =	sld [smem:$0x3FA3]  }
0x29: {  	s4 =	sld [smem:$0x3FA5]  }
0x2a: {  	p0 =	seq.s32 s5, $0x0;
	s5 =	sld [smem:$0x3FA6]  }
0x2b: {  	s6 =	sld [smem:$0x3FA7]  }
0x2c: {  	s7 =	sld [smem:$0x3FA8]  }
0x2d: {  	s3 =	simm.s32 $0x108;
	s8 =	sld [smem:$0x3FA9]  }
0x2e: {  	s3 =	simm.s32 @!p0 $0x1082;
	s9 =	sld [smem:$0x3FAA]  }
0x2f: {  	lr =	sadd.s32 s0, s3;
	s0 =	sld [smem:$0x3FA1]  }
0x30: {  	s3 =	sld [smem:$0x3FA4]  }
0x31: {  	[smem:$0x3FAD] =	sst s10  }
0x32: {  	s10 =	sld [smem:$0x3FAB];
	_ =	sdelay $0x3  }
0x33: {  	p0 =	seq.s32 s10, $0x1;
	s10 =	sld [smem:$0x3FAD];
	_ =	sdelay $0x3  }
0x34: {  	[smem:$0x3FAD] =	sst s10  }
0x35: {  	s10 =	sld [smem:$0x3FAC];
	_ =	sdelay $0x3  }
0x36: {  	p1 =	seq.s32 s10, $0x1;
	s10 =	sld [smem:$0x3FAD];
	_ =	sdelay $0x3  }
0x37: {  	[smem:$0x3FAD] =	sst s10  }
0x38: {  	s10 =	sld [smem:$0x3FAE]  }
0x39: {  	_ = 	snop;
	(pc) =	sbr.ind lr, $3  }
0x3a: {  	_ = 	snop  }
0x3b: {  	_ = 	snop  }
0x3c: {  	p2 =	seq.s32 s10, $0x1;
	s10 =	sld [smem:$0x3FAD]  }
0x3d: {  	_ =	shalt  }
0x3e: {  	_ =	shalt  }
0x3f: {  	_ =	shalt  }
0x40: {  	_ =	shalt  }
0x41: {  	_ =	shalt  }
0x42: {  	_ =	shalt  }
0x43: {  	_ =	shalt  }
0x44: {  	_ =	shalt  }
0x45: {  	_ =	shalt  }
0x46: {  	_ =	shalt  }
0x47: {  	_ =	shalt  }
0x48: {  	_ =	shalt  }
0x49: {  	_ =	shalt  }
0x4a: {  	_ =	shalt  }
0x4b: {  	_ =	shalt  }
0x4c: {  	_ =	shalt  }
0x4d: {  	_ =	shalt  }
0x4e: {  	_ =	shalt  }
0x4f: {  	_ =	shalt  }
0x50: {  	_ =	shalt  }
0x51: {  	_ =	shalt  }
0x52: {  	_ =	shalt  }
0x53: {  	_ =	shalt  }
0x54: {  	_ =	shalt  }
0x55: {  	_ =	shalt  }
0x56: {  	_ =	shalt  }
0x57: {  	_ =	shalt  }
0x58: {  	_ =	shalt  }
0x59: {  	_ =	shalt  }
0x5a: {  	_ =	shalt  }
0x5b: {  	_ =	shalt  }
0x5c: {  	_ =	shalt  }
0x5d: {  	_ =	shalt  }
0x5e: {  	_ =	shalt  }
0x5f: {  	_ =	shalt  }
0x60: {  	_ =	shalt  }
0x61: {  	_ =	shalt  }
0x62: {  	_ =	shalt  }
0x63: {  	_ =	shalt  }
0x64: {  	_ =	shalt  }
0x65: {  	_ =	shalt  }
0x66: {  	_ =	shalt  }
0x67: {  	_ =	shalt  }
0x68: {  	_ =	shalt  }
0x69: {  	_ =	shalt  }
0x6a: {  	_ =	shalt  }
0x6b: {  	_ =	shalt  }
0x6c: {  	_ =	shalt  }
0x6d: {  	_ =	shalt  }
0x6e: {  	_ =	shalt  }
0x6f: {  	_ =	shalt  }
0x70: {  	_ =	shalt  }
0x71: {  	_ =	shalt  }
0x72: {  	_ =	shalt  }
0x73: {  	_ =	shalt  }
0x74: {  	_ =	shalt  }
0x75: {  	_ =	shalt  }
0x76: {  	_ =	shalt  }
0x77: {  	_ =	shalt  }
0x78: {  	_ =	shalt  }
0x79: {  	_ =	shalt  }
0x7a: {  	_ =	shalt  }
0x7b: {  	_ =	shalt  }
0x7c: {  	_ =	shalt  }
0x7d: {  	_ =	shalt  }
0x7e: {  	_ =	shalt  }
0x7f: {  	_ =	shalt  }
0x80: {  	_ =	shalt  }
0x81: {  	_ =	shalt  }
0x82: {  	_ =	shalt  }
0x83: {  	_ =	shalt  }
0x84: {  	_ =	shalt  }
0x85: {  	_ =	shalt  }
0x86: {  	_ =	shalt  }
0x87: {  	_ =	shalt  }
.Lfunc_end0:
.L_simem_size_0:
called_computation.1_lowered:
.L_overlay_start_0:
0x88: {  	s2 =	sld [smem:$0x3FD9]  }
0x89: {  	s3 =	sld [smem:$0x3FFE];
	_ =	sdelay $0x1  }
0x8a: {  	s1 =	srdreg.scid  }
0x8b: {  	s0 =	sand.u32 $0x1, s1  }
0x8c: {  	s16 =	sshll.u32 s0, $0xA;
	s2 =	sadd.s32 s3, s2  }
0x8d: {  	s2 =	sadd.s32 s2, s16  }
0x8e: {  	[smem:$0x3FB9] =	sst s2  }
0x8f: {  	_ = 	snop  }
0x90: {  	(tm) =	ssettm $0x1  }
0x91: {  	s17 =	sld [smem:$0x3FFB];
	_ =	sdelay $0x3  }
0x92: {  	_ =	strace s17  }
0x93: {  	s2 =	sld [smem:$0x3FFC];
	_ =	sdelay $0x3  }
0x94: {  	_ =	strace s2  }
0x95: {  	s2 =	sld [smem:$0x3FFD];
	_ =	sdelay $0x3  }
0x96: {  	_ =	strace s2  }
0x97: {  	_ =	strace $0x8FFFFFFF  }
0x98: {  	s18 =	sld [smem:$0x3FDB];
	_ =	sdelay $0x1  }
0x99: {  	s19 =	simm.s32 $_scs_section_size  }
0x9a: {  	s4 =	simm.s32 $_size__tile_overlayer_lowered;
	s5 =	simm.s32 $_tile_overlayer_lowered  }
0x9b: {  	s22 =	simm.s32 $0x1BFF;
	s21 =	sshll.u32 s5, $0x1;
	s2 =	sadd.s32 s19, s18  }
0x9c: {  	s6 =	simm.s32 $0x0;
	s20 =	sshll.u32 s4, $0x1;
	s4 =	sadd.s32 s21, s2  }
0x9d: {  	[timem:s6], [sflag:s22] =	dma.local [hbm:s4], s20  }
0x9e: {  	_ =	swait.ge [sflag:s22], s20  }
0x9f: {  	s3 =	ssub.s32 $0x0, s20;
	[sflag:s22] =	ssyncset.done $0x0  }
0xa0: {  	[sflag:s22] =	ssyncadd.s32 s3;
	_ =	sdelay $0x1  }
0xa1: {  	s23 =	simm.s32 $0x1B8B  }
0xa2: {  	_ =	swait.ge [sflag:s23], $0x1  }
0xa3: {  	[sflag:s23] =	ssyncset.done $0x0  }
0xa4: {  	s25 =	simm.s32 $0x1B8E;
	s24 =	sld [smem:$0x3FFE];
	[sflag:s23] =	ssyncadd.s32 $0xFFFFFFFF  }
0xa5: {  	s26 =	simm.s32 $execute0_lowered;
	[smem:$0x3FD2] =	sst s25  }
0xa6: {  	s4 =	sshll.u32 s26, $0x1;
	_ =	strace $0x80000049;
	[dreg:$0x1] =	wrdreg $0xFFFFFFFF  }
0xa7: {  	s28 =	simm.s32 $_size_execute0_lowered;
	s2 =	sadd.s32 s2, s4;
	[dreg:$0x0] =	wrdreg $0x0  }
0xa8: {  	s4 =	sshll.u32 s28, $0x1;
	[dreg:$0x2] =	wrdreg s2  }
0xa9: {  	[dreg:$0x3] =	wrdreg s4  }
0xaa: {  	[dreg:$0x4] =	wrdreg $0xC0  }
0xab: {  	_ =	task [dreg:s6], $0x5FFFF  }
0xac: {  	[dreg:$0x1] =	wrdreg $0xFFFFFFFF  }
0xad: {  	[dreg:$0x0] =	wrdreg $0x60  }
0xae: {  	[dreg:$0x2] =	wrdreg s24  }
0xaf: {  	[dreg:$0x3] =	wrdreg $0xB0000  }
0xb0: {  	[dreg:$0x4] =	wrdreg $0x9  }
0xb1: {  	_ =	task.clear_ibuf [dreg:s6], $0x5FFFF;
	_ =	strace $0x90000049  }
0xb2: {  	s29 =	simm.s32 $0x9;
	_ =	strace $0x8000004B  }
0xb3: {  	_ =	swait.ge [sflag:s29], $0x1  }
0xb4: {  	[sflag:s29] =	ssyncadd.s32 $0xFFFFFFFF  }
0xb5: {  	_ =	strace $0x9000004B  }
0xb6: {  	_ =	sfence  }
0xb7: {  	s30 =	sld [smem:$0x0];
	_ =	sdelay $0x2  }
0xb8: {  	s31 =	sshll.u32 s1, $0xD;
	s1 =	sshrl.u32 s1, $0x2  }
0xb9: {  	s3 =	sand.u32 $0x4000, s31;
	s1 =	sadd.s32 s1, s30  }
0xba: {  	s0 =	sor.u32 s3, s0;
	s1 =	sshll.u32 s1, $0x11  }
0xbb: {  	s0 =	sor.u32 s1, s0  }
0xbc: {  	s0 =	sadd.s32 $0x8F2B, s0  }
0xbd: {  	[sflag:s0] =	ssyncadd.remote.s32 $0x1  }
0xbe: {  	_ =	sfence.sel $0xFFFF  }
0xbf: {  	[dreg:$0x0] =	wrdreg $0xFFFFFFFF;
	(pc) =	sbr.abs _section_cstart, $3  }
0xc0: {  	[dreg:$0x1] =	wrdreg $0xFFFFFFFF  }
0xc1: {  	_ =	task.clear_ibuf [dreg:s6], $0x2FFFF;
	_ =	strace $0x9FFFFFFF  }
0xc2: {  	(tm) =	ssettm $0x7FFFFFFF  }
0xc3: {  	_ =	shalt  }
tec
execute0_lowered:
.L_overlay_start_1:
0x0: {  	(tag) =	ssettag $0x1  }
0x1: {  	s1 =	srdreg.scid;
	s7 =	rddreg [dreg:$0x0]  }
0x2: {  	s0 =	stileid.u32;
	s2 =	rddreg [dreg:$0x1];
	s3 =	simm.s32 $0x0  }
0x3: {  	s15 =	simm.s32 $0x3000;
	s16 =	simm.s32 $0x2800;
	s17 =	simm.s32 $0x5000  }
0x4: {  	s18 =	simm.s32 $0x1;
	s19 =	simm.s32 $0x7000;
	s20 =	simm.s32 $0x2  }
0x5: {  	s21 =	simm.s32 $0x0;
	s6 =	sand.u32 $0x1, s1;
	s1 =	rddreg [dreg:$0x2]  }
0x6: {  	s30 =	sshll.u32 s0, $0x1;
	s9 =	smul.u32 $0x14000, s0;
	[smem:$0x7FF] =	sst s3  }
0x7: {  	s4 =	sadd.s32 $0x74400, s7;
	s14 =	sshll.u32 s0, $0x6;
	s8 =	sor.u32 s6, s30  }
0x8: {  	s10 =	smul.u32 $0x140000, s6;
	_ =	strace $0x8000004A;
	s12 =	ssub.s32 $0x2, s6  }
0x9: {  	s6 =	sadd.s32 $0x67400, s7;
	s5 =	smul.u32 $0x500, s8;
	s31 =	sshrl.u32 s12, $0x1  }
0xa: {  	s13 =	sadd.s32 s9, s2;
	s10 =	sadd.s32 s9, s10;
	s12 =	ssub.s32 s12, s31  }
0xb: {  	s13 =	sshrl.u32 s13, $0x3;
	s11 =	sadd.s32 s5, s7;
	s10 =	sshrl.u32 s10, $0x3  }
0xc: {  	s5 =	sadd.s32 $0xD400, s7;
	s10 =	sadd.s32 s10, s7;
	s7 =	smul.u32 $0x50, s8  }
0xd: {  	s8 =	sadd.s32 $0x6A400, s11;
	s11 =	simm.s32 $0x3;
	s9 =	sadd.s32 $0x88400, s10  }
0xe: {  	s10 =	smax.u32 s12, $0x1;
	s12 =	sor.u32 $0x1C03, s14;
	s14 =	simm.s32 $0x80  }
.LBB2_1:
0xf: {  	[tilespmem:s3], [sflag:$0x3] =	stream.linear.gather [hbm4b:s8+s3], $0x2800, $0x38;
	[tilespmem:$0x1F000] =	vst v63  }
0x10: {  	_ =	swait.ge [sflag:s11], $0x2800  }
0x11: {  	[sflag:s11] =	ssyncset.done $0x0  }
0x12: {  	[sflag:s11] =	ssyncadd.s32 $0xFFFFD800  }
0x13: {  	[spmem:s13], [sflag:s12] =	dma.local [hbm:s6], $0x2800  }
0x14: {  	_ =	swait.ge [sflag:s11], $0x2800  }
0x15: {  	[sflag:s11] =	ssyncset.done $0x0  }
0x16: {  	[sflag:s11] =	ssyncadd.s32 $0xFFFFD800  }
0x17: {  	s22 =	simm.s32 $0x0;
	[bflag:$0x0] =	sbarrier.arrive $0xFFFF  }
0x18: {  	[tilespmem:s15], [sflag:$0x1] =	stream.indirect.gather [hbm4b:s4+s14], $0x40, s3, s14, $0xb8;
	[tilespmem:$0x1F000] =	vst v63  }
.LBB2_2:
0x19: {  	s23 =	sshll.u32 s22, $0x4  }
0x1a: {  	s24 =	sadd.s32 s7, s23  }
0x1b: {  	s24 =	sshll.u32 s24, $0x4  }
0x1c: {  	s25 =	sadd.s32 s5, s24;
	s24 =	simm.s32 $0x0  }
0x1d: {  	[tilespmem:s16], [sflag:$0x3] =	stream.linear.gather [hbm4b:s25+s24], $0x800, $0x38;
	[tilespmem:$0x1F000] =	vst v63  }
0x1e: {  	_ =	swait.ge [sflag:s11], $0x800  }
0x1f: {  	[sflag:s11] =	ssyncset.done $0x0  }
0x20: {  	[sflag:s11] =	ssyncadd.s32 $0xFFFFF800  }
.LBB2_3:
0x21: {  	s25 =	sshll.u32 s24, $0x1  }
0x22: {  	s25 =	sadd.s32 s23, s25  }
0x23: {  	s26 =	sshll.u32 s25, $0x7  }
0x24: {  	s28 =	sand.u32 $0x3FFFFF80, s26  }
0x25: {  	s26 =	sadd.s32 $0x80, s28  }
0x26: {  	[tilespmem:s17], [sflag:$0x2] =	stream.indirect.gather [hbm4b:s4+s14], $0x40, s26, s14, $0xb8;
	[tilespmem:$0x1F000] =	vst v63  }
0x27: {  	_ =	swait.ge [sflag:s18], $0x2000  }
0x28: {  	[sflag:s18] =	ssyncset.done $0x0  }
0x29: {  	s29 =	simm.s32 $0x0;
	[sflag:s18] =	ssyncadd.s32 $0xFFFFE000  }
0x2a: {  	v0 =	vld [tilespmem:s29+$0x3000];
	_ =	sdelay $0x4  }
0x2b: {  	s26 =	simm.s32 $0x7040;
	v1 =	vshll.u32 v0, $0x10  }
0x2c: {  	v0 =	vand.u32 $0xFFFF0000, v0;
	[tilespmem:s26+$0xFFFFFFC0] =	vst v1  }
0x2d: {  	[tilespmem:s26+$0xFFFFFFD0] =	vst v0  }
0x2e: {  	v0 =	vld [tilespmem:s29+$0x3010];
	_ =	sdelay $0x4  }
0x2f: {  	v1 =	vshll.u32 v0, $0x10  }
0x30: {  	v0 =	vand.u32 $0xFFFF0000, v0;
	[tilespmem:s26+$0xFFFFFFE0] =	vst v1  }
0x31: {  	[tilespmem:s26+$0xFFFFFFF0] =	vst v0  }
0x32: {  	v0 =	vld [tilespmem:s29+$0x3020];
	_ =	sdelay $0x4  }
0x33: {  	v1 =	vand.u32 $0xFFFF0000, v0  }
0x34: {  	v0 =	vshll.u32 v0, $0x10;
	[tilespmem:s26+$0x10] =	vst v1  }
0x35: {  	[tilespmem:s26+$0x0] =	vst v0  }
0x36: {  	v0 =	vld [tilespmem:s29+$0x3030];
	_ =	sdelay $0x4  }
0x37: {  	v1 =	vshll.u32 v0, $0x10  }
0x38: {  	v0 =	vand.u32 $0xFFFF0000, v0;
	[tilespmem:s26+$0x20] =	vst v1  }
0x39: {  	s29 =	simm.s32 $0x40;
	[tilespmem:s26+$0x30] =	vst v0  }
0x3a: {  	v0 =	vld [tilespmem:s29+$0x3000]  }
0x3b: {  	s30 =	simm.s32 $0x200  }
.LBB2_4:
0x3c: {  	p0 =	sne.s32 s30, $0x7F00;
	_ =	sdelay $0x2  }
0x3d: {  	s26 =	sadd.s32 $0x80, s26;
	v1 =	vshll.u32 v0, $0x10  }
0x3e: {  	v0 =	vand.u32 $0xFFFF0000, v0;
	[tilespmem:s26+$0xFFFFFFC0] =	vst v1  }
0x3f: {  	[tilespmem:s26+$0xFFFFFFD0] =	vst v0  }
0x40: {  	v0 =	vld [tilespmem:s29+$0x3010];
	_ =	sdelay $0x4  }
0x41: {  	v1 =	vshll.u32 v0, $0x10  }
0x42: {  	v0 =	vand.u32 $0xFFFF0000, v0;
	[tilespmem:s26+$0xFFFFFFE0] =	vst v1  }
0x43: {  	[tilespmem:s26+$0xFFFFFFF0] =	vst v0  }
0x44: {  	v0 =	vld [tilespmem:s29+$0x3020];
	_ =	sdelay $0x4  }
0x45: {  	v1 =	vshll.u32 v0, $0x10;
	v0 =	vand.u32 $0xFFFF0000, v0  }
0x46: {  	[tilespmem:s26+$0x10] =	vst v0  }
0x47: {  	[tilespmem:s26+$0x0] =	vst v1  }
0x48: {  	v0 =	vld [tilespmem:s29+$0x3030];
	_ =	sdelay $0x4  }
.Ltmp0:
0x49: {  	v1 =	vshll.u32 v0, $0x10;
	v0 =	vand.u32 $0xFFFF0000, v0;
	(pc) =	sbr.rel @p0 .LBB2_4-.Ltmp0, $4  }
0x4a: {  	[tilespmem:s26+$0x20] =	vst v1  }
0x4b: {  	s29 =	sshra.s32 s30, $0x2;
	[tilespmem:s26+$0x30] =	vst v0  }
0x4c: {  	v0 =	vld [tilespmem:s29+$0x3000]  }
0x4d: {  	s30 =	sadd.s32 $0x100, s30  }
0x4e: {  	_ =	sdelay $0x2  }
0x4f: {  	s30 =	sadd.s32 $0x80, s26;
	v1 =	vshll.u32 v0, $0x10  }
0x50: {  	v0 =	vand.u32 $0xFFFF0000, v0;
	[tilespmem:s30+$0xFFFFFFC0] =	vst v1  }
0x51: {  	[tilespmem:s30+$0xFFFFFFD0] =	vst v0  }
0x52: {  	v0 =	vld [tilespmem:s29+$0x3010];
	_ =	sdelay $0x4  }
0x53: {  	v1 =	vshll.u32 v0, $0x10  }
0x54: {  	v0 =	vand.u32 $0xFFFF0000, v0;
	[tilespmem:s30+$0xFFFFFFE0] =	vst v1  }
0x55: {  	[tilespmem:s30+$0xFFFFFFF0] =	vst v0  }
0x56: {  	v0 =	vld [tilespmem:s29+$0x3020];
	_ =	sdelay $0x4  }
0x57: {  	v1 =	vand.u32 $0xFFFF0000, v0  }
0x58: {  	v0 =	vshll.u32 v0, $0x10;
	[tilespmem:s30+$0x10] =	vst v1  }
0x59: {  	[tilespmem:s30+$0x0] =	vst v0  }
0x5a: {  	v0 =	vld [tilespmem:s29+$0x3030];
	_ =	sdelay $0x4  }
0x5b: {  	s31 =	sshll.u32 s24, $0x8;
	v1 =	vshll.u32 v0, $0x10  }
0x5c: {  	s26 =	sand.u32 $0x3FFFFF00, s31;
	v0 =	vand.u32 $0xFFFF0000, v0;
	[tilespmem:s30+$0x20] =	vst v1  }
0x5d: {  	s29 =	sadd.s32 $0x2800, s26;
	[tilespmem:s30+$0x30] =	vst v0  }
0x5e: {  	[spmem:s2] =	stream.indirect.scatter.add.f32 [tilespmem:s19], [sflag:$0x3], $0x80, s29, s14, $0xb8;
	[tilespmem:$0x1F000] =	vst v63  }
0x5f: {  	p0 =	sgt.u32 s25, $0x4D;
	_ =	swait.ge [sflag:s11], $0x4000  }
0x60: {  	s25 =	sadd.s32 @!p0 $0x100, s28;
	[sflag:s11] =	ssyncset.done $0x0  }
0x61: {  	s28 =	simm.s32 @!p0 $0x80;
	s29 =	simm.s32 @!p0 $0x3000;
	[sflag:s11] =	ssyncadd.s32 $0xFFFFC000  }
0x62: {  	[tilespmem:s29], [sflag:$0x1] =	stream.indirect.gather @!p0 [hbm4b:s4+s28], $0x40, s25, s28, $0xb8;
	[tilespmem:$0x1F000] =	vst v63  }
0x63: {  	_ =	swait.ge [sflag:s20], $0x2000  }
0x64: {  	[sflag:s20] =	ssyncset.done $0x0  }
0x65: {  	s28 =	simm.s32 $0x0;
	[sflag:s20] =	ssyncadd.s32 $0xFFFFE000  }
0x66: {  	v0 =	vld [tilespmem:s28+$0x5000];
	_ =	sdelay $0x4  }
0x67: {  	s25 =	simm.s32 $0x7040;
	v1 =	vshll.u32 v0, $0x10  }
0x68: {  	v0 =	vand.u32 $0xFFFF0000, v0;
	[tilespmem:s25+$0xFFFFFFC0] =	vst v1  }
0x69: {  	[tilespmem:s25+$0xFFFFFFD0] =	vst v0  }
0x6a: {  	v0 =	vld [tilespmem:s28+$0x5010];
	_ =	sdelay $0x4  }
0x6b: {  	v1 =	vshll.u32 v0, $0x10  }
0x6c: {  	v0 =	vand.u32 $0xFFFF0000, v0;
	[tilespmem:s25+$0xFFFFFFE0] =	vst v1  }
0x6d: {  	[tilespmem:s25+$0xFFFFFFF0] =	vst v0  }
0x6e: {  	v0 =	vld [tilespmem:s28+$0x5020];
	_ =	sdelay $0x4  }
0x6f: {  	v1 =	vand.u32 $0xFFFF0000, v0  }
0x70: {  	v0 =	vshll.u32 v0, $0x10;
	[tilespmem:s25+$0x10] =	vst v1  }
0x71: {  	[tilespmem:s25+$0x0] =	vst v0  }
0x72: {  	v0 =	vld [tilespmem:s28+$0x5030];
	_ =	sdelay $0x4  }
0x73: {  	v1 =	vshll.u32 v0, $0x10  }
0x74: {  	v0 =	vand.u32 $0xFFFF0000, v0;
	[tilespmem:s25+$0x20] =	vst v1  }
0x75: {  	s28 =	simm.s32 $0x40;
	[tilespmem:s25+$0x30] =	vst v0  }
0x76: {  	v0 =	vld [tilespmem:s28+$0x5000]  }
0x77: {  	s29 =	simm.s32 $0x200  }
.LBB2_6:
0x78: {  	p0 =	sne.s32 s29, $0x7F00;
	_ =	sdelay $0x2  }
0x79: {  	s25 =	sadd.s32 $0x80, s25;
	v1 =	vshll.u32 v0, $0x10  }
0x7a: {  	v0 =	vand.u32 $0xFFFF0000, v0;
	[tilespmem:s25+$0xFFFFFFC0] =	vst v1  }
0x7b: {  	[tilespmem:s25+$0xFFFFFFD0] =	vst v0  }
0x7c: {  	v0 =	vld [tilespmem:s28+$0x5010];
	_ =	sdelay $0x4  }
0x7d: {  	v1 =	vshll.u32 v0, $0x10  }
0x7e: {  	v0 =	vand.u32 $0xFFFF0000, v0;
	[tilespmem:s25+$0xFFFFFFE0] =	vst v1  }
0x7f: {  	[tilespmem:s25+$0xFFFFFFF0] =	vst v0  }
0x80: {  	v0 =	vld [tilespmem:s28+$0x5020];
	_ =	sdelay $0x4  }
0x81: {  	v1 =	vshll.u32 v0, $0x10;
	v0 =	vand.u32 $0xFFFF0000, v0  }
0x82: {  	[tilespmem:s25+$0x10] =	vst v0  }
0x83: {  	[tilespmem:s25+$0x0] =	vst v1  }
0x84: {  	v0 =	vld [tilespmem:s28+$0x5030];
	_ =	sdelay $0x4  }
.Ltmp1:
0x85: {  	v1 =	vshll.u32 v0, $0x10;
	v0 =	vand.u32 $0xFFFF0000, v0;
	(pc) =	sbr.rel @p0 .LBB2_6-.Ltmp1, $4  }
0x86: {  	[tilespmem:s25+$0x20] =	vst v1  }
0x87: {  	s28 =	sshra.s32 s29, $0x2;
	[tilespmem:s25+$0x30] =	vst v0  }
0x88: {  	v0 =	vld [tilespmem:s28+$0x5000]  }
0x89: {  	s29 =	sadd.s32 $0x100, s29  }
0x8a: {  	_ =	sdelay $0x2  }
0x8b: {  	s25 =	sadd.s32 $0x80, s25;
	v1 =	vshll.u32 v0, $0x10  }
0x8c: {  	v60 =	vand.u32 $0xFFFF0000, v0;
	[tilespmem:s25+$0xFFFFFFC0] =	vst v1  }
0x8d: {  	[tilespmem:s25+$0xFFFFFFD0] =	vst v60  }
0x8e: {  	v0 =	vld [tilespmem:s28+$0x5010];
	_ =	sdelay $0x4  }
0x8f: {  	v61 =	vshll.u32 v0, $0x10  }
0x90: {  	v0 =	vand.u32 $0xFFFF0000, v0;
	[tilespmem:s25+$0xFFFFFFE0] =	vst v61  }
0x91: {  	[tilespmem:s25+$0xFFFFFFF0] =	vst v0  }
0x92: {  	v0 =	vld [tilespmem:s28+$0x5020];
	_ =	sdelay $0x4  }
0x93: {  	v62 =	vand.u32 $0xFFFF0000, v0  }
0x94: {  	v0 =	vshll.u32 v0, $0x10;
	[tilespmem:s25+$0x10] =	vst v62  }
0x95: {  	[tilespmem:s25+$0x0] =	vst v0  }
0x96: {  	v0 =	vld [tilespmem:s28+$0x5030];
	_ =	sdelay $0x4  }
0x97: {  	s24 =	sadd.s32 $0x1, s24;
	v63 =	vshll.u32 v0, $0x10  }
0x98: {  	p0 =	sne.s32 s24, $0x8;
	v0 =	vand.u32 $0xFFFF0000, v0;
	[tilespmem:s25+$0x20] =	vst v63  }
.Ltmp2:
0x99: {  	s31 =	sadd.s32 $0x2880, s26;
	[tilespmem:s25+$0x30] =	vst v0;
	(pc) =	sbr.rel @p0 .LBB2_3-.Ltmp2, $4  }
0x9a: {  	[spmem:s2] =	stream.indirect.scatter.add.f32 [tilespmem:s19], [sflag:$0x3], $0x80, s31, s14, $0xb8;
	[tilespmem:$0x1F000] =	vst v63  }
0x9b: {  	_ =	swait.ge [sflag:s11], $0x4000  }
0x9c: {  	[sflag:s11] =	ssyncset.done $0x0  }
0x9d: {  	[sflag:s11] =	ssyncadd.s32 $0xFFFFC000  }
0x9e: {  	s22 =	sadd.s32 $0x1, s22  }
0x9f: {  	p0 =	sne.s32 s22, $0x5  }
.Ltmp3:
0xa0: {  	_ = 	snop;
	(pc) =	sbr.rel @p0 .LBB2_2-.Ltmp3, $1  }
0xa1: {  	_ =	sdelay $0x3  }
0xa2: {  	s21 =	sadd.s32 $0x1, s21  }
0xa3: {  	p0 =	sne.s32 s21, s10  }
.Ltmp4:
0xa4: {  	[bflag:$0x0] =	sbarrier.arrive $0xFFFF;
	(pc) =	sbr.rel @p0 .LBB2_1-.Ltmp4, $4  }
0xa5: {  	[hbm:s9], [sflag:s12] =	dma.local [spmem:s13], $0x2800  }
0xa6: {  	_ =	swait.ge [sflag:s11], $0x2800  }
0xa7: {  	[sflag:s11] =	ssyncset.done $0x0  }
0xa8: {  	[sflag:s11] =	ssyncadd.s32 $0xFFFFD800  }
0xa9: {  	_ =	sfence.sel $0x180000  }
0xaa: {  	[bflag:$0x0] =	sbarrier.arrive $0xFFFF  }
0xab: {  	p0 =	sne.s32 s0, $0x0;
	_ =	strace $0x9000004A  }
0xac: {  	s0 =	sadd.s32 @!p0 $0x100000, s1;
	[bflag:$0x2] =	sbarrier.arrive $0xFFFF  }
0xad: {  	[sflag:s0] =	ssyncadd.tile.s32 @!p0 $0x1;
	_ =	shalt  }
.Lfunc_end2:
_tile_overlayer_lowered:
.L_overlay_start_2:
0xae: {  	(tag) =	ssettag $0x2  }
0xaf: {  	s0 =	rddreg [dreg:$0x0];
	s2 =	stileid.u32  }
0xb0: {  	s1 =	rddreg [dreg:$0x1];
	p0 =	sne.s32 s2, $0x0  }
0xb1: {  	s3 =	rddreg [dreg:$0x2];
	[bflag:$0x3] =	sbarrier.arrive $0xFFFF;
	s2 =	simm.s32 @!p0 $0x1C03  }
0xb2: {  	[timem:s3], [sflag:s2] =	dma.local @!p0 [hbm:s0], s1  }
0xb3: {  	s0 =	simm.s32 @!p0 $0x3  }
0xb4: {  	_ =	swait.ge @!p0 [sflag:s0], s1  }
0xb5: {  	s1 =	ssub.s32 @!p0 $0x0, s1;
	[sflag:s0] =	ssyncset.done @!p0 $0x0  }
0xb6: {  	[sflag:s0] =	ssyncadd.s32 @!p0 s1  }
0xb7: {  	[bflag:$0x3] =	sbarrier.arrive $0xFFFF  }
0xb8: {  	_ =	shalt  }

// kernel: kernel.16.cloned.1.call-start
scs
__scs_entry_jumppad:
0x0: {  	(pc) =	sbr.rel $0x88, $3  }
0x1: {  	(tag) =	ssettag $0x0;
	lr =	simm.s32 $0x1  }
0x2: {  	[smem:$0x3F92] =	sst lr;
	_ =	strace $0xD0000000  }
0x3: {  	_ = 	snop  }
0x4: {  	_ = 	snop  }
0x5: {  	_ = 	snop  }
0x6: {  	_ = 	snop  }
0x7: {  	_ = 	snop  }
__scs_overlays_trampoline_lowered:
0x8: {  	[smem:$0x3FA1] =	sst s0  }
0x9: {  	[smem:$0x3FA2] =	sst s1  }
0xa: {  	[smem:$0x3FA3] =	sst s2  }
0xb: {  	[smem:$0x3FA4] =	sst s3  }
0xc: {  	[smem:$0x3FA5] =	sst s4  }
0xd: {  	[smem:$0x3FA6] =	sst s5  }
0xe: {  	[smem:$0x3FA7] =	sst s6  }
0xf: {  	[smem:$0x3FA8] =	sst s7  }
0x10: {  	[smem:$0x3FA9] =	sst s8  }
0x11: {  	[smem:$0x3FAA] =	sst s9;
	s0 =	simm.s32 @!p0 $0x0  }
0x12: {  	s1 =	sld [smem:$0x3F90];
	s0 =	simm.s32 @p0 $0x1  }
0x13: {  	[smem:$0x3FAB] =	sst s0;
	s0 =	simm.s32 @!p1 $0x0  }
0x14: {  	s2 =	sld [smem:$0x3F8F];
	s0 =	simm.s32 @p1 $0x1  }
0x15: {  	[smem:$0x3FAC] =	sst s0;
	s0 =	simm.s32 @!p2 $0x0  }
0x16: {  	s3 =	sld [smem:$0x3FDB];
	s0 =	simm.s32 @p2 $0x1  }
0x17: {  	s4 =	simm.s32 $0x1BF5;
	[smem:$0x3FAE] =	sst s0  }
0x18: {  	s0 =	sld [smem:$0x3F91];
	_ =	swait.ge [sflag:s4], $0x0  }
0x19: {  	s7 =	sld [smem:$0x3F92]  }
0x1a: {  	s8 =	sadd.s32 $0xFFFFE003, lr  }
0x1b: {  	s9 =	sadd.s32 $0xFFFFFEF7, lr;
	s5 =	simm.s32 $0xFFFFFFFF;
	p2 =	slt.u32 s8, $0xFFFFF086  }
0x1c: {  	p1 =	slt.u32 s9, $0xF7A;
	s5 =	simm.s32 @!p2 $0x0  }
0x1d: {  	s5 =	simm.s32 @p1 $0x1;
	p0 =	seq.s32 s7, s2  }
0x1e: {  	s7 =	smul.u32 @!p0 $0xF7A, s2;
	p2 =	seq.s32 @!p0 s5, $0x0  }
0x1f: {  	s9 =	smul.u32 $0xF7A, s1;
	s8 =	simm.s32 @!p0 $0x1BF5;
	p2 =	por !p2, p0  }
0x20: {  	[sflag:s8] =	ssyncset.s32 @!p0 $0xFFFFF086;
	s6 =	sadd.s32 @!p0 s3, s7;
	s7 =	simm.s32 @!p0 $0x108  }
0x21: {  	s3 =	sadd.s32 s3, s9;
	s6 =	sadd.s32 @!p0 $0x88, s6;
	s7 =	simm.s32 @p2 $0x1082  }
0x22: {  	[simem:s7], [sflag:s8] =	dma.local @!p0 [hbm:s6], $0xF7A  }
0x23: {  	s9 =	sor.u32 $0xD0000000, s2;
	s6 =	simm.s32 $0x108;
	_ =	swait.ge @!p0 [sflag:s8], $0x0  }
0x24: {  	s3 =	sadd.s32 $0x88, s3;
	s6 =	simm.s32 @!p1 $0x1082;
	[sflag:s4] =	ssyncset.s32 $0xFFFFF086  }
0x25: {  	[simem:s6], [sflag:s4] =	dma.local [hbm:s3], $0xF7A  }
0x26: {  	[smem:$0x3F92] =	sst s1;
	(tag) =	ssettag s2;
	_ =	strace s9  }
0x27: {  	s1 =	sld [smem:$0x3FA2]  }
0x28: {  	s2 =	sld [smem:$0x3FA3]  }
0x29: {  	s4 =	sld [smem:$0x3FA5]  }
0x2a: {  	p0 =	seq.s32 s5, $0x0;
	s5 =	sld [smem:$0x3FA6]  }
0x2b: {  	s6 =	sld [smem:$0x3FA7]  }
0x2c: {  	s7 =	sld [smem:$0x3FA8]  }
0x2d: {  	s3 =	simm.s32 $0x108;
	s8 =	sld [smem:$0x3FA9]  }
0x2e: {  	s3 =	simm.s32 @!p0 $0x1082;
	s9 =	sld [smem:$0x3FAA]  }
0x2f: {  	lr =	sadd.s32 s0, s3;
	s0 =	sld [smem:$0x3FA1]  }
0x30: {  	s3 =	sld [smem:$0x3FA4]  }
0x31: {  	[smem:$0x3FAD] =	sst s10  }
0x32: {  	s10 =	sld [smem:$0x3FAB];
	_ =	sdelay $0x3  }
0x33: {  	p0 =	seq.s32 s10, $0x1;
	s10 =	sld [smem:$0x3FAD];
	_ =	sdelay $0x3  }
0x34: {  	[smem:$0x3FAD] =	sst s10  }
0x35: {  	s10 =	sld [smem:$0x3FAC];
	_ =	sdelay $0x3  }
0x36: {  	p1 =	seq.s32 s10, $0x1;
	s10 =	sld [smem:$0x3FAD];
	_ =	sdelay $0x3  }
0x37: {  	[smem:$0x3FAD] =	sst s10  }
0x38: {  	s10 =	sld [smem:$0x3FAE]  }
0x39: {  	_ = 	snop;
	(pc) =	sbr.ind lr, $3  }
0x3a: {  	_ = 	snop  }
0x3b: {  	_ = 	snop  }
0x3c: {  	p2 =	seq.s32 s10, $0x1;
	s10 =	sld [smem:$0x3FAD]  }
0x3d: {  	_ =	shalt  }
0x3e: {  	_ =	shalt  }
0x3f: {  	_ =	shalt  }
0x40: {  	_ =	shalt  }
0x41: {  	_ =	shalt  }
0x42: {  	_ =	shalt  }
0x43: {  	_ =	shalt  }
0x44: {  	_ =	shalt  }
0x45: {  	_ =	shalt  }
0x46: {  	_ =	shalt  }
0x47: {  	_ =	shalt  }
0x48: {  	_ =	shalt  }
0x49: {  	_ =	shalt  }
0x4a: {  	_ =	shalt  }
0x4b: {  	_ =	shalt  }
0x4c: {  	_ =	shalt  }
0x4d: {  	_ =	shalt  }
0x4e: {  	_ =	shalt  }
0x4f: {  	_ =	shalt  }
0x50: {  	_ =	shalt  }
0x51: {  	_ =	shalt  }
0x52: {  	_ =	shalt  }
0x53: {  	_ =	shalt  }
0x54: {  	_ =	shalt  }
0x55: {  	_ =	shalt  }
0x56: {  	_ =	shalt  }
0x57: {  	_ =	shalt  }
0x58: {  	_ =	shalt  }
0x59: {  	_ =	shalt  }
0x5a: {  	_ =	shalt  }
0x5b: {  	_ =	shalt  }
0x5c: {  	_ =	shalt  }
0x5d: {  	_ =	shalt  }
0x5e: {  	_ =	shalt  }
0x5f: {  	_ =	shalt  }
0x60: {  	_ =	shalt  }
0x61: {  	_ =	shalt  }
0x62: {  	_ =	shalt  }
0x63: {  	_ =	shalt  }
0x64: {  	_ =	shalt  }
0x65: {  	_ =	shalt  }
0x66: {  	_ =	shalt  }
0x67: {  	_ =	shalt  }
0x68: {  	_ =	shalt  }
0x69: {  	_ =	shalt  }
0x6a: {  	_ =	shalt  }
0x6b: {  	_ =	shalt  }
0x6c: {  	_ =	shalt  }
0x6d: {  	_ =	shalt  }
0x6e: {  	_ =	shalt  }
0x6f: {  	_ =	shalt  }
0x70: {  	_ =	shalt  }
0x71: {  	_ =	shalt  }
0x72: {  	_ =	shalt  }
0x73: {  	_ =	shalt  }
0x74: {  	_ =	shalt  }
0x75: {  	_ =	shalt  }
0x76: {  	_ =	shalt  }
0x77: {  	_ =	shalt  }
0x78: {  	_ =	shalt  }
0x79: {  	_ =	shalt  }
0x7a: {  	_ =	shalt  }
0x7b: {  	_ =	shalt  }
0x7c: {  	_ =	shalt  }
0x7d: {  	_ =	shalt  }
0x7e: {  	_ =	shalt  }
0x7f: {  	_ =	shalt  }
0x80: {  	_ =	shalt  }
0x81: {  	_ =	shalt  }
0x82: {  	_ =	shalt  }
0x83: {  	_ =	shalt  }
0x84: {  	_ =	shalt  }
0x85: {  	_ =	shalt  }
0x86: {  	_ =	shalt  }
0x87: {  	_ =	shalt  }
.Lfunc_end0:
.L_simem_size_0:
called_computation.2_lowered:
.L_overlay_start_0:
0x88: {  	s2 =	sld [smem:$0x3FD9]  }
0x89: {  	s3 =	sld [smem:$0x3FFE];
	_ =	sdelay $0x1  }
0x8a: {  	s1 =	srdreg.scid  }
0x8b: {  	s0 =	sand.u32 $0x1, s1  }
0x8c: {  	s16 =	sshll.u32 s0, $0xA;
	s2 =	sadd.s32 s3, s2  }
0x8d: {  	s2 =	sadd.s32 s2, s16  }
0x8e: {  	[smem:$0x3FB9] =	sst s2  }
0x8f: {  	_ = 	snop  }
0x90: {  	(tm) =	ssettm $0x1  }
0x91: {  	s17 =	sld [smem:$0x3FFB];
	_ =	sdelay $0x3  }
0x92: {  	_ =	strace s17  }
0x93: {  	s2 =	sld [smem:$0x3FFC];
	_ =	sdelay $0x3  }
0x94: {  	_ =	strace s2  }
0x95: {  	s2 =	sld [smem:$0x3FFD];
	_ =	sdelay $0x3  }
0x96: {  	_ =	strace s2  }
0x97: {  	_ =	strace $0x8FFFFFFF  }
0x98: {  	s18 =	sld [smem:$0x3FDB];
	_ =	sdelay $0x1  }
0x99: {  	s19 =	simm.s32 $_scs_section_size  }
0x9a: {  	s4 =	simm.s32 $_size__tile_overlayer_lowered;
	s5 =	simm.s32 $_tile_overlayer_lowered  }
0x9b: {  	s22 =	simm.s32 $0x1BFF;
	s21 =	sshll.u32 s5, $0x1;
	s2 =	sadd.s32 s19, s18  }
0x9c: {  	s6 =	simm.s32 $0x0;
	s20 =	sshll.u32 s4, $0x1;
	s4 =	sadd.s32 s21, s2  }
0x9d: {  	[timem:s6], [sflag:s22] =	dma.local [hbm:s4], s20  }
0x9e: {  	_ =	swait.ge [sflag:s22], s20  }
0x9f: {  	s3 =	ssub.s32 $0x0, s20;
	[sflag:s22] =	ssyncset.done $0x0  }
0xa0: {  	[sflag:s22] =	ssyncadd.s32 s3;
	_ =	sdelay $0x1  }
0xa1: {  	s23 =	simm.s32 $0x1B8B  }
0xa2: {  	_ =	swait.ge [sflag:s23], $0x1  }
0xa3: {  	[sflag:s23] =	ssyncset.done $0x0  }
0xa4: {  	s25 =	simm.s32 $0x1B8E;
	s24 =	sld [smem:$0x3FFE];
	[sflag:s23] =	ssyncadd.s32 $0xFFFFFFFF  }
0xa5: {  	s26 =	simm.s32 $execute0_lowered;
	[smem:$0x3FD2] =	sst s25  }
0xa6: {  	s4 =	sshll.u32 s26, $0x1;
	_ =	strace $0x8000004C;
	[dreg:$0x1] =	wrdreg $0xFFFFFFFF  }
0xa7: {  	s28 =	simm.s32 $_size_execute0_lowered;
	s2 =	sadd.s32 s2, s4;
	[dreg:$0x0] =	wrdreg $0x0  }
0xa8: {  	s4 =	sshll.u32 s28, $0x1;
	[dreg:$0x2] =	wrdreg s2  }
0xa9: {  	[dreg:$0x3] =	wrdreg s4  }
0xaa: {  	[dreg:$0x4] =	wrdreg $0xC0  }
0xab: {  	_ =	task [dreg:s6], $0x5FFFF  }
0xac: {  	[dreg:$0x1] =	wrdreg $0xFFFFFFFF  }
0xad: {  	[dreg:$0x0] =	wrdreg $0x60  }
0xae: {  	[dreg:$0x2] =	wrdreg s24  }
0xaf: {  	[dreg:$0x3] =	wrdreg $0xB0000  }
0xb0: {  	[dreg:$0x4] =	wrdreg $0x9  }
0xb1: {  	_ =	task.clear_ibuf [dreg:s6], $0x5FFFF;
	_ =	strace $0x9000004C  }
0xb2: {  	s29 =	simm.s32 $0x9;
	_ =	strace $0x8000004E  }
0xb3: {  	_ =	swait.ge [sflag:s29], $0x1  }
0xb4: {  	[sflag:s29] =	ssyncadd.s32 $0xFFFFFFFF  }
0xb5: {  	_ =	strace $0x9000004E  }
0xb6: {  	_ =	sfence  }
0xb7: {  	s30 =	sld [smem:$0x0];
	_ =	sdelay $0x2  }
0xb8: {  	s31 =	sshll.u32 s1, $0xD;
	s1 =	sshrl.u32 s1, $0x2  }
0xb9: {  	s3 =	sand.u32 $0x4000, s31;
	s1 =	sadd.s32 s1, s30  }
0xba: {  	s0 =	sor.u32 s3, s0;
	s1 =	sshll.u32 s1, $0x11  }
0xbb: {  	s0 =	sor.u32 s1, s0  }
0xbc: {  	s0 =	sadd.s32 $0x8F2B, s0  }
0xbd: {  	[sflag:s0] =	ssyncadd.remote.s32 $0x1  }
0xbe: {  	_ =	sfence.sel $0xFFFF  }
0xbf: {  	[dreg:$0x0] =	wrdreg $0xFFFFFFFF;
	(pc) =	sbr.abs _section_cstart, $3  }
0xc0: {  	[dreg:$0x1] =	wrdreg $0xFFFFFFFF  }
0xc1: {  	_ =	task.clear_ibuf [dreg:s6], $0x2FFFF;
	_ =	strace $0x9FFFFFFF  }
0xc2: {  	(tm) =	ssettm $0x7FFFFFFF  }
0xc3: {  	_ =	shalt  }
tec
execute0_lowered:
.L_overlay_start_1:
0x0: {  	(tag) =	ssettag $0x1  }
0x1: {  	s1 =	srdreg.scid;
	s7 =	rddreg [dreg:$0x0]  }
0x2: {  	s0 =	stileid.u32;
	s2 =	rddreg [dreg:$0x1];
	s3 =	simm.s32 $0x0  }
0x3: {  	s15 =	simm.s32 $0x3000;
	s16 =	simm.s32 $0x2800;
	s17 =	simm.s32 $0x5000  }
0x4: {  	s18 =	simm.s32 $0x1;
	s19 =	simm.s32 $0x7000;
	s20 =	simm.s32 $0x2  }
0x5: {  	s21 =	simm.s32 $0x0;
	s6 =	sand.u32 $0x1, s1;
	s1 =	rddreg [dreg:$0x2]  }
0x6: {  	s30 =	sshll.u32 s0, $0x1;
	s9 =	smul.u32 $0x14000, s0;
	[smem:$0x7FF] =	sst s3  }
0x7: {  	s4 =	sadd.s32 $0x74400, s7;
	s14 =	sshll.u32 s0, $0x6;
	s8 =	sor.u32 s6, s30  }
0x8: {  	s10 =	smul.u32 $0x140000, s6;
	_ =	strace $0x8000004D;
	s12 =	ssub.s32 $0x2, s6  }
0x9: {  	s6 =	sadd.s32 $0x67400, s7;
	s5 =	smul.u32 $0x500, s8;
	s31 =	sshrl.u32 s12, $0x1  }
0xa: {  	s13 =	sadd.s32 s9, s2;
	s10 =	sadd.s32 s9, s10;
	s12 =	ssub.s32 s12, s31  }
0xb: {  	s13 =	sshrl.u32 s13, $0x3;
	s11 =	sadd.s32 s5, s7;
	s10 =	sshrl.u32 s10, $0x3  }
0xc: {  	s5 =	sadd.s32 $0xD400, s7;
	s10 =	sadd.s32 s10, s7;
	s7 =	smul.u32 $0x50, s8  }
0xd: {  	s8 =	sadd.s32 $0x6A400, s11;
	s11 =	simm.s32 $0x3;
	s9 =	sadd.s32 $0x88400, s10  }
0xe: {  	s10 =	smax.u32 s12, $0x1;
	s12 =	sor.u32 $0x1C03, s14;
	s14 =	simm.s32 $0x80  }
.LBB2_1:
0xf: {  	[tilespmem:s3], [sflag:$0x3] =	stream.linear.gather [hbm4b:s8+s3], $0x2800, $0x38;
	[tilespmem:$0x1F000] =	vst v63  }
0x10: {  	_ =	swait.ge [sflag:s11], $0x2800  }
0x11: {  	[sflag:s11] =	ssyncset.done $0x0  }
0x12: {  	[sflag:s11] =	ssyncadd.s32 $0xFFFFD800  }
0x13: {  	[spmem:s13], [sflag:s12] =	dma.local [hbm:s6], $0x2800  }
0x14: {  	_ =	swait.ge [sflag:s11], $0x2800  }
0x15: {  	[sflag:s11] =	ssyncset.done $0x0  }
0x16: {  	[sflag:s11] =	ssyncadd.s32 $0xFFFFD800  }
0x17: {  	s22 =	simm.s32 $0x0;
	[bflag:$0x0] =	sbarrier.arrive $0xFFFF  }
0x18: {  	[tilespmem:s15], [sflag:$0x1] =	stream.indirect.gather [hbm4b:s4+s14], $0x40, s3, s14, $0xb8;
	[tilespmem:$0x1F000] =	vst v63  }
.LBB2_2:
0x19: {  	s23 =	sshll.u32 s22, $0x4  }
0x1a: {  	s24 =	sadd.s32 s7, s23  }
0x1b: {  	s24 =	sshll.u32 s24, $0x4  }
0x1c: {  	s25 =	sadd.s32 s5, s24;
	s24 =	simm.s32 $0x0  }
0x1d: {  	[tilespmem:s16], [sflag:$0x3] =	stream.linear.gather [hbm4b:s25+s24], $0x800, $0x38;
	[tilespmem:$0x1F000] =	vst v63  }
0x1e: {  	_ =	swait.ge [sflag:s11], $0x800  }
0x1f: {  	[sflag:s11] =	ssyncset.done $0x0  }
0x20: {  	[sflag:s11] =	ssyncadd.s32 $0xFFFFF800  }
.LBB2_3:
0x21: {  	s25 =	sshll.u32 s24, $0x1  }
0x22: {  	s25 =	sadd.s32 s23, s25  }
0x23: {  	s26 =	sshll.u32 s25, $0x7  }
0x24: {  	s28 =	sand.u32 $0x3FFFFF80, s26  }
0x25: {  	s26 =	sadd.s32 $0x80, s28  }
0x26: {  	[tilespmem:s17], [sflag:$0x2] =	stream.indirect.gather [hbm4b:s4+s14], $0x40, s26, s14, $0xb8;
	[tilespmem:$0x1F000] =	vst v63  }
0x27: {  	_ =	swait.ge [sflag:s18], $0x2000  }
0x28: {  	[sflag:s18] =	ssyncset.done $0x0  }
0x29: {  	s29 =	simm.s32 $0x0;
	[sflag:s18] =	ssyncadd.s32 $0xFFFFE000  }
0x2a: {  	v0 =	vld [tilespmem:s29+$0x3000];
	_ =	sdelay $0x4  }
0x2b: {  	s26 =	simm.s32 $0x7040;
	v1 =	vshll.u32 v0, $0x10  }
0x2c: {  	v0 =	vand.u32 $0xFFFF0000, v0;
	[tilespmem:s26+$0xFFFFFFC0] =	vst v1  }
0x2d: {  	[tilespmem:s26+$0xFFFFFFD0] =	vst v0  }
0x2e: {  	v0 =	vld [tilespmem:s29+$0x3010];
	_ =	sdelay $0x4  }
0x2f: {  	v1 =	vshll.u32 v0, $0x10  }
0x30: {  	v0 =	vand.u32 $0xFFFF0000, v0;
	[tilespmem:s26+$0xFFFFFFE0] =	vst v1  }
0x31: {  	[tilespmem:s26+$0xFFFFFFF0] =	vst v0  }
0x32: {  	v0 =	vld [tilespmem:s29+$0x3020];
	_ =	sdelay $0x4  }
0x33: {  	v1 =	vand.u32 $0xFFFF0000, v0  }
0x34: {  	v0 =	vshll.u32 v0, $0x10;
	[tilespmem:s26+$0x10] =	vst v1  }
0x35: {  	[tilespmem:s26+$0x0] =	vst v0  }
0x36: {  	v0 =	vld [tilespmem:s29+$0x3030];
	_ =	sdelay $0x4  }
0x37: {  	v1 =	vshll.u32 v0, $0x10  }
0x38: {  	v0 =	vand.u32 $0xFFFF0000, v0;
	[tilespmem:s26+$0x20] =	vst v1  }
0x39: {  	s29 =	simm.s32 $0x40;
	[tilespmem:s26+$0x30] =	vst v0  }
0x3a: {  	v0 =	vld [tilespmem:s29+$0x3000]  }
0x3b: {  	s30 =	simm.s32 $0x200  }
.LBB2_4:
0x3c: {  	p0 =	sne.s32 s30, $0x7F00;
	_ =	sdelay $0x2  }
0x3d: {  	s26 =	sadd.s32 $0x80, s26;
	v1 =	vshll.u32 v0, $0x10  }
0x3e: {  	v0 =	vand.u32 $0xFFFF0000, v0;
	[tilespmem:s26+$0xFFFFFFC0] =	vst v1  }
0x3f: {  	[tilespmem:s26+$0xFFFFFFD0] =	vst v0  }
0x40: {  	v0 =	vld [tilespmem:s29+$0x3010];
	_ =	sdelay $0x4  }
0x41: {  	v1 =	vshll.u32 v0, $0x10  }
0x42: {  	v0 =	vand.u32 $0xFFFF0000, v0;
	[tilespmem:s26+$0xFFFFFFE0] =	vst v1  }
0x43: {  	[tilespmem:s26+$0xFFFFFFF0] =	vst v0  }
0x44: {  	v0 =	vld [tilespmem:s29+$0x3020];
	_ =	sdelay $0x4  }
0x45: {  	v1 =	vshll.u32 v0, $0x10;
	v0 =	vand.u32 $0xFFFF0000, v0  }
0x46: {  	[tilespmem:s26+$0x10] =	vst v0  }
0x47: {  	[tilespmem:s26+$0x0] =	vst v1  }
0x48: {  	v0 =	vld [tilespmem:s29+$0x3030];
	_ =	sdelay $0x4  }
.Ltmp0:
0x49: {  	v1 =	vshll.u32 v0, $0x10;
	v0 =	vand.u32 $0xFFFF0000, v0;
	(pc) =	sbr.rel @p0 .LBB2_4-.Ltmp0, $4  }
0x4a: {  	[tilespmem:s26+$0x20] =	vst v1  }
0x4b: {  	s29 =	sshra.s32 s30, $0x2;
	[tilespmem:s26+$0x30] =	vst v0  }
0x4c: {  	v0 =	vld [tilespmem:s29+$0x3000]  }
0x4d: {  	s30 =	sadd.s32 $0x100, s30  }
0x4e: {  	_ =	sdelay $0x2  }
0x4f: {  	s30 =	sadd.s32 $0x80, s26;
	v1 =	vshll.u32 v0, $0x10  }
0x50: {  	v0 =	vand.u32 $0xFFFF0000, v0;
	[tilespmem:s30+$0xFFFFFFC0] =	vst v1  }
0x51: {  	[tilespmem:s30+$0xFFFFFFD0] =	vst v0  }
0x52: {  	v0 =	vld [tilespmem:s29+$0x3010];
	_ =	sdelay $0x4  }
0x53: {  	v1 =	vshll.u32 v0, $0x10  }
0x54: {  	v0 =	vand.u32 $0xFFFF0000, v0;
	[tilespmem:s30+$0xFFFFFFE0] =	vst v1  }
0x55: {  	[tilespmem:s30+$0xFFFFFFF0] =	vst v0  }
0x56: {  	v0 =	vld [tilespmem:s29+$0x3020];
	_ =	sdelay $0x4  }
0x57: {  	v1 =	vand.u32 $0xFFFF0000, v0  }
0x58: {  	v0 =	vshll.u32 v0, $0x10;
	[tilespmem:s30+$0x10] =	vst v1  }
0x59: {  	[tilespmem:s30+$0x0] =	vst v0  }
0x5a: {  	v0 =	vld [tilespmem:s29+$0x3030];
	_ =	sdelay $0x4  }
0x5b: {  	s31 =	sshll.u32 s24, $0x8;
	v1 =	vshll.u32 v0, $0x10  }
0x5c: {  	s26 =	sand.u32 $0x3FFFFF00, s31;
	v0 =	vand.u32 $0xFFFF0000, v0;
	[tilespmem:s30+$0x20] =	vst v1  }
0x5d: {  	s29 =	sadd.s32 $0x2800, s26;
	[tilespmem:s30+$0x30] =	vst v0  }
0x5e: {  	[spmem:s2] =	stream.indirect.scatter.add.f32 [tilespmem:s19], [sflag:$0x3], $0x80, s29, s14, $0xb8;
	[tilespmem:$0x1F000] =	vst v63  }
0x5f: {  	p0 =	sgt.u32 s25, $0x4D;
	_ =	swait.ge [sflag:s11], $0x4000  }
0x60: {  	s25 =	sadd.s32 @!p0 $0x100, s28;
	[sflag:s11] =	ssyncset.done $0x0  }
0x61: {  	s28 =	simm.s32 @!p0 $0x80;
	s29 =	simm.s32 @!p0 $0x3000;
	[sflag:s11] =	ssyncadd.s32 $0xFFFFC000  }
0x62: {  	[tilespmem:s29], [sflag:$0x1] =	stream.indirect.gather @!p0 [hbm4b:s4+s28], $0x40, s25, s28, $0xb8;
	[tilespmem:$0x1F000] =	vst v63  }
0x63: {  	_ =	swait.ge [sflag:s20], $0x2000  }
0x64: {  	[sflag:s20] =	ssyncset.done $0x0  }
0x65: {  	s28 =	simm.s32 $0x0;
	[sflag:s20] =	ssyncadd.s32 $0xFFFFE000  }
0x66: {  	v0 =	vld [tilespmem:s28+$0x5000];
	_ =	sdelay $0x4  }
0x67: {  	s25 =	simm.s32 $0x7040;
	v1 =	vshll.u32 v0, $0x10  }
0x68: {  	v0 =	vand.u32 $0xFFFF0000, v0;
	[tilespmem:s25+$0xFFFFFFC0] =	vst v1  }
0x69: {  	[tilespmem:s25+$0xFFFFFFD0] =	vst v0  }
0x6a: {  	v0 =	vld [tilespmem:s28+$0x5010];
	_ =	sdelay $0x4  }
0x6b: {  	v1 =	vshll.u32 v0, $0x10  }
0x6c: {  	v0 =	vand.u32 $0xFFFF0000, v0;
	[tilespmem:s25+$0xFFFFFFE0] =	vst v1  }
0x6d: {  	[tilespmem:s25+$0xFFFFFFF0] =	vst v0  }
0x6e: {  	v0 =	vld [tilespmem:s28+$0x5020];
	_ =	sdelay $0x4  }
0x6f: {  	v1 =	vand.u32 $0xFFFF0000, v0  }
0x70: {  	v0 =	vshll.u32 v0, $0x10;
	[tilespmem:s25+$0x10] =	vst v1  }
0x71: {  	[tilespmem:s25+$0x0] =	vst v0  }
0x72: {  	v0 =	vld [tilespmem:s28+$0x5030];
	_ =	sdelay $0x4  }
0x73: {  	v1 =	vshll.u32 v0, $0x10  }
0x74: {  	v0 =	vand.u32 $0xFFFF0000, v0;
	[tilespmem:s25+$0x20] =	vst v1  }
0x75: {  	s28 =	simm.s32 $0x40;
	[tilespmem:s25+$0x30] =	vst v0  }
0x76: {  	v0 =	vld [tilespmem:s28+$0x5000]  }
0x77: {  	s29 =	simm.s32 $0x200  }
.LBB2_6:
0x78: {  	p0 =	sne.s32 s29, $0x7F00;
	_ =	sdelay $0x2  }
0x79: {  	s25 =	sadd.s32 $0x80, s25;
	v1 =	vshll.u32 v0, $0x10  }
0x7a: {  	v0 =	vand.u32 $0xFFFF0000, v0;
	[tilespmem:s25+$0xFFFFFFC0] =	vst v1  }
0x7b: {  	[tilespmem:s25+$0xFFFFFFD0] =	vst v0  }
0x7c: {  	v0 =	vld [tilespmem:s28+$0x5010];
	_ =	sdelay $0x4  }
0x7d: {  	v1 =	vshll.u32 v0, $0x10  }
0x7e: {  	v0 =	vand.u32 $0xFFFF0000, v0;
	[tilespmem:s25+$0xFFFFFFE0] =	vst v1  }
0x7f: {  	[tilespmem:s25+$0xFFFFFFF0] =	vst v0  }
0x80: {  	v0 =	vld [tilespmem:s28+$0x5020];
	_ =	sdelay $0x4  }
0x81: {  	v1 =	vshll.u32 v0, $0x10;
	v0 =	vand.u32 $0xFFFF0000, v0  }
0x82: {  	[tilespmem:s25+$0x10] =	vst v0  }
0x83: {  	[tilespmem:s25+$0x0] =	vst v1  }
0x84: {  	v0 =	vld [tilespmem:s28+$0x5030];
	_ =	sdelay $0x4  }
.Ltmp1:
0x85: {  	v1 =	vshll.u32 v0, $0x10;
	v0 =	vand.u32 $0xFFFF0000, v0;
	(pc) =	sbr.rel @p0 .LBB2_6-.Ltmp1, $4  }
0x86: {  	[tilespmem:s25+$0x20] =	vst v1  }
0x87: {  	s28 =	sshra.s32 s29, $0x2;
	[tilespmem:s25+$0x30] =	vst v0  }
0x88: {  	v0 =	vld [tilespmem:s28+$0x5000]  }
0x89: {  	s29 =	sadd.s32 $0x100, s29  }
0x8a: {  	_ =	sdelay $0x2  }
0x8b: {  	s25 =	sadd.s32 $0x80, s25;
	v1 =	vshll.u32 v0, $0x10  }
0x8c: {  	v60 =	vand.u32 $0xFFFF0000, v0;
	[tilespmem:s25+$0xFFFFFFC0] =	vst v1  }
0x8d: {  	[tilespmem:s25+$0xFFFFFFD0] =	vst v60  }
0x8e: {  	v0 =	vld [tilespmem:s28+$0x5010];
	_ =	sdelay $0x4  }
0x8f: {  	v61 =	vshll.u32 v0, $0x10  }
0x90: {  	v0 =	vand.u32 $0xFFFF0000, v0;
	[tilespmem:s25+$0xFFFFFFE0] =	vst v61  }
0x91: {  	[tilespmem:s25+$0xFFFFFFF0] =	vst v0  }
0x92: {  	v0 =	vld [tilespmem:s28+$0x5020];
	_ =	sdelay $0x4  }
0x93: {  	v62 =	vand.u32 $0xFFFF0000, v0  }
0x94: {  	v0 =	vshll.u32 v0, $0x10;
	[tilespmem:s25+$0x10] =	vst v62  }
0x95: {  	[tilespmem:s25+$0x0] =	vst v0  }
0x96: {  	v0 =	vld [tilespmem:s28+$0x5030];
	_ =	sdelay $0x4  }
0x97: {  	s24 =	sadd.s32 $0x1, s24;
	v63 =	vshll.u32 v0, $0x10  }
0x98: {  	p0 =	sne.s32 s24, $0x8;
	v0 =	vand.u32 $0xFFFF0000, v0;
	[tilespmem:s25+$0x20] =	vst v63  }
.Ltmp2:
0x99: {  	s31 =	sadd.s32 $0x2880, s26;
	[tilespmem:s25+$0x30] =	vst v0;
	(pc) =	sbr.rel @p0 .LBB2_3-.Ltmp2, $4  }
0x9a: {  	[spmem:s2] =	stream.indirect.scatter.add.f32 [tilespmem:s19], [sflag:$0x3], $0x80, s31, s14, $0xb8;
	[tilespmem:$0x1F000] =	vst v63  }
0x9b: {  	_ =	swait.ge [sflag:s11], $0x4000  }
0x9c: {  	[sflag:s11] =	ssyncset.done $0x0  }
0x9d: {  	[sflag:s11] =	ssyncadd.s32 $0xFFFFC000  }
0x9e: {  	s22 =	sadd.s32 $0x1, s22  }
0x9f: {  	p0 =	sne.s32 s22, $0x5  }
.Ltmp3:
0xa0: {  	_ = 	snop;
	(pc) =	sbr.rel @p0 .LBB2_2-.Ltmp3, $1  }
0xa1: {  	_ =	sdelay $0x3  }
0xa2: {  	s21 =	sadd.s32 $0x1, s21  }
0xa3: {  	p0 =	sne.s32 s21, s10  }
.Ltmp4:
0xa4: {  	[bflag:$0x0] =	sbarrier.arrive $0xFFFF;
	(pc) =	sbr.rel @p0 .LBB2_1-.Ltmp4, $4  }
0xa5: {  	[hbm:s9], [sflag:s12] =	dma.local [spmem:s13], $0x2800  }
0xa6: {  	_ =	swait.ge [sflag:s11], $0x2800  }
0xa7: {  	[sflag:s11] =	ssyncset.done $0x0  }
0xa8: {  	[sflag:s11] =	ssyncadd.s32 $0xFFFFD800  }
0xa9: {  	_ =	sfence.sel $0x180000  }
0xaa: {  	[bflag:$0x0] =	sbarrier.arrive $0xFFFF  }
0xab: {  	p0 =	sne.s32 s0, $0x0;
	_ =	strace $0x9000004D  }
0xac: {  	s0 =	sadd.s32 @!p0 $0x100000, s1;
	[bflag:$0x2] =	sbarrier.arrive $0xFFFF  }
0xad: {  	[sflag:s0] =	ssyncadd.tile.s32 @!p0 $0x1;
	_ =	shalt  }
.Lfunc_end2:
_tile_overlayer_lowered:
.L_overlay_start_2:
0xae: {  	(tag) =	ssettag $0x2  }
0xaf: {  	s0 =	rddreg [dreg:$0x0];
	s2 =	stileid.u32  }
0xb0: {  	s1 =	rddreg [dreg:$0x1];
	p0 =	sne.s32 s2, $0x0  }
0xb1: {  	s3 =	rddreg [dreg:$0x2];
	[bflag:$0x3] =	sbarrier.arrive $0xFFFF;
	s2 =	simm.s32 @!p0 $0x1C03  }
0xb2: {  	[timem:s3], [sflag:s2] =	dma.local @!p0 [hbm:s0], s1  }
0xb3: {  	s0 =	simm.s32 @!p0 $0x3  }
0xb4: {  	_ =	swait.ge @!p0 [sflag:s0], s1  }
0xb5: {  	s1 =	ssub.s32 @!p0 $0x0, s1;
	[sflag:s0] =	ssyncset.done @!p0 $0x0  }
0xb6: {  	[sflag:s0] =	ssyncadd.s32 @!p0 s1  }
0xb7: {  	[bflag:$0x3] =	sbarrier.arrive $0xFFFF  }
0xb8: {  	_ =	shalt  }

// kernel: kernel.19.cloned.1.call-start
scs
__scs_entry_jumppad:
0x0: {  	(pc) =	sbr.rel $0x88, $3  }
0x1: {  	(tag) =	ssettag $0x0;
	lr =	simm.s32 $0x1  }
0x2: {  	[smem:$0x3F92] =	sst lr;
	_ =	strace $0xD0000000  }
0x3: {  	_ = 	snop  }
0x4: {  	_ = 	snop  }
0x5: {  	_ = 	snop  }
0x6: {  	_ = 	snop  }
0x7: {  	_ = 	snop  }
__scs_overlays_trampoline_lowered:
0x8: {  	[smem:$0x3FA1] =	sst s0  }
0x9: {  	[smem:$0x3FA2] =	sst s1  }
0xa: {  	[smem:$0x3FA3] =	sst s2  }
0xb: {  	[smem:$0x3FA4] =	sst s3  }
0xc: {  	[smem:$0x3FA5] =	sst s4  }
0xd: {  	[smem:$0x3FA6] =	sst s5  }
0xe: {  	[smem:$0x3FA7] =	sst s6  }
0xf: {  	[smem:$0x3FA8] =	sst s7  }
0x10: {  	[smem:$0x3FA9] =	sst s8  }
0x11: {  	[smem:$0x3FAA] =	sst s9;
	s0 =	simm.s32 @!p0 $0x0  }
0x12: {  	s1 =	sld [smem:$0x3F90];
	s0 =	simm.s32 @p0 $0x1  }
0x13: {  	[smem:$0x3FAB] =	sst s0;
	s0 =	simm.s32 @!p1 $0x0  }
0x14: {  	s2 =	sld [smem:$0x3F8F];
	s0 =	simm.s32 @p1 $0x1  }
0x15: {  	[smem:$0x3FAC] =	sst s0;
	s0 =	simm.s32 @!p2 $0x0  }
0x16: {  	s3 =	sld [smem:$0x3FDB];
	s0 =	simm.s32 @p2 $0x1  }
0x17: {  	s4 =	simm.s32 $0x1BF5;
	[smem:$0x3FAE] =	sst s0  }
0x18: {  	s0 =	sld [smem:$0x3F91];
	_ =	swait.ge [sflag:s4], $0x0  }
0x19: {  	s7 =	sld [smem:$0x3F92]  }
0x1a: {  	s8 =	sadd.s32 $0xFFFFE003, lr  }
0x1b: {  	s9 =	sadd.s32 $0xFFFFFEF7, lr;
	s5 =	simm.s32 $0xFFFFFFFF;
	p2 =	slt.u32 s8, $0xFFFFF086  }
0x1c: {  	p1 =	slt.u32 s9, $0xF7A;
	s5 =	simm.s32 @!p2 $0x0  }
0x1d: {  	s5 =	simm.s32 @p1 $0x1;
	p0 =	seq.s32 s7, s2  }
0x1e: {  	s7 =	smul.u32 @!p0 $0xF7A, s2;
	p2 =	seq.s32 @!p0 s5, $0x0  }
0x1f: {  	s9 =	smul.u32 $0xF7A, s1;
	s8 =	simm.s32 @!p0 $0x1BF5;
	p2 =	por !p2, p0  }
0x20: {  	[sflag:s8] =	ssyncset.s32 @!p0 $0xFFFFF086;
	s6 =	sadd.s32 @!p0 s3, s7;
	s7 =	simm.s32 @!p0 $0x108  }
0x21: {  	s3 =	sadd.s32 s3, s9;
	s6 =	sadd.s32 @!p0 $0x88, s6;
	s7 =	simm.s32 @p2 $0x1082  }
0x22: {  	[simem:s7], [sflag:s8] =	dma.local @!p0 [hbm:s6], $0xF7A  }
0x23: {  	s9 =	sor.u32 $0xD0000000, s2;
	s6 =	simm.s32 $0x108;
	_ =	swait.ge @!p0 [sflag:s8], $0x0  }
0x24: {  	s3 =	sadd.s32 $0x88, s3;
	s6 =	simm.s32 @!p1 $0x1082;
	[sflag:s4] =	ssyncset.s32 $0xFFFFF086  }
0x25: {  	[simem:s6], [sflag:s4] =	dma.local [hbm:s3], $0xF7A  }
0x26: {  	[smem:$0x3F92] =	sst s1;
	(tag) =	ssettag s2;
	_ =	strace s9  }
0x27: {  	s1 =	sld [smem:$0x3FA2]  }
0x28: {  	s2 =	sld [smem:$0x3FA3]  }
0x29: {  	s4 =	sld [smem:$0x3FA5]  }
0x2a: {  	p0 =	seq.s32 s5, $0x0;
	s5 =	sld [smem:$0x3FA6]  }
0x2b: {  	s6 =	sld [smem:$0x3FA7]  }
0x2c: {  	s7 =	sld [smem:$0x3FA8]  }
0x2d: {  	s3 =	simm.s32 $0x108;
	s8 =	sld [smem:$0x3FA9]  }
0x2e: {  	s3 =	simm.s32 @!p0 $0x1082;
	s9 =	sld [smem:$0x3FAA]  }
0x2f: {  	lr =	sadd.s32 s0, s3;
	s0 =	sld [smem:$0x3FA1]  }
0x30: {  	s3 =	sld [smem:$0x3FA4]  }
0x31: {  	[smem:$0x3FAD] =	sst s10  }
0x32: {  	s10 =	sld [smem:$0x3FAB];
	_ =	sdelay $0x3  }
0x33: {  	p0 =	seq.s32 s10, $0x1;
	s10 =	sld [smem:$0x3FAD];
	_ =	sdelay $0x3  }
0x34: {  	[smem:$0x3FAD] =	sst s10  }
0x35: {  	s10 =	sld [smem:$0x3FAC];
	_ =	sdelay $0x3  }
0x36: {  	p1 =	seq.s32 s10, $0x1;
	s10 =	sld [smem:$0x3FAD];
	_ =	sdelay $0x3  }
0x37: {  	[smem:$0x3FAD] =	sst s10  }
0x38: {  	s10 =	sld [smem:$0x3FAE]  }
0x39: {  	_ = 	snop;
	(pc) =	sbr.ind lr, $3  }
0x3a: {  	_ = 	snop  }
0x3b: {  	_ = 	snop  }
0x3c: {  	p2 =	seq.s32 s10, $0x1;
	s10 =	sld [smem:$0x3FAD]  }
0x3d: {  	_ =	shalt  }
0x3e: {  	_ =	shalt  }
0x3f: {  	_ =	shalt  }
0x40: {  	_ =	shalt  }
0x41: {  	_ =	shalt  }
0x42: {  	_ =	shalt  }
0x43: {  	_ =	shalt  }
0x44: {  	_ =	shalt  }
0x45: {  	_ =	shalt  }
0x46: {  	_ =	shalt  }
0x47: {  	_ =	shalt  }
0x48: {  	_ =	shalt  }
0x49: {  	_ =	shalt  }
0x4a: {  	_ =	shalt  }
0x4b: {  	_ =	shalt  }
0x4c: {  	_ =	shalt  }
0x4d: {  	_ =	shalt  }
0x4e: {  	_ =	shalt  }
0x4f: {  	_ =	shalt  }
0x50: {  	_ =	shalt  }
0x51: {  	_ =	shalt  }
0x52: {  	_ =	shalt  }
0x53: {  	_ =	shalt  }
0x54: {  	_ =	shalt  }
0x55: {  	_ =	shalt  }
0x56: {  	_ =	shalt  }
0x57: {  	_ =	shalt  }
0x58: {  	_ =	shalt  }
0x59: {  	_ =	shalt  }
0x5a: {  	_ =	shalt  }
0x5b: {  	_ =	shalt  }
0x5c: {  	_ =	shalt  }
0x5d: {  	_ =	shalt  }
0x5e: {  	_ =	shalt  }
0x5f: {  	_ =	shalt  }
0x60: {  	_ =	shalt  }
0x61: {  	_ =	shalt  }
0x62: {  	_ =	shalt  }
0x63: {  	_ =	shalt  }
0x64: {  	_ =	shalt  }
0x65: {  	_ =	shalt  }
0x66: {  	_ =	shalt  }
0x67: {  	_ =	shalt  }
0x68: {  	_ =	shalt  }
0x69: {  	_ =	shalt  }
0x6a: {  	_ =	shalt  }
0x6b: {  	_ =	shalt  }
0x6c: {  	_ =	shalt  }
0x6d: {  	_ =	shalt  }
0x6e: {  	_ =	shalt  }
0x6f: {  	_ =	shalt  }
0x70: {  	_ =	shalt  }
0x71: {  	_ =	shalt  }
0x72: {  	_ =	shalt  }
0x73: {  	_ =	shalt  }
0x74: {  	_ =	shalt  }
0x75: {  	_ =	shalt  }
0x76: {  	_ =	shalt  }
0x77: {  	_ =	shalt  }
0x78: {  	_ =	shalt  }
0x79: {  	_ =	shalt  }
0x7a: {  	_ =	shalt  }
0x7b: {  	_ =	shalt  }
0x7c: {  	_ =	shalt  }
0x7d: {  	_ =	shalt  }
0x7e: {  	_ =	shalt  }
0x7f: {  	_ =	shalt  }
0x80: {  	_ =	shalt  }
0x81: {  	_ =	shalt  }
0x82: {  	_ =	shalt  }
0x83: {  	_ =	shalt  }
0x84: {  	_ =	shalt  }
0x85: {  	_ =	shalt  }
0x86: {  	_ =	shalt  }
0x87: {  	_ =	shalt  }
.Lfunc_end0:
.L_simem_size_0:
called_computation.3_lowered:
.L_overlay_start_0:
0x88: {  	s2 =	sld [smem:$0x3FD9]  }
0x89: {  	s3 =	sld [smem:$0x3FFE];
	_ =	sdelay $0x1  }
0x8a: {  	s1 =	srdreg.scid  }
0x8b: {  	s0 =	sand.u32 $0x1, s1  }
0x8c: {  	s16 =	sshll.u32 s0, $0xA;
	s2 =	sadd.s32 s3, s2  }
0x8d: {  	s2 =	sadd.s32 s2, s16  }
0x8e: {  	[smem:$0x3FB9] =	sst s2  }
0x8f: {  	_ = 	snop  }
0x90: {  	(tm) =	ssettm $0x1  }
0x91: {  	s17 =	sld [smem:$0x3FFB];
	_ =	sdelay $0x3  }
0x92: {  	_ =	strace s17  }
0x93: {  	s2 =	sld [smem:$0x3FFC];
	_ =	sdelay $0x3  }
0x94: {  	_ =	strace s2  }
0x95: {  	s2 =	sld [smem:$0x3FFD];
	_ =	sdelay $0x3  }
0x96: {  	_ =	strace s2  }
0x97: {  	_ =	strace $0x8FFFFFFF  }
0x98: {  	s18 =	sld [smem:$0x3FDB];
	_ =	sdelay $0x1  }
0x99: {  	s19 =	simm.s32 $_scs_section_size  }
0x9a: {  	s4 =	simm.s32 $_size__tile_overlayer_lowered;
	s5 =	simm.s32 $_tile_overlayer_lowered  }
0x9b: {  	s22 =	simm.s32 $0x1BFF;
	s21 =	sshll.u32 s5, $0x1;
	s2 =	sadd.s32 s19, s18  }
0x9c: {  	s6 =	simm.s32 $0x0;
	s20 =	sshll.u32 s4, $0x1;
	s4 =	sadd.s32 s21, s2  }
0x9d: {  	[timem:s6], [sflag:s22] =	dma.local [hbm:s4], s20  }
0x9e: {  	_ =	swait.ge [sflag:s22], s20  }
0x9f: {  	s3 =	ssub.s32 $0x0, s20;
	[sflag:s22] =	ssyncset.done $0x0  }
0xa0: {  	[sflag:s22] =	ssyncadd.s32 s3;
	_ =	sdelay $0x1  }
0xa1: {  	s23 =	simm.s32 $0x1B8B  }
0xa2: {  	_ =	swait.ge [sflag:s23], $0x1  }
0xa3: {  	[sflag:s23] =	ssyncset.done $0x0  }
0xa4: {  	s25 =	simm.s32 $0x1B8E;
	s24 =	sld [smem:$0x3FFE];
	[sflag:s23] =	ssyncadd.s32 $0xFFFFFFFF  }
0xa5: {  	s26 =	simm.s32 $execute0_lowered;
	[smem:$0x3FD2] =	sst s25  }
0xa6: {  	s4 =	sshll.u32 s26, $0x1;
	_ =	strace $0x8000004F;
	[dreg:$0x1] =	wrdreg $0xFFFFFFFF  }
0xa7: {  	s28 =	simm.s32 $_size_execute0_lowered;
	s2 =	sadd.s32 s2, s4;
	[dreg:$0x0] =	wrdreg $0x0  }
0xa8: {  	s4 =	sshll.u32 s28, $0x1;
	[dreg:$0x2] =	wrdreg s2  }
0xa9: {  	[dreg:$0x3] =	wrdreg s4  }
0xaa: {  	[dreg:$0x4] =	wrdreg $0xC0  }
0xab: {  	_ =	task [dreg:s6], $0x5FFFF  }
0xac: {  	[dreg:$0x1] =	wrdreg $0xFFFFFFFF  }
0xad: {  	[dreg:$0x0] =	wrdreg $0x60  }
0xae: {  	[dreg:$0x2] =	wrdreg s24  }
0xaf: {  	[dreg:$0x3] =	wrdreg $0xB0000  }
0xb0: {  	[dreg:$0x4] =	wrdreg $0x9  }
0xb1: {  	_ =	task.clear_ibuf [dreg:s6], $0x5FFFF;
	_ =	strace $0x9000004F  }
0xb2: {  	s29 =	simm.s32 $0x9;
	_ =	strace $0x80000051  }
0xb3: {  	_ =	swait.ge [sflag:s29], $0x1  }
0xb4: {  	[sflag:s29] =	ssyncadd.s32 $0xFFFFFFFF  }
0xb5: {  	_ =	strace $0x90000051  }
0xb6: {  	_ =	sfence  }
0xb7: {  	s30 =	sld [smem:$0x0];
	_ =	sdelay $0x2  }
0xb8: {  	s31 =	sshll.u32 s1, $0xD;
	s1 =	sshrl.u32 s1, $0x2  }
0xb9: {  	s3 =	sand.u32 $0x4000, s31;
	s1 =	sadd.s32 s1, s30  }
0xba: {  	s0 =	sor.u32 s3, s0;
	s1 =	sshll.u32 s1, $0x11  }
0xbb: {  	s0 =	sor.u32 s1, s0  }
0xbc: {  	s0 =	sadd.s32 $0x8F2B, s0  }
0xbd: {  	[sflag:s0] =	ssyncadd.remote.s32 $0x1  }
0xbe: {  	_ =	sfence.sel $0xFFFF  }
0xbf: {  	[dreg:$0x0] =	wrdreg $0xFFFFFFFF;
	(pc) =	sbr.abs _section_cstart, $3  }
0xc0: {  	[dreg:$0x1] =	wrdreg $0xFFFFFFFF  }
0xc1: {  	_ =	task.clear_ibuf [dreg:s6], $0x2FFFF;
	_ =	strace $0x9FFFFFFF  }
0xc2: {  	(tm) =	ssettm $0x7FFFFFFF  }
0xc3: {  	_ =	shalt  }
tec
execute0_lowered:
.L_overlay_start_1:
0x0: {  	(tag) =	ssettag $0x1  }
0x1: {  	s1 =	srdreg.scid;
	s7 =	rddreg [dreg:$0x0]  }
0x2: {  	s0 =	stileid.u32;
	s2 =	rddreg [dreg:$0x1];
	s3 =	simm.s32 $0x0  }
0x3: {  	s15 =	simm.s32 $0x3000;
	s16 =	simm.s32 $0x2800;
	s17 =	simm.s32 $0x5000  }
0x4: {  	s18 =	simm.s32 $0x1;
	s19 =	simm.s32 $0x7000;
	s20 =	simm.s32 $0x2  }
0x5: {  	s21 =	simm.s32 $0x0;
	s6 =	sand.u32 $0x1, s1;
	s1 =	rddreg [dreg:$0x2]  }
0x6: {  	s30 =	sshll.u32 s0, $0x1;
	s9 =	smul.u32 $0x14000, s0;
	[smem:$0x7FF] =	sst s3  }
0x7: {  	s4 =	sadd.s32 $0x3F400, s7;
	s14 =	sshll.u32 s0, $0x6;
	s8 =	sor.u32 s6, s30  }
0x8: {  	s10 =	smul.u32 $0x140000, s6;
	_ =	strace $0x80000050;
	s12 =	ssub.s32 $0x2, s6  }
0x9: {  	s6 =	sadd.s32 $0x67400, s7;
	s5 =	smul.u32 $0x500, s8;
	s31 =	sshrl.u32 s12, $0x1  }
0xa: {  	s13 =	sadd.s32 s9, s2;
	s10 =	sadd.s32 s9, s10;
	s12 =	ssub.s32 s12, s31  }
0xb: {  	s13 =	sshrl.u32 s13, $0x3;
	s11 =	sadd.s32 s5, s7;
	s10 =	sshrl.u32 s10, $0x3  }
0xc: {  	s5 =	sadd.s32 $0xD400, s7;
	s10 =	sadd.s32 s10, s7;
	s7 =	smul.u32 $0x50, s8  }
0xd: {  	s8 =	sadd.s32 $0x6A400, s11;
	s11 =	simm.s32 $0x3;
	s9 =	sadd.s32 $0x74400, s10  }
0xe: {  	s10 =	smax.u32 s12, $0x1;
	s12 =	sor.u32 $0x1C03, s14;
	s14 =	simm.s32 $0x80  }
.LBB2_1:
0xf: {  	[tilespmem:s3], [sflag:$0x3] =	stream.linear.gather [hbm4b:s8+s3], $0x2800, $0x38;
	[tilespmem:$0x1F000] =	vst v63  }
0x10: {  	_ =	swait.ge [sflag:s11], $0x2800  }
0x11: {  	[sflag:s11] =	ssyncset.done $0x0  }
0x12: {  	[sflag:s11] =	ssyncadd.s32 $0xFFFFD800  }
0x13: {  	[spmem:s13], [sflag:s12] =	dma.local [hbm:s6], $0x2800  }
0x14: {  	_ =	swait.ge [sflag:s11], $0x2800  }
0x15: {  	[sflag:s11] =	ssyncset.done $0x0  }
0x16: {  	[sflag:s11] =	ssyncadd.s32 $0xFFFFD800  }
0x17: {  	s22 =	simm.s32 $0x0;
	[bflag:$0x0] =	sbarrier.arrive $0xFFFF  }
0x18: {  	[tilespmem:s15], [sflag:$0x1] =	stream.indirect.gather [hbm4b:s4+s14], $0x40, s3, s14, $0xb8;
	[tilespmem:$0x1F000] =	vst v63  }
.LBB2_2:
0x19: {  	s23 =	sshll.u32 s22, $0x4  }
0x1a: {  	s24 =	sadd.s32 s7, s23  }
0x1b: {  	s24 =	sshll.u32 s24, $0x4  }
0x1c: {  	s25 =	sadd.s32 s5, s24;
	s24 =	simm.s32 $0x0  }
0x1d: {  	[tilespmem:s16], [sflag:$0x3] =	stream.linear.gather [hbm4b:s25+s24], $0x800, $0x38;
	[tilespmem:$0x1F000] =	vst v63  }
0x1e: {  	_ =	swait.ge [sflag:s11], $0x800  }
0x1f: {  	[sflag:s11] =	ssyncset.done $0x0  }
0x20: {  	[sflag:s11] =	ssyncadd.s32 $0xFFFFF800  }
.LBB2_3:
0x21: {  	s25 =	sshll.u32 s24, $0x1  }
0x22: {  	s25 =	sadd.s32 s23, s25  }
0x23: {  	s26 =	sshll.u32 s25, $0x7  }
0x24: {  	s28 =	sand.u32 $0x3FFFFF80, s26  }
0x25: {  	s26 =	sadd.s32 $0x80, s28  }
0x26: {  	[tilespmem:s17], [sflag:$0x2] =	stream.indirect.gather [hbm4b:s4+s14], $0x40, s26, s14, $0xb8;
	[tilespmem:$0x1F000] =	vst v63  }
0x27: {  	_ =	swait.ge [sflag:s18], $0x2000  }
0x28: {  	[sflag:s18] =	ssyncset.done $0x0  }
0x29: {  	s29 =	simm.s32 $0x0;
	[sflag:s18] =	ssyncadd.s32 $0xFFFFE000  }
0x2a: {  	v0 =	vld [tilespmem:s29+$0x3000];
	_ =	sdelay $0x4  }
0x2b: {  	s26 =	simm.s32 $0x7040;
	v1 =	vshll.u32 v0, $0x10  }
0x2c: {  	v0 =	vand.u32 $0xFFFF0000, v0;
	[tilespmem:s26+$0xFFFFFFC0] =	vst v1  }
0x2d: {  	[tilespmem:s26+$0xFFFFFFD0] =	vst v0  }
0x2e: {  	v0 =	vld [tilespmem:s29+$0x3010];
	_ =	sdelay $0x4  }
0x2f: {  	v1 =	vshll.u32 v0, $0x10  }
0x30: {  	v0 =	vand.u32 $0xFFFF0000, v0;
	[tilespmem:s26+$0xFFFFFFE0] =	vst v1  }
0x31: {  	[tilespmem:s26+$0xFFFFFFF0] =	vst v0  }
0x32: {  	v0 =	vld [tilespmem:s29+$0x3020];
	_ =	sdelay $0x4  }
0x33: {  	v1 =	vand.u32 $0xFFFF0000, v0  }
0x34: {  	v0 =	vshll.u32 v0, $0x10;
	[tilespmem:s26+$0x10] =	vst v1  }
0x35: {  	[tilespmem:s26+$0x0] =	vst v0  }
0x36: {  	v0 =	vld [tilespmem:s29+$0x3030];
	_ =	sdelay $0x4  }
0x37: {  	v1 =	vshll.u32 v0, $0x10  }
0x38: {  	v0 =	vand.u32 $0xFFFF0000, v0;
	[tilespmem:s26+$0x20] =	vst v1  }
0x39: {  	s29 =	simm.s32 $0x40;
	[tilespmem:s26+$0x30] =	vst v0  }
0x3a: {  	v0 =	vld [tilespmem:s29+$0x3000]  }
0x3b: {  	s30 =	simm.s32 $0x200  }
.LBB2_4:
0x3c: {  	p0 =	sne.s32 s30, $0x7F00;
	_ =	sdelay $0x2  }
0x3d: {  	s26 =	sadd.s32 $0x80, s26;
	v1 =	vshll.u32 v0, $0x10  }
0x3e: {  	v0 =	vand.u32 $0xFFFF0000, v0;
	[tilespmem:s26+$0xFFFFFFC0] =	vst v1  }
0x3f: {  	[tilespmem:s26+$0xFFFFFFD0] =	vst v0  }
0x40: {  	v0 =	vld [tilespmem:s29+$0x3010];
	_ =	sdelay $0x4  }
0x41: {  	v1 =	vshll.u32 v0, $0x10  }
0x42: {  	v0 =	vand.u32 $0xFFFF0000, v0;
	[tilespmem:s26+$0xFFFFFFE0] =	vst v1  }
0x43: {  	[tilespmem:s26+$0xFFFFFFF0] =	vst v0  }
0x44: {  	v0 =	vld [tilespmem:s29+$0x3020];
	_ =	sdelay $0x4  }
0x45: {  	v1 =	vshll.u32 v0, $0x10;
	v0 =	vand.u32 $0xFFFF0000, v0  }
0x46: {  	[tilespmem:s26+$0x10] =	vst v0  }
0x47: {  	[tilespmem:s26+$0x0] =	vst v1  }
0x48: {  	v0 =	vld [tilespmem:s29+$0x3030];
	_ =	sdelay $0x4  }
.Ltmp0:
0x49: {  	v1 =	vshll.u32 v0, $0x10;
	v0 =	vand.u32 $0xFFFF0000, v0;
	(pc) =	sbr.rel @p0 .LBB2_4-.Ltmp0, $4  }
0x4a: {  	[tilespmem:s26+$0x20] =	vst v1  }
0x4b: {  	s29 =	sshra.s32 s30, $0x2;
	[tilespmem:s26+$0x30] =	vst v0  }
0x4c: {  	v0 =	vld [tilespmem:s29+$0x3000]  }
0x4d: {  	s30 =	sadd.s32 $0x100, s30  }
0x4e: {  	_ =	sdelay $0x2  }
0x4f: {  	s30 =	sadd.s32 $0x80, s26;
	v1 =	vshll.u32 v0, $0x10  }
0x50: {  	v0 =	vand.u32 $0xFFFF0000, v0;
	[tilespmem:s30+$0xFFFFFFC0] =	vst v1  }
0x51: {  	[tilespmem:s30+$0xFFFFFFD0] =	vst v0  }
0x52: {  	v0 =	vld [tilespmem:s29+$0x3010];
	_ =	sdelay $0x4  }
0x53: {  	v1 =	vshll.u32 v0, $0x10  }
0x54: {  	v0 =	vand.u32 $0xFFFF0000, v0;
	[tilespmem:s30+$0xFFFFFFE0] =	vst v1  }
0x55: {  	[tilespmem:s30+$0xFFFFFFF0] =	vst v0  }
0x56: {  	v0 =	vld [tilespmem:s29+$0x3020];
	_ =	sdelay $0x4  }
0x57: {  	v1 =	vand.u32 $0xFFFF0000, v0  }
0x58: {  	v0 =	vshll.u32 v0, $0x10;
	[tilespmem:s30+$0x10] =	vst v1  }
0x59: {  	[tilespmem:s30+$0x0] =	vst v0  }
0x5a: {  	v0 =	vld [tilespmem:s29+$0x3030];
	_ =	sdelay $0x4  }
0x5b: {  	s31 =	sshll.u32 s24, $0x8;
	v1 =	vshll.u32 v0, $0x10  }
0x5c: {  	s26 =	sand.u32 $0x3FFFFF00, s31;
	v0 =	vand.u32 $0xFFFF0000, v0;
	[tilespmem:s30+$0x20] =	vst v1  }
0x5d: {  	s29 =	sadd.s32 $0x2800, s26;
	[tilespmem:s30+$0x30] =	vst v0  }
0x5e: {  	[spmem:s2] =	stream.indirect.scatter.add.f32 [tilespmem:s19], [sflag:$0x3], $0x80, s29, s14, $0xb8;
	[tilespmem:$0x1F000] =	vst v63  }
0x5f: {  	p0 =	sgt.u32 s25, $0x4D;
	_ =	swait.ge [sflag:s11], $0x4000  }
0x60: {  	s25 =	sadd.s32 @!p0 $0x100, s28;
	[sflag:s11] =	ssyncset.done $0x0  }
0x61: {  	s28 =	simm.s32 @!p0 $0x80;
	s29 =	simm.s32 @!p0 $0x3000;
	[sflag:s11] =	ssyncadd.s32 $0xFFFFC000  }
0x62: {  	[tilespmem:s29], [sflag:$0x1] =	stream.indirect.gather @!p0 [hbm4b:s4+s28], $0x40, s25, s28, $0xb8;
	[tilespmem:$0x1F000] =	vst v63  }
0x63: {  	_ =	swait.ge [sflag:s20], $0x2000  }
0x64: {  	[sflag:s20] =	ssyncset.done $0x0  }
0x65: {  	s28 =	simm.s32 $0x0;
	[sflag:s20] =	ssyncadd.s32 $0xFFFFE000  }
0x66: {  	v0 =	vld [tilespmem:s28+$0x5000];
	_ =	sdelay $0x4  }
0x67: {  	s25 =	simm.s32 $0x7040;
	v1 =	vshll.u32 v0, $0x10  }
0x68: {  	v0 =	vand.u32 $0xFFFF0000, v0;
	[tilespmem:s25+$0xFFFFFFC0] =	vst v1  }
0x69: {  	[tilespmem:s25+$0xFFFFFFD0] =	vst v0  }
0x6a: {  	v0 =	vld [tilespmem:s28+$0x5010];
	_ =	sdelay $0x4  }
0x6b: {  	v1 =	vshll.u32 v0, $0x10  }
0x6c: {  	v0 =	vand.u32 $0xFFFF0000, v0;
	[tilespmem:s25+$0xFFFFFFE0] =	vst v1  }
0x6d: {  	[tilespmem:s25+$0xFFFFFFF0] =	vst v0  }
0x6e: {  	v0 =	vld [tilespmem:s28+$0x5020];
	_ =	sdelay $0x4  }
0x6f: {  	v1 =	vand.u32 $0xFFFF0000, v0  }
0x70: {  	v0 =	vshll.u32 v0, $0x10;
	[tilespmem:s25+$0x10] =	vst v1  }
0x71: {  	[tilespmem:s25+$0x0] =	vst v0  }
0x72: {  	v0 =	vld [tilespmem:s28+$0x5030];
	_ =	sdelay $0x4  }
0x73: {  	v1 =	vshll.u32 v0, $0x10  }
0x74: {  	v0 =	vand.u32 $0xFFFF0000, v0;
	[tilespmem:s25+$0x20] =	vst v1  }
0x75: {  	s28 =	simm.s32 $0x40;
	[tilespmem:s25+$0x30] =	vst v0  }
0x76: {  	v0 =	vld [tilespmem:s28+$0x5000]  }
0x77: {  	s29 =	simm.s32 $0x200  }
.LBB2_6:
0x78: {  	p0 =	sne.s32 s29, $0x7F00;
	_ =	sdelay $0x2  }
0x79: {  	s25 =	sadd.s32 $0x80, s25;
	v1 =	vshll.u32 v0, $0x10  }
0x7a: {  	v0 =	vand.u32 $0xFFFF0000, v0;
	[tilespmem:s25+$0xFFFFFFC0] =	vst v1  }
0x7b: {  	[tilespmem:s25+$0xFFFFFFD0] =	vst v0  }
0x7c: {  	v0 =	vld [tilespmem:s28+$0x5010];
	_ =	sdelay $0x4  }
0x7d: {  	v1 =	vshll.u32 v0, $0x10  }
0x7e: {  	v0 =	vand.u32 $0xFFFF0000, v0;
	[tilespmem:s25+$0xFFFFFFE0] =	vst v1  }
0x7f: {  	[tilespmem:s25+$0xFFFFFFF0] =	vst v0  }
0x80: {  	v0 =	vld [tilespmem:s28+$0x5020];
	_ =	sdelay $0x4  }
0x81: {  	v1 =	vshll.u32 v0, $0x10;
	v0 =	vand.u32 $0xFFFF0000, v0  }
0x82: {  	[tilespmem:s25+$0x10] =	vst v0  }
0x83: {  	[tilespmem:s25+$0x0] =	vst v1  }
0x84: {  	v0 =	vld [tilespmem:s28+$0x5030];
	_ =	sdelay $0x4  }
.Ltmp1:
0x85: {  	v1 =	vshll.u32 v0, $0x10;
	v0 =	vand.u32 $0xFFFF0000, v0;
	(pc) =	sbr.rel @p0 .LBB2_6-.Ltmp1, $4  }
0x86: {  	[tilespmem:s25+$0x20] =	vst v1  }
0x87: {  	s28 =	sshra.s32 s29, $0x2;
	[tilespmem:s25+$0x30] =	vst v0  }
0x88: {  	v0 =	vld [tilespmem:s28+$0x5000]  }
0x89: {  	s29 =	sadd.s32 $0x100, s29  }
0x8a: {  	_ =	sdelay $0x2  }
0x8b: {  	s25 =	sadd.s32 $0x80, s25;
	v1 =	vshll.u32 v0, $0x10  }
0x8c: {  	v60 =	vand.u32 $0xFFFF0000, v0;
	[tilespmem:s25+$0xFFFFFFC0] =	vst v1  }
0x8d: {  	[tilespmem:s25+$0xFFFFFFD0] =	vst v60  }
0x8e: {  	v0 =	vld [tilespmem:s28+$0x5010];
	_ =	sdelay $0x4  }
0x8f: {  	v61 =	vshll.u32 v0, $0x10  }
0x90: {  	v0 =	vand.u32 $0xFFFF0000, v0;
	[tilespmem:s25+$0xFFFFFFE0] =	vst v61  }
0x91: {  	[tilespmem:s25+$0xFFFFFFF0] =	vst v0  }
0x92: {  	v0 =	vld [tilespmem:s28+$0x5020];
	_ =	sdelay $0x4  }
0x93: {  	v62 =	vand.u32 $0xFFFF0000, v0  }
0x94: {  	v0 =	vshll.u32 v0, $0x10;
	[tilespmem:s25+$0x10] =	vst v62  }
0x95: {  	[tilespmem:s25+$0x0] =	vst v0  }
0x96: {  	v0 =	vld [tilespmem:s28+$0x5030];
	_ =	sdelay $0x4  }
0x97: {  	s24 =	sadd.s32 $0x1, s24;
	v63 =	vshll.u32 v0, $0x10  }
0x98: {  	p0 =	sne.s32 s24, $0x8;
	v0 =	vand.u32 $0xFFFF0000, v0;
	[tilespmem:s25+$0x20] =	vst v63  }
.Ltmp2:
0x99: {  	s31 =	sadd.s32 $0x2880, s26;
	[tilespmem:s25+$0x30] =	vst v0;
	(pc) =	sbr.rel @p0 .LBB2_3-.Ltmp2, $4  }
0x9a: {  	[spmem:s2] =	stream.indirect.scatter.add.f32 [tilespmem:s19], [sflag:$0x3], $0x80, s31, s14, $0xb8;
	[tilespmem:$0x1F000] =	vst v63  }
0x9b: {  	_ =	swait.ge [sflag:s11], $0x4000  }
0x9c: {  	[sflag:s11] =	ssyncset.done $0x0  }
0x9d: {  	[sflag:s11] =	ssyncadd.s32 $0xFFFFC000  }
0x9e: {  	s22 =	sadd.s32 $0x1, s22  }
0x9f: {  	p0 =	sne.s32 s22, $0x5  }
.Ltmp3:
0xa0: {  	_ = 	snop;
	(pc) =	sbr.rel @p0 .LBB2_2-.Ltmp3, $1  }
0xa1: {  	_ =	sdelay $0x3  }
0xa2: {  	s21 =	sadd.s32 $0x1, s21  }
0xa3: {  	p0 =	sne.s32 s21, s10  }
.Ltmp4:
0xa4: {  	[bflag:$0x0] =	sbarrier.arrive $0xFFFF;
	(pc) =	sbr.rel @p0 .LBB2_1-.Ltmp4, $4  }
0xa5: {  	[hbm:s9], [sflag:s12] =	dma.local [spmem:s13], $0x2800  }
0xa6: {  	_ =	swait.ge [sflag:s11], $0x2800  }
0xa7: {  	[sflag:s11] =	ssyncset.done $0x0  }
0xa8: {  	[sflag:s11] =	ssyncadd.s32 $0xFFFFD800  }
0xa9: {  	_ =	sfence.sel $0x180000  }
0xaa: {  	[bflag:$0x0] =	sbarrier.arrive $0xFFFF  }
0xab: {  	p0 =	sne.s32 s0, $0x0;
	_ =	strace $0x90000050  }
0xac: {  	s0 =	sadd.s32 @!p0 $0x100000, s1;
	[bflag:$0x2] =	sbarrier.arrive $0xFFFF  }
0xad: {  	[sflag:s0] =	ssyncadd.tile.s32 @!p0 $0x1;
	_ =	shalt  }
.Lfunc_end2:
_tile_overlayer_lowered:
.L_overlay_start_2:
0xae: {  	(tag) =	ssettag $0x2  }
0xaf: {  	s0 =	rddreg [dreg:$0x0];
	s2 =	stileid.u32  }
0xb0: {  	s1 =	rddreg [dreg:$0x1];
	p0 =	sne.s32 s2, $0x0  }
0xb1: {  	s3 =	rddreg [dreg:$0x2];
	[bflag:$0x3] =	sbarrier.arrive $0xFFFF;
	s2 =	simm.s32 @!p0 $0x1C03  }
0xb2: {  	[timem:s3], [sflag:s2] =	dma.local @!p0 [hbm:s0], s1  }
0xb3: {  	s0 =	simm.s32 @!p0 $0x3  }
0xb4: {  	_ =	swait.ge @!p0 [sflag:s0], s1  }
0xb5: {  	s1 =	ssub.s32 @!p0 $0x0, s1;
	[sflag:s0] =	ssyncset.done @!p0 $0x0  }
0xb6: {  	[sflag:s0] =	ssyncadd.s32 @!p0 s1  }
0xb7: {  	[bflag:$0x3] =	sbarrier.arrive $0xFFFF  }
0xb8: {  	_ =	shalt  }

</sc_bundles>
